<compile_context>
chip_gen: v7x
topology: tpu7x:2x2x1
jax: 0.10.2.dev20260603
libtpu: 0.0.44.dev20260713+nightly
codegen_flags: <defaults>
</compile_context>

<pallas_src>
import functools

import jax
import jax.numpy as jnp
from jax import lax
from jax.experimental import pallas as pl
from jax.experimental.pallas import tpu as pltpu
from jax.experimental.pallas import tpu_sc as plsc

_N = 10000
_E = 320000
_F = 128
_G = 128
_C = 10

_NC = 2
_NS = 16
_NW = _NC * _NS
_N_PAD = 10240
_RPT = _N_PAD // _NS
_EPW = _E // _NW
_K = 80
_CH = _EPW // _K
_ZR = 80


def _agg_body(h_hbm, src_hbm, dst_hbm, out_hbm,
              src_all, rows0, rows1, rows2, dst0, dst1, dst2,
              acc_sh, gsem0, gsem1, gsem2, ssem0, ssem1, ssem2,
              dsem0, dsem1, dsem2, zsem):
    c = lax.axis_index("c")
    s = lax.axis_index("s")
    wid = s * _NC + c
    ebase = wid * _EPW
    rows_b = (rows0, rows1, rows2)
    dst_b = (dst0, dst1, dst2)
    gsem_b = (gsem0, gsem1, gsem2)
    ssem_b = (ssem0, ssem1, ssem2)
    dsem_b = (dsem0, dsem1, dsem2)

    def start_gather(ch, b):
        pltpu.async_copy(dst_hbm.at[pl.ds(ebase + ch * _K, _K)],
                         dst_b[b], dsem_b[b])
        pltpu.async_copy(h_hbm.at[src_all.at[pl.ds(ch * _K, _K)]],
                         rows_b[b], gsem_b[b])

    def wait_gather(ch, b):
        pltpu.make_async_copy(dst_hbm.at[pl.ds(ebase + ch * _K, _K)],
                              dst_b[b], dsem_b[b]).wait()
        pltpu.make_async_copy(h_hbm.at[src_all.at[pl.ds(ch * _K, _K)]],
                              rows_b[b], gsem_b[b]).wait()

    def start_scatter(ch, b):
        pltpu.async_copy(rows_b[b], acc_sh.at[dst_b[b]], ssem_b[b],
                         add=True)

    def wait_scatter(b):
        pltpu.make_async_copy(rows_b[b], acc_sh.at[dst_b[b]],
                              ssem_b[b]).wait()

    pltpu.sync_copy(src_hbm.at[pl.ds(ebase, _EPW)], src_all)

    start_gather(0, 0)
    start_gather(1, 1)

    def zrow(r, carry):
        for cc in range(_F // 16):
            rows2[r, pl.ds(cc * 16, 16)] = jnp.zeros((16,), jnp.float32)
        return carry

    lax.fori_loop(0, _ZR, zrow, 0)
    nz = _RPT // _ZR
    for k in range(nz - 1):
        pltpu.async_copy(rows2, acc_sh.at[pl.ds(s * _RPT + k * _ZR, _ZR)],
                         zsem)
    pltpu.async_copy(rows2, acc_sh.at[pl.ds(s * _RPT + (nz - 1) * _ZR, _ZR)],
                     ssem2)
    for k in range(nz - 1):
        pltpu.make_async_copy(rows2,
                              acc_sh.at[pl.ds(s * _RPT + k * _ZR, _ZR)],
                              zsem).wait()
    plsc.subcore_barrier()

    def trip(g, carry):
        for j in range(3):
            ch = g * 3 + j
            bn = (j + 2) % 3
            wait_scatter(bn)
            start_gather(ch + 2, bn)
            wait_gather(ch, j)
            start_scatter(ch, j)
        return carry

    lax.fori_loop(0, (_CH - 2) // 3, trip, 0)
    for ch in (_CH - 2, _CH - 1):
        j = ch % 3
        wait_gather(ch, j)
        start_scatter(ch, j)
    for j in range(3):
        wait_scatter(j)
    plsc.subcore_barrier()

    pltpu.sync_copy(
        acc_sh.at[pl.ds(s * _RPT, _RPT)],
        out_hbm.at[pl.ds(c * _N_PAD + s * _RPT, _RPT)],
    )


@functools.cache
def _make_agg():
    mesh = plsc.VectorSubcoreMesh(
        core_axis_name="c", subcore_axis_name="s",
        num_cores=_NC, num_subcores=_NS)
    return pl.kernel(
        _agg_body,
        mesh=mesh,
        out_type=jax.ShapeDtypeStruct((_NC * _N_PAD, _F), jnp.float32),
        scratch_types=[
            pltpu.VMEM((_EPW,), jnp.int32),
            pltpu.VMEM((_K, _F), jnp.float32),
            pltpu.VMEM((_K, _F), jnp.float32),
            pltpu.VMEM((_K, _F), jnp.float32),
            pltpu.VMEM((_K,), jnp.int32),
            pltpu.VMEM((_K,), jnp.int32),
            pltpu.VMEM((_K,), jnp.int32),
            pltpu.VMEM_SHARED((_N_PAD, _F), jnp.float32),
        ] + [pltpu.SemaphoreType.DMA] * 10,
    )


def _agg(h, src, dst):
    return _make_agg()(h, src, dst)


_BLK = 2000


def _mlp_body(h_ref, p_ref, w1_ref, b1_ref, w2_ref, b2_ref, o_ref):
    t = h_ref[...] + p_ref[0] + p_ref[1]
    a = jnp.maximum(
        jnp.dot(t, w1_ref[...], preferred_element_type=jnp.float32) + b1_ref[...], 0.0)
    o_ref[...] = jnp.maximum(
        jnp.dot(a, w2_ref[...], preferred_element_type=jnp.float32) + b2_ref[...], 0.0)


def _mlp_pool_head_body(h_ref, p_ref, w1_ref, b1_ref, w2_ref, b2_ref, bat_ref,
                        f1w_ref, f1b_ref, f2w_ref, f2b_ref, o_ref, pool_ref):
    i = pl.program_id(0)
    t = h_ref[...] + p_ref[0] + p_ref[1]
    a = jnp.maximum(
        jnp.dot(t, w1_ref[...], preferred_element_type=jnp.float32) + b1_ref[...], 0.0)
    o = jnp.maximum(
        jnp.dot(a, w2_ref[...], preferred_element_type=jnp.float32) + b2_ref[...], 0.0)
    onehot = (bat_ref[...] == lax.broadcasted_iota(jnp.int32, (_BLK, _G), 1)
              ).astype(jnp.float32)
    contrib = lax.dot_general(onehot, o, (((0,), (0,)), ((), ())),
                              preferred_element_type=jnp.float32)

    @pl.when(i == 0)
    def _():
        pool_ref[...] = jnp.zeros_like(pool_ref)

    pool_ref[...] += contrib

    @pl.when(i == _N // _BLK - 1)
    def _():
        ah = jnp.maximum(
            jnp.dot(pool_ref[...], f1w_ref[...],
                    preferred_element_type=jnp.float32) + f1b_ref[...], 0.0)
        logits = jnp.dot(ah, f2w_ref[...],
                         preferred_element_type=jnp.float32) + f2b_ref[...]
        m = jnp.max(logits, axis=-1, keepdims=True)
        lse = jnp.log(jnp.sum(jnp.exp(logits - m), axis=-1, keepdims=True)) + m
        o_ref[...] = logits - lse


def _run_mlp(h, part3, w1, b1, w2, b2):
    grid = (_N // _BLK,)
    return pl.pallas_call(
        _mlp_body,
        grid=grid,
        in_specs=[
            pl.BlockSpec((_BLK, _F), lambda i: (i, 0)),
            pl.BlockSpec((_NC, _BLK, _F), lambda i: (0, i, 0)),
            pl.BlockSpec((_F, _F), lambda i: (0, 0)),
            pl.BlockSpec((1, _F), lambda i: (0, 0)),
            pl.BlockSpec((_F, _F), lambda i: (0, 0)),
            pl.BlockSpec((1, _F), lambda i: (0, 0)),
        ],
        out_specs=pl.BlockSpec((_BLK, _F), lambda i: (i, 0)),
        out_shape=jax.ShapeDtypeStruct((_N, _F), jnp.float32),
    )(h, part3, w1, b1.reshape(1, _F), w2, b2.reshape(1, _F))


def _run_mlp_pool_head(h, part3, w1, b1, w2, b2, bat2,
                       fc1_w, fc1_b, fc2_wp, fc2_bp):
    grid = (_N // _BLK,)
    return pl.pallas_call(
        _mlp_pool_head_body,
        grid=grid,
        in_specs=[
            pl.BlockSpec((_BLK, _F), lambda i: (i, 0)),
            pl.BlockSpec((_NC, _BLK, _F), lambda i: (0, i, 0)),
            pl.BlockSpec((_F, _F), lambda i: (0, 0)),
            pl.BlockSpec((1, _F), lambda i: (0, 0)),
            pl.BlockSpec((_F, _F), lambda i: (0, 0)),
            pl.BlockSpec((1, _F), lambda i: (0, 0)),
            pl.BlockSpec((_BLK, 1), lambda i: (i, 0)),
            pl.BlockSpec((_F, _F), lambda i: (0, 0)),
            pl.BlockSpec((1, _F), lambda i: (0, 0)),
            pl.BlockSpec((_F, _F), lambda i: (0, 0)),
            pl.BlockSpec((1, _F), lambda i: (0, 0)),
        ],
        out_specs=pl.BlockSpec((_G, _F), lambda i: (0, 0)),
        out_shape=jax.ShapeDtypeStruct((_G, _F), jnp.float32),
        scratch_shapes=[pltpu.VMEM((_G, _F), jnp.float32)],
    )(h, part3, w1, b1.reshape(1, _F), w2, b2.reshape(1, _F), bat2,
      fc1_w, fc1_b.reshape(1, _F), fc2_wp, fc2_bp.reshape(1, _F))


def kernel(x, edge_index, batch,
           gin0_W1, gin0_b1, gin0_W2, gin0_b2,
           gin1_W1, gin1_b1, gin1_W2, gin1_b2,
           gin2_W1, gin2_b1, gin2_W2, gin2_b2,
           fc1_W, fc1_b, fc2_W, fc2_b):
    src = edge_index[0]
    dst = edge_index[1]
    bat2 = batch.reshape(_N, 1)
    fc2_wp = jnp.pad(fc2_W, ((0, 0), (0, _F - _C)))
    fc2_bp = jnp.pad(fc2_b, (0, _F - _C), constant_values=-1e30)

    layers = [(gin0_W1, gin0_b1, gin0_W2, gin0_b2),
              (gin1_W1, gin1_b1, gin1_W2, gin1_b2),
              (gin2_W1, gin2_b1, gin2_W2, gin2_b2)]

    h = x
    for li, (w1, b1, w2, b2) in enumerate(layers):
        part = _agg(h, src, dst)
        part3 = part.reshape(_NC, _N_PAD, _F)
        if li < 2:
            h = _run_mlp(h, part3, w1, b1, w2, b2)
        else:
            out = _run_mlp_pool_head(h, part3, w1, b1, w2, b2, bat2,
                                     fc1_W, fc1_b, fc2_wp, fc2_bp)

    return out[:, :_C]

# --- scband reference (transcript-rebuilt; emitter-appended) ---
"""Pipeline reference for scband-gin-12936441495645 (READ-ONLY COPY).

The authoritative reference and input builder live on the scoring server;
editing this copy changes nothing except your own understanding.
"""

import jax, jax.numpy as jnp
import numpy as np

N = 10000
E = 320000
F_IN = 128
H = 128
C = 10
G = 128


def setup_inputs(seed: int = 0) -> dict:
    key = jax.random.key(seed)
    ks = jax.random.split(key, 16)
    inp = {}
    inp['x'] = jax.random.normal(ks[0], (N, F_IN), dtype=jnp.float32)
    inp['edge_index'] = jax.random.randint(ks[1], (2, E), 0, N, dtype=jnp.int32)
    inp['batch'] = jnp.sort(jax.random.randint(ks[2], (N,), 0, G, dtype=jnp.int32))
    dims = [(F_IN, H), (H, H), (H, H)]
    k = 3
    for i, (din, dh) in enumerate(dims):
        inp[f'gin{i}_W1'] = jax.random.normal(ks[k], (din, dh), dtype=jnp.float32) * 0.05; k += 1
        inp[f'gin{i}_b1'] = jnp.zeros((dh,), dtype=jnp.float32)
        inp[f'gin{i}_W2'] = jax.random.normal(ks[k], (dh, dh), dtype=jnp.float32) * 0.05; k += 1
        inp[f'gin{i}_b2'] = jnp.zeros((dh,), dtype=jnp.float32)
    inp['fc1_W'] = jax.random.normal(ks[k], (H, H), dtype=jnp.float32) * 0.05; k += 1
    inp['fc1_b'] = jnp.zeros((H,), dtype=jnp.float32)
    inp['fc2_W'] = jax.random.normal(ks[k], (H, C), dtype=jnp.float32) * 0.05; k += 1
    inp['fc2_b'] = jnp.zeros((C,), dtype=jnp.float32)
    return inp


def _gin_conv(x, edge_index, W1, b1, W2, b2):
    src = edge_index[0]
    dst = edge_index[1]
    # scatter-add aggregation of neighbor features (sum aggregator, eps=0)
    agg = jnp.zeros_like(x).at[dst].add(x[src])
    h = x + agg  # (1 + eps) * x + sum_j x_j with eps=0
    h = jnp.maximum(h @ W1 + b1, 0.0)
    h = h @ W2 + b2
    return h


def reference(x, edge_index, batch,
              gin0_W1, gin0_b1, gin0_W2, gin0_b2,
              gin1_W1, gin1_b1, gin1_W2, gin1_b2,
              gin2_W1, gin2_b1, gin2_W2, gin2_b2,
              fc1_W, fc1_b, fc2_W, fc2_b):
    layers = [(gin0_W1, gin0_b1, gin0_W2, gin0_b2),
              (gin1_W1, gin1_b1, gin1_W2, gin1_b2),
              (gin2_W1, gin2_b1, gin2_W2, gin2_b2)]
    h = x
    for (W1, b1, W2, b2) in layers:
        h = jnp.maximum(_gin_conv(h, edge_index, W1, b1, W2, b2), 0.0)
    pooled = jax.ops.segment_sum(h, batch, num_segments=G)
    out = jnp.maximum(pooled @ fc1_W + fc1_b, 0.0)
    # dropout is identity in eval mode
    logits = out @ fc2_W + fc2_b
    return jax.nn.log_softmax(logits, axis=-1)

if __name__ == "__main__":
    import jax
    _d = setup_inputs()
    print(jax.jit(kernel)(*tuple(_d.values())))

</pallas_src>

<mosaic_0001>
#map = affine_map<(d0, d1) -> (0, 0)>
#map1 = affine_map<(d0, d1) -> (0)>
module attributes {stable_mosaic.version = 14 : i64} {
  func.func @_agg_body(%arg0: i32, %arg1: i32, %arg2: memref<10000x128xf32, #tpu.memory_space<hbm>>, %arg3: memref<320000xi32, #tpu.memory_space<hbm>>, %arg4: memref<320000xi32, #tpu.memory_space<hbm>>, %arg5: memref<20480x128xf32, #tpu.memory_space<hbm>>, %arg6: memref<10000xi32, #tpu.memory_space<vmem>>, %arg7: memref<80x128xf32, #tpu.memory_space<vmem>>, %arg8: memref<80x128xf32, #tpu.memory_space<vmem>>, %arg9: memref<80x128xf32, #tpu.memory_space<vmem>>, %arg10: memref<80xi32, #tpu.memory_space<vmem>>, %arg11: memref<80xi32, #tpu.memory_space<vmem>>, %arg12: memref<80xi32, #tpu.memory_space<vmem>>, %arg13: memref<10240x128xf32, #tpu.memory_space<vmem_shared>>, %arg14: memref<!tpu.dma_semaphore, #tpu.memory_space<semaphore_mem>>, %arg15: memref<!tpu.dma_semaphore, #tpu.memory_space<semaphore_mem>>, %arg16: memref<!tpu.dma_semaphore, #tpu.memory_space<semaphore_mem>>, %arg17: memref<!tpu.dma_semaphore, #tpu.memory_space<semaphore_mem>>, %arg18: memref<!tpu.dma_semaphore, #tpu.memory_space<semaphore_mem>>, %arg19: memref<!tpu.dma_semaphore, #tpu.memory_space<semaphore_mem>>, %arg20: memref<!tpu.dma_semaphore, #tpu.memory_space<semaphore_mem>>, %arg21: memref<!tpu.dma_semaphore, #tpu.memory_space<semaphore_mem>>, %arg22: memref<!tpu.dma_semaphore, #tpu.memory_space<semaphore_mem>>, %arg23: memref<!tpu.dma_semaphore, #tpu.memory_space<semaphore_mem>>) attributes {dimension_semantics = [#tpu.dimension_semantics<core_parallel>, #tpu.dimension_semantics<subcore_parallel>], iteration_bounds = array<i64: 2, 16>, scalar_prefetch = 0 : i64, scratch_operands = 18 : i64, tpu.core_type = #tpu.core_type<sc_vector_subcore>, window_params = [{transform_indices = #map}, {transform_indices = #map1}, {transform_indices = #map1}, {transform_indices = #map}]} {
    %mul3A = arith.constant 2 : i32
    %mul3A_0 = arith.muli %arg1, %mul3A : i32
    %add3A = arith.addi %mul3A_0, %arg0 : i32
    %mul3A_1 = arith.constant 10000 : i32
    %mul3A_2 = arith.muli %add3A, %mul3A_1 : i32
    "tpu.region"() ({
      %run_scoped3A = tpu.sem_alloc : memref<!tpu.dma_semaphore, #tpu.memory_space<semaphore_mem>>
      %dma_start3A_191 = tpu.memref_slice %arg3[%mul3A_2] : memref<320000xi32, #tpu.memory_space<hbm>> -> memref<10000xi32, #tpu.memory_space<hbm>>
      %dma_start3A_192 = tpu.memref_slice %arg3[%mul3A_2] : memref<320000xi32, #tpu.memory_space<hbm>> -> memref<10000xi32, #tpu.memory_space<hbm>>
      tpu.enqueue_dma source(%dma_start3A_192 : memref<10000xi32, #tpu.memory_space<hbm>>) target(%arg6 : memref<10000xi32, #tpu.memory_space<vmem>>) target_semaphore(%run_scoped3A : memref<!tpu.dma_semaphore, #tpu.memory_space<semaphore_mem>>)
      %dma_wait3A_193 = tpu.memref_slice %arg3[%mul3A_2] : memref<320000xi32, #tpu.memory_space<hbm>> -> memref<10000xi32, #tpu.memory_space<hbm>>
      %dma_wait3A_194 = tpu.memref_slice %arg3[%mul3A_2] : memref<320000xi32, #tpu.memory_space<hbm>> -> memref<10000xi32, #tpu.memory_space<hbm>>
      tpu.wait_dma2 semaphore(%run_scoped3A : memref<!tpu.dma_semaphore, #tpu.memory_space<semaphore_mem>>) src(%dma_wait3A_194 : memref<10000xi32, #tpu.memory_space<hbm>>) dst(%arg6 : memref<10000xi32, #tpu.memory_space<vmem>>)
      tpu.yield
    }) : () -> ()
    %add3A_3 = arith.constant 0 : i32
    %add3A_4 = arith.addi %mul3A_2, %add3A_3 : i32
    %dma_start3A = tpu.memref_slice %arg4[%add3A_4] : memref<320000xi32, #tpu.memory_space<hbm>> -> memref<80xi32, #tpu.memory_space<hbm>>
    %dma_start3A_5 = tpu.memref_slice %arg4[%add3A_4] : memref<320000xi32, #tpu.memory_space<hbm>> -> memref<80xi32, #tpu.memory_space<hbm>>
    tpu.enqueue_dma source(%dma_start3A_5 : memref<80xi32, #tpu.memory_space<hbm>>) target(%arg10 : memref<80xi32, #tpu.memory_space<vmem>>) target_semaphore(%arg20 : memref<!tpu.dma_semaphore, #tpu.memory_space<semaphore_mem>>)
    %dma_start3A_6 = arith.constant 0 : i32
    %dma_start3A_7 = tpu.memref_slice %arg6[%dma_start3A_6] : memref<10000xi32, #tpu.memory_space<vmem>> -> memref<80xi32, #tpu.memory_space<vmem>>
    %dma_start3A_8 = arith.constant 0 : i32
    %dma_start3A_9 = arith.constant 0 : i32
    %dma_start3A_10 = tpu.memref_slice %arg2[%dma_start3A_8, %dma_start3A_9] : memref<10000x128xf32, #tpu.memory_space<hbm>> -> memref<10000x128xf32, #tpu.memory_space<hbm>>
    tpu.enqueue_indirect_dma source(%dma_start3A_10 : memref<10000x128xf32, #tpu.memory_space<hbm>>) target(%arg7 : memref<80x128xf32, #tpu.memory_space<vmem>>) offsets(%dma_start3A_7 : memref<80xi32, #tpu.memory_space<vmem>>) semaphore(%arg14 : memref<!tpu.dma_semaphore, #tpu.memory_space<semaphore_mem>>)
    %add3A_11 = arith.constant 80 : i32
    %add3A_12 = arith.addi %mul3A_2, %add3A_11 : i32
    %dma_start3A_13 = tpu.memref_slice %arg4[%add3A_12] : memref<320000xi32, #tpu.memory_space<hbm>> -> memref<80xi32, #tpu.memory_space<hbm>>
    %dma_start3A_14 = tpu.memref_slice %arg4[%add3A_12] : memref<320000xi32, #tpu.memory_space<hbm>> -> memref<80xi32, #tpu.memory_space<hbm>>
    tpu.enqueue_dma source(%dma_start3A_14 : memref<80xi32, #tpu.memory_space<hbm>>) target(%arg11 : memref<80xi32, #tpu.memory_space<vmem>>) target_semaphore(%arg21 : memref<!tpu.dma_semaphore, #tpu.memory_space<semaphore_mem>>)
    %dma_start3A_15 = arith.constant 80 : i32
    %dma_start3A_16 = tpu.memref_slice %arg6[%dma_start3A_15] : memref<10000xi32, #tpu.memory_space<vmem>> -> memref<80xi32, #tpu.memory_space<vmem>>
    %dma_start3A_17 = arith.constant 0 : i32
    %dma_start3A_18 = arith.constant 0 : i32
    %dma_start3A_19 = tpu.memref_slice %arg2[%dma_start3A_17, %dma_start3A_18] : memref<10000x128xf32, #tpu.memory_space<hbm>> -> memref<10000x128xf32, #tpu.memory_space<hbm>>
    tpu.enqueue_indirect_dma source(%dma_start3A_19 : memref<10000x128xf32, #tpu.memory_space<hbm>>) target(%arg8 : memref<80x128xf32, #tpu.memory_space<vmem>>) offsets(%dma_start3A_16 : memref<80xi32, #tpu.memory_space<vmem>>) semaphore(%arg15 : memref<!tpu.dma_semaphore, #tpu.memory_space<semaphore_mem>>)
    %scan3A = arith.constant 0 : i32
    %scan3A_20 = arith.constant 0 : i32
    %scan3A_21 = arith.constant 80 : i32
    %scan3A_22 = arith.addi %scan3A_20, %scan3A_21 : i32
    %scan3A_23 = arith.constant 1 : i32
    scf.for %scan3A_191 = %scan3A_20 to %scan3A_22 step %scan3A_23  : i32 {
      %broadcast_in_dim3A = arith.constant 0.000000e+00 : f32
      %broadcast_in_dim3A_192 = vector.broadcast %broadcast_in_dim3A : f32 to vector<16xf32>
      %swap3A = arith.index_cast %scan3A_191 : i32 to index
      %swap3A_193 = arith.constant 0 : index
      %swap3A_194 = tpu.vector_load %arg9[%swap3A, %swap3A_193] {strides = array<i32>} : memref<80x128xf32, #tpu.memory_space<vmem>>, vector<1x16xf32>,
      %swap3A_195 = vector.shape_cast %swap3A_194 : vector<1x16xf32> to vector<16xf32>
      %swap3A_196 = vector.shape_cast %broadcast_in_dim3A_192 : vector<16xf32> to vector<1x16xf32>
      tpu.vector_store %arg9[%swap3A, %swap3A_193], %swap3A_196 {strides = array<i32>} : memref<80x128xf32, #tpu.memory_space<vmem>>, vector<1x16xf32>,
      %broadcast_in_dim3A_197 = arith.constant 0.000000e+00 : f32
      %broadcast_in_dim3A_198 = vector.broadcast %broadcast_in_dim3A_197 : f32 to vector<16xf32>
      %swap3A_199 = arith.index_cast %scan3A_191 : i32 to index
      %swap3A_200 = arith.constant 16 : index
      %swap3A_201 = tpu.vector_load %arg9[%swap3A_199, %swap3A_200] {strides = array<i32>} : memref<80x128xf32, #tpu.memory_space<vmem>>, vector<1x16xf32>,
      %swap3A_202 = vector.shape_cast %swap3A_201 : vector<1x16xf32> to vector<16xf32>
      %swap3A_203 = vector.shape_cast %broadcast_in_dim3A_198 : vector<16xf32> to vector<1x16xf32>
      tpu.vector_store %arg9[%swap3A_199, %swap3A_200], %swap3A_203 {strides = array<i32>} : memref<80x128xf32, #tpu.memory_space<vmem>>, vector<1x16xf32>,
      %broadcast_in_dim3A_204 = arith.constant 0.000000e+00 : f32
      %broadcast_in_dim3A_205 = vector.broadcast %broadcast_in_dim3A_204 : f32 to vector<16xf32>
      %swap3A_206 = arith.index_cast %scan3A_191 : i32 to index
      %swap3A_207 = arith.constant 32 : index
      %swap3A_208 = tpu.vector_load %arg9[%swap3A_206, %swap3A_207] {strides = array<i32>} : memref<80x128xf32, #tpu.memory_space<vmem>>, vector<1x16xf32>,
      %swap3A_209 = vector.shape_cast %swap3A_208 : vector<1x16xf32> to vector<16xf32>
      %swap3A_210 = vector.shape_cast %broadcast_in_dim3A_205 : vector<16xf32> to vector<1x16xf32>
      tpu.vector_store %arg9[%swap3A_206, %swap3A_207], %swap3A_210 {strides = array<i32>} : memref<80x128xf32, #tpu.memory_space<vmem>>, vector<1x16xf32>,
      %broadcast_in_dim3A_211 = arith.constant 0.000000e+00 : f32
      %broadcast_in_dim3A_212 = vector.broadcast %broadcast_in_dim3A_211 : f32 to vector<16xf32>
      %swap3A_213 = arith.index_cast %scan3A_191 : i32 to index
      %swap3A_214 = arith.constant 48 : index
      %swap3A_215 = tpu.vector_load %arg9[%swap3A_213, %swap3A_214] {strides = array<i32>} : memref<80x128xf32, #tpu.memory_space<vmem>>, vector<1x16xf32>,
      %swap3A_216 = vector.shape_cast %swap3A_215 : vector<1x16xf32> to vector<16xf32>
      %swap3A_217 = vector.shape_cast %broadcast_in_dim3A_212 : vector<16xf32> to vector<1x16xf32>
      tpu.vector_store %arg9[%swap3A_213, %swap3A_214], %swap3A_217 {strides = array<i32>} : memref<80x128xf32, #tpu.memory_space<vmem>>, vector<1x16xf32>,
      %broadcast_in_dim3A_218 = arith.constant 0.000000e+00 : f32
      %broadcast_in_dim3A_219 = vector.broadcast %broadcast_in_dim3A_218 : f32 to vector<16xf32>
      %swap3A_220 = arith.index_cast %scan3A_191 : i32 to index
      %swap3A_221 = arith.constant 64 : index
      %swap3A_222 = tpu.vector_load %arg9[%swap3A_220, %swap3A_221] {strides = array<i32>} : memref<80x128xf32, #tpu.memory_space<vmem>>, vector<1x16xf32>,
      %swap3A_223 = vector.shape_cast %swap3A_222 : vector<1x16xf32> to vector<16xf32>
      %swap3A_224 = vector.shape_cast %broadcast_in_dim3A_219 : vector<16xf32> to vector<1x16xf32>
      tpu.vector_store %arg9[%swap3A_220, %swap3A_221], %swap3A_224 {strides = array<i32>} : memref<80x128xf32, #tpu.memory_space<vmem>>, vector<1x16xf32>,
      %broadcast_in_dim3A_225 = arith.constant 0.000000e+00 : f32
      %broadcast_in_dim3A_226 = vector.broadcast %broadcast_in_dim3A_225 : f32 to vector<16xf32>
      %swap3A_227 = arith.index_cast %scan3A_191 : i32 to index
      %swap3A_228 = arith.constant 80 : index
      %swap3A_229 = tpu.vector_load %arg9[%swap3A_227, %swap3A_228] {strides = array<i32>} : memref<80x128xf32, #tpu.memory_space<vmem>>, vector<1x16xf32>,
      %swap3A_230 = vector.shape_cast %swap3A_229 : vector<1x16xf32> to vector<16xf32>
      %swap3A_231 = vector.shape_cast %broadcast_in_dim3A_226 : vector<16xf32> to vector<1x16xf32>
      tpu.vector_store %arg9[%swap3A_227, %swap3A_228], %swap3A_231 {strides = array<i32>} : memref<80x128xf32, #tpu.memory_space<vmem>>, vector<1x16xf32>,
      %broadcast_in_dim3A_232 = arith.constant 0.000000e+00 : f32
      %broadcast_in_dim3A_233 = vector.broadcast %broadcast_in_dim3A_232 : f32 to vector<16xf32>
      %swap3A_234 = arith.index_cast %scan3A_191 : i32 to index
      %swap3A_235 = arith.constant 96 : index
      %swap3A_236 = tpu.vector_load %arg9[%swap3A_234, %swap3A_235] {strides = array<i32>} : memref<80x128xf32, #tpu.memory_space<vmem>>, vector<1x16xf32>,
      %swap3A_237 = vector.shape_cast %swap3A_236 : vector<1x16xf32> to vector<16xf32>
      %swap3A_238 = vector.shape_cast %broadcast_in_dim3A_233 : vector<16xf32> to vector<1x16xf32>
      tpu.vector_store %arg9[%swap3A_234, %swap3A_235], %swap3A_238 {strides = array<i32>} : memref<80x128xf32, #tpu.memory_space<vmem>>, vector<1x16xf32>,
      %broadcast_in_dim3A_239 = arith.constant 0.000000e+00 : f32
      %broadcast_in_dim3A_240 = vector.broadcast %broadcast_in_dim3A_239 : f32 to vector<16xf32>
      %swap3A_241 = arith.index_cast %scan3A_191 : i32 to index
      %swap3A_242 = arith.constant 112 : index
      %swap3A_243 = tpu.vector_load %arg9[%swap3A_241, %swap3A_242] {strides = array<i32>} : memref<80x128xf32, #tpu.memory_space<vmem>>, vector<1x16xf32>,
      %swap3A_244 = vector.shape_cast %swap3A_243 : vector<1x16xf32> to vector<16xf32>
      %swap3A_245 = vector.shape_cast %broadcast_in_dim3A_240 : vector<16xf32> to vector<1x16xf32>
      tpu.vector_store %arg9[%swap3A_241, %swap3A_242], %swap3A_245 {strides = array<i32>} : memref<80x128xf32, #tpu.memory_space<vmem>>, vector<1x16xf32>,
    }
    %scan3A_24 = arith.constant 80 : i32
    %mul3A_25 = arith.constant 640 : i32
    %mul3A_26 = arith.muli %arg1, %mul3A_25 : i32
    %add3A_27 = arith.constant 0 : i32
    %add3A_28 = arith.addi %mul3A_26, %add3A_27 : i32
    %dma_start3A_29 = arith.constant 0 : i32
    %dma_start3A_30 = tpu.memref_slice %arg13[%add3A_28, %dma_start3A_29] : memref<10240x128xf32, #tpu.memory_space<vmem_shared>> -> memref<80x128xf32, #tpu.memory_space<vmem_shared>>
    %dma_start3A_31 = arith.constant 0 : i32
    %dma_start3A_32 = tpu.memref_slice %arg13[%add3A_28, %dma_start3A_31] : memref<10240x128xf32, #tpu.memory_space<vmem_shared>> -> memref<80x128xf32, #tpu.memory_space<vmem_shared>>
    tpu.enqueue_dma source(%arg9 : memref<80x128xf32, #tpu.memory_space<vmem>>) target(%dma_start3A_32 : memref<80x128xf32, #tpu.memory_space<vmem_shared>>) target_semaphore(%arg23 : memref<!tpu.dma_semaphore, #tpu.memory_space<semaphore_mem>>)
    %mul3A_33 = arith.constant 640 : i32
    %mul3A_34 = arith.muli %arg1, %mul3A_33 : i32
    %add3A_35 = arith.constant 80 : i32
    %add3A_36 = arith.addi %mul3A_34, %add3A_35 : i32
    %dma_start3A_37 = arith.constant 0 : i32
    %dma_start3A_38 = tpu.memref_slice %arg13[%add3A_36, %dma_start3A_37] : memref<10240x128xf32, #tpu.memory_space<vmem_shared>> -> memref<80x128xf32, #tpu.memory_space<vmem_shared>>
    %dma_start3A_39 = arith.constant 0 : i32
    %dma_start3A_40 = tpu.memref_slice %arg13[%add3A_36, %dma_start3A_39] : memref<10240x128xf32, #tpu.memory_space<vmem_shared>> -> memref<80x128xf32, #tpu.memory_space<vmem_shared>>
    tpu.enqueue_dma source(%arg9 : memref<80x128xf32, #tpu.memory_space<vmem>>) target(%dma_start3A_40 : memref<80x128xf32, #tpu.memory_space<vmem_shared>>) target_semaphore(%arg23 : memref<!tpu.dma_semaphore, #tpu.memory_space<semaphore_mem>>)
    %mul3A_41 = arith.constant 640 : i32
    %mul3A_42 = arith.muli %arg1, %mul3A_41 : i32
    %add3A_43 = arith.constant 160 : i32
    %add3A_44 = arith.addi %mul3A_42, %add3A_43 : i32
    %dma_start3A_45 = arith.constant 0 : i32
    %dma_start3A_46 = tpu.memref_slice %arg13[%add3A_44, %dma_start3A_45] : memref<10240x128xf32, #tpu.memory_space<vmem_shared>> -> memref<80x128xf32, #tpu.memory_space<vmem_shared>>
    %dma_start3A_47 = arith.constant 0 : i32
    %dma_start3A_48 = tpu.memref_slice %arg13[%add3A_44, %dma_start3A_47] : memref<10240x128xf32, #tpu.memory_space<vmem_shared>> -> memref<80x128xf32, #tpu.memory_space<vmem_shared>>
    tpu.enqueue_dma source(%arg9 : memref<80x128xf32, #tpu.memory_space<vmem>>) target(%dma_start3A_48 : memref<80x128xf32, #tpu.memory_space<vmem_shared>>) target_semaphore(%arg23 : memref<!tpu.dma_semaphore, #tpu.memory_space<semaphore_mem>>)
    %mul3A_49 = arith.constant 640 : i32
    %mul3A_50 = arith.muli %arg1, %mul3A_49 : i32
    %add3A_51 = arith.constant 240 : i32
    %add3A_52 = arith.addi %mul3A_50, %add3A_51 : i32
    %dma_start3A_53 = arith.constant 0 : i32
    %dma_start3A_54 = tpu.memref_slice %arg13[%add3A_52, %dma_start3A_53] : memref<10240x128xf32, #tpu.memory_space<vmem_shared>> -> memref<80x128xf32, #tpu.memory_space<vmem_shared>>
    %dma_start3A_55 = arith.constant 0 : i32
    %dma_start3A_56 = tpu.memref_slice %arg13[%add3A_52, %dma_start3A_55] : memref<10240x128xf32, #tpu.memory_space<vmem_shared>> -> memref<80x128xf32, #tpu.memory_space<vmem_shared>>
    tpu.enqueue_dma source(%arg9 : memref<80x128xf32, #tpu.memory_space<vmem>>) target(%dma_start3A_56 : memref<80x128xf32, #tpu.memory_space<vmem_shared>>) target_semaphore(%arg23 : memref<!tpu.dma_semaphore, #tpu.memory_space<semaphore_mem>>)
    %mul3A_57 = arith.constant 640 : i32
    %mul3A_58 = arith.muli %arg1, %mul3A_57 : i32
    %add3A_59 = arith.constant 320 : i32
    %add3A_60 = arith.addi %mul3A_58, %add3A_59 : i32
    %dma_start3A_61 = arith.constant 0 : i32
    %dma_start3A_62 = tpu.memref_slice %arg13[%add3A_60, %dma_start3A_61] : memref<10240x128xf32, #tpu.memory_space<vmem_shared>> -> memref<80x128xf32, #tpu.memory_space<vmem_shared>>
    %dma_start3A_63 = arith.constant 0 : i32
    %dma_start3A_64 = tpu.memref_slice %arg13[%add3A_60, %dma_start3A_63] : memref<10240x128xf32, #tpu.memory_space<vmem_shared>> -> memref<80x128xf32, #tpu.memory_space<vmem_shared>>
    tpu.enqueue_dma source(%arg9 : memref<80x128xf32, #tpu.memory_space<vmem>>) target(%dma_start3A_64 : memref<80x128xf32, #tpu.memory_space<vmem_shared>>) target_semaphore(%arg23 : memref<!tpu.dma_semaphore, #tpu.memory_space<semaphore_mem>>)
    %mul3A_65 = arith.constant 640 : i32
    %mul3A_66 = arith.muli %arg1, %mul3A_65 : i32
    %add3A_67 = arith.constant 400 : i32
    %add3A_68 = arith.addi %mul3A_66, %add3A_67 : i32
    %dma_start3A_69 = arith.constant 0 : i32
    %dma_start3A_70 = tpu.memref_slice %arg13[%add3A_68, %dma_start3A_69] : memref<10240x128xf32, #tpu.memory_space<vmem_shared>> -> memref<80x128xf32, #tpu.memory_space<vmem_shared>>
    %dma_start3A_71 = arith.constant 0 : i32
    %dma_start3A_72 = tpu.memref_slice %arg13[%add3A_68, %dma_start3A_71] : memref<10240x128xf32, #tpu.memory_space<vmem_shared>> -> memref<80x128xf32, #tpu.memory_space<vmem_shared>>
    tpu.enqueue_dma source(%arg9 : memref<80x128xf32, #tpu.memory_space<vmem>>) target(%dma_start3A_72 : memref<80x128xf32, #tpu.memory_space<vmem_shared>>) target_semaphore(%arg23 : memref<!tpu.dma_semaphore, #tpu.memory_space<semaphore_mem>>)
    %mul3A_73 = arith.constant 640 : i32
    %mul3A_74 = arith.muli %arg1, %mul3A_73 : i32
    %add3A_75 = arith.constant 480 : i32
    %add3A_76 = arith.addi %mul3A_74, %add3A_75 : i32
    %dma_start3A_77 = arith.constant 0 : i32
    %dma_start3A_78 = tpu.memref_slice %arg13[%add3A_76, %dma_start3A_77] : memref<10240x128xf32, #tpu.memory_space<vmem_shared>> -> memref<80x128xf32, #tpu.memory_space<vmem_shared>>
    %dma_start3A_79 = arith.constant 0 : i32
    %dma_start3A_80 = tpu.memref_slice %arg13[%add3A_76, %dma_start3A_79] : memref<10240x128xf32, #tpu.memory_space<vmem_shared>> -> memref<80x128xf32, #tpu.memory_space<vmem_shared>>
    tpu.enqueue_dma source(%arg9 : memref<80x128xf32, #tpu.memory_space<vmem>>) target(%dma_start3A_80 : memref<80x128xf32, #tpu.memory_space<vmem_shared>>) target_semaphore(%arg23 : memref<!tpu.dma_semaphore, #tpu.memory_space<semaphore_mem>>)
    %mul3A_81 = arith.constant 640 : i32
    %mul3A_82 = arith.muli %arg1, %mul3A_81 : i32
    %add3A_83 = arith.constant 560 : i32
    %add3A_84 = arith.addi %mul3A_82, %add3A_83 : i32
    %dma_start3A_85 = arith.constant 0 : i32
    %dma_start3A_86 = tpu.memref_slice %arg13[%add3A_84, %dma_start3A_85] : memref<10240x128xf32, #tpu.memory_space<vmem_shared>> -> memref<80x128xf32, #tpu.memory_space<vmem_shared>>
    %dma_start3A_87 = arith.constant 0 : i32
    %dma_start3A_88 = tpu.memref_slice %arg13[%add3A_84, %dma_start3A_87] : memref<10240x128xf32, #tpu.memory_space<vmem_shared>> -> memref<80x128xf32, #tpu.memory_space<vmem_shared>>
    tpu.enqueue_dma source(%arg9 : memref<80x128xf32, #tpu.memory_space<vmem>>) target(%dma_start3A_88 : memref<80x128xf32, #tpu.memory_space<vmem_shared>>) target_semaphore(%arg19 : memref<!tpu.dma_semaphore, #tpu.memory_space<semaphore_mem>>)
    %mul3A_89 = arith.constant 640 : i32
    %mul3A_90 = arith.muli %arg1, %mul3A_89 : i32
    %add3A_91 = arith.constant 0 : i32
    %add3A_92 = arith.addi %mul3A_90, %add3A_91 : i32
    %dma_wait3A = arith.constant 0 : i32
    %dma_wait3A_93 = tpu.memref_slice %arg13[%add3A_92, %dma_wait3A] : memref<10240x128xf32, #tpu.memory_space<vmem_shared>> -> memref<80x128xf32, #tpu.memory_space<vmem_shared>>
    %dma_wait3A_94 = arith.constant 0 : i32
    %dma_wait3A_95 = tpu.memref_slice %arg13[%add3A_92, %dma_wait3A_94] : memref<10240x128xf32, #tpu.memory_space<vmem_shared>> -> memref<80x128xf32, #tpu.memory_space<vmem_shared>>
    tpu.wait_dma2 semaphore(%arg23 : memref<!tpu.dma_semaphore, #tpu.memory_space<semaphore_mem>>) src(%arg9 : memref<80x128xf32, #tpu.memory_space<vmem>>) dst(%dma_wait3A_95 : memref<80x128xf32, #tpu.memory_space<vmem_shared>>)
    %mul3A_96 = arith.constant 640 : i32
    %mul3A_97 = arith.muli %arg1, %mul3A_96 : i32
    %add3A_98 = arith.constant 80 : i32
    %add3A_99 = arith.addi %mul3A_97, %add3A_98 : i32
    %dma_wait3A_100 = arith.constant 0 : i32
    %dma_wait3A_101 = tpu.memref_slice %arg13[%add3A_99, %dma_wait3A_100] : memref<10240x128xf32, #tpu.memory_space<vmem_shared>> -> memref<80x128xf32, #tpu.memory_space<vmem_shared>>
    %dma_wait3A_102 = arith.constant 0 : i32
    %dma_wait3A_103 = tpu.memref_slice %arg13[%add3A_99, %dma_wait3A_102] : memref<10240x128xf32, #tpu.memory_space<vmem_shared>> -> memref<80x128xf32, #tpu.memory_space<vmem_shared>>
    tpu.wait_dma2 semaphore(%arg23 : memref<!tpu.dma_semaphore, #tpu.memory_space<semaphore_mem>>) src(%arg9 : memref<80x128xf32, #tpu.memory_space<vmem>>) dst(%dma_wait3A_103 : memref<80x128xf32, #tpu.memory_space<vmem_shared>>)
    %mul3A_104 = arith.constant 640 : i32
    %mul3A_105 = arith.muli %arg1, %mul3A_104 : i32
    %add3A_106 = arith.constant 160 : i32
    %add3A_107 = arith.addi %mul3A_105, %add3A_106 : i32
    %dma_wait3A_108 = arith.constant 0 : i32
    %dma_wait3A_109 = tpu.memref_slice %arg13[%add3A_107, %dma_wait3A_108] : memref<10240x128xf32, #tpu.memory_space<vmem_shared>> -> memref<80x128xf32, #tpu.memory_space<vmem_shared>>
    %dma_wait3A_110 = arith.constant 0 : i32
    %dma_wait3A_111 = tpu.memref_slice %arg13[%add3A_107, %dma_wait3A_110] : memref<10240x128xf32, #tpu.memory_space<vmem_shared>> -> memref<80x128xf32, #tpu.memory_space<vmem_shared>>
    tpu.wait_dma2 semaphore(%arg23 : memref<!tpu.dma_semaphore, #tpu.memory_space<semaphore_mem>>) src(%arg9 : memref<80x128xf32, #tpu.memory_space<vmem>>) dst(%dma_wait3A_111 : memref<80x128xf32, #tpu.memory_space<vmem_shared>>)
    %mul3A_112 = arith.constant 640 : i32
    %mul3A_113 = arith.muli %arg1, %mul3A_112 : i32
    %add3A_114 = arith.constant 240 : i32
    %add3A_115 = arith.addi %mul3A_113, %add3A_114 : i32
    %dma_wait3A_116 = arith.constant 0 : i32
    %dma_wait3A_117 = tpu.memref_slice %arg13[%add3A_115, %dma_wait3A_116] : memref<10240x128xf32, #tpu.memory_space<vmem_shared>> -> memref<80x128xf32, #tpu.memory_space<vmem_shared>>
    %dma_wait3A_118 = arith.constant 0 : i32
    %dma_wait3A_119 = tpu.memref_slice %arg13[%add3A_115, %dma_wait3A_118] : memref<10240x128xf32, #tpu.memory_space<vmem_shared>> -> memref<80x128xf32, #tpu.memory_space<vmem_shared>>
    tpu.wait_dma2 semaphore(%arg23 : memref<!tpu.dma_semaphore, #tpu.memory_space<semaphore_mem>>) src(%arg9 : memref<80x128xf32, #tpu.memory_space<vmem>>) dst(%dma_wait3A_119 : memref<80x128xf32, #tpu.memory_space<vmem_shared>>)
    %mul3A_120 = arith.constant 640 : i32
    %mul3A_121 = arith.muli %arg1, %mul3A_120 : i32
    %add3A_122 = arith.constant 320 : i32
    %add3A_123 = arith.addi %mul3A_121, %add3A_122 : i32
    %dma_wait3A_124 = arith.constant 0 : i32
    %dma_wait3A_125 = tpu.memref_slice %arg13[%add3A_123, %dma_wait3A_124] : memref<10240x128xf32, #tpu.memory_space<vmem_shared>> -> memref<80x128xf32, #tpu.memory_space<vmem_shared>>
    %dma_wait3A_126 = arith.constant 0 : i32
    %dma_wait3A_127 = tpu.memref_slice %arg13[%add3A_123, %dma_wait3A_126] : memref<10240x128xf32, #tpu.memory_space<vmem_shared>> -> memref<80x128xf32, #tpu.memory_space<vmem_shared>>
    tpu.wait_dma2 semaphore(%arg23 : memref<!tpu.dma_semaphore, #tpu.memory_space<semaphore_mem>>) src(%arg9 : memref<80x128xf32, #tpu.memory_space<vmem>>) dst(%dma_wait3A_127 : memref<80x128xf32, #tpu.memory_space<vmem_shared>>)
    %mul3A_128 = arith.constant 640 : i32
    %mul3A_129 = arith.muli %arg1, %mul3A_128 : i32
    %add3A_130 = arith.constant 400 : i32
    %add3A_131 = arith.addi %mul3A_129, %add3A_130 : i32
    %dma_wait3A_132 = arith.constant 0 : i32
    %dma_wait3A_133 = tpu.memref_slice %arg13[%add3A_131, %dma_wait3A_132] : memref<10240x128xf32, #tpu.memory_space<vmem_shared>> -> memref<80x128xf32, #tpu.memory_space<vmem_shared>>
    %dma_wait3A_134 = arith.constant 0 : i32
    %dma_wait3A_135 = tpu.memref_slice %arg13[%add3A_131, %dma_wait3A_134] : memref<10240x128xf32, #tpu.memory_space<vmem_shared>> -> memref<80x128xf32, #tpu.memory_space<vmem_shared>>
    tpu.wait_dma2 semaphore(%arg23 : memref<!tpu.dma_semaphore, #tpu.memory_space<semaphore_mem>>) src(%arg9 : memref<80x128xf32, #tpu.memory_space<vmem>>) dst(%dma_wait3A_135 : memref<80x128xf32, #tpu.memory_space<vmem_shared>>)
    %mul3A_136 = arith.constant 640 : i32
    %mul3A_137 = arith.muli %arg1, %mul3A_136 : i32
    %add3A_138 = arith.constant 480 : i32
    %add3A_139 = arith.addi %mul3A_137, %add3A_138 : i32
    %dma_wait3A_140 = arith.constant 0 : i32
    %dma_wait3A_141 = tpu.memref_slice %arg13[%add3A_139, %dma_wait3A_140] : memref<10240x128xf32, #tpu.memory_space<vmem_shared>> -> memref<80x128xf32, #tpu.memory_space<vmem_shared>>
    %dma_wait3A_142 = arith.constant 0 : i32
    %dma_wait3A_143 = tpu.memref_slice %arg13[%add3A_139, %dma_wait3A_142] : memref<10240x128xf32, #tpu.memory_space<vmem_shared>> -> memref<80x128xf32, #tpu.memory_space<vmem_shared>>
    tpu.wait_dma2 semaphore(%arg23 : memref<!tpu.dma_semaphore, #tpu.memory_space<semaphore_mem>>) src(%arg9 : memref<80x128xf32, #tpu.memory_space<vmem>>) dst(%dma_wait3A_143 : memref<80x128xf32, #tpu.memory_space<vmem_shared>>)
    %barrier3A = arith.constant 0 : index
    tpu.barrier barrier_id(%barrier3A)
    %scan3A_144 = arith.constant 0 : i32
    %scan3A_145 = arith.constant 0 : i32
    %scan3A_146 = arith.constant 41 : i32
    %scan3A_147 = arith.addi %scan3A_145, %scan3A_146 : i32
    %scan3A_148 = arith.constant 1 : i32
    scf.for %scan3A_191 = %scan3A_145 to %scan3A_147 step %scan3A_148  : i32 {
      %mul3A_192 = arith.constant 3 : i32
      %mul3A_193 = arith.muli %scan3A_191, %mul3A_192 : i32
      %add3A_194 = arith.constant 0 : i32
      %add3A_195 = arith.addi %mul3A_193, %add3A_194 : i32
      %dma_wait3A_196 = arith.constant 0 : i32
      %dma_wait3A_197 = arith.constant 0 : i32
      %dma_wait3A_198 = tpu.memref_slice %arg13[%dma_wait3A_196, %dma_wait3A_197] : memref<10240x128xf32, #tpu.memory_space<vmem_shared>> -> memref<10240x128xf32, #tpu.memory_space<vmem_shared>>
      tpu.wait_indirect_dma semaphore(%arg19 : memref<!tpu.dma_semaphore, #tpu.memory_space<semaphore_mem>>) src(%arg9 : memref<80x128xf32, #tpu.memory_space<vmem>>) dst(%dma_wait3A_198 : memref<10240x128xf32, #tpu.memory_space<vmem_shared>>)
      %add3A_199 = arith.constant 2 : i32
      %add3A_200 = arith.addi %add3A_195, %add3A_199 : i32
      %mul3A_201 = arith.constant 80 : i32
      %mul3A_202 = arith.muli %add3A_200, %mul3A_201 : i32
      %add3A_203 = arith.addi %mul3A_2, %mul3A_202 : i32
      %dma_start3A_204 = tpu.memref_slice %arg4[%add3A_203] : memref<320000xi32, #tpu.memory_space<hbm>> -> memref<80xi32, #tpu.memory_space<hbm>>
      %dma_start3A_205 = tpu.memref_slice %arg4[%add3A_203] : memref<320000xi32, #tpu.memory_space<hbm>> -> memref<80xi32, #tpu.memory_space<hbm>>
      tpu.enqueue_dma source(%dma_start3A_205 : memref<80xi32, #tpu.memory_space<hbm>>) target(%arg12 : memref<80xi32, #tpu.memory_space<vmem>>) target_semaphore(%arg22 : memref<!tpu.dma_semaphore, #tpu.memory_space<semaphore_mem>>)
      %mul3A_206 = arith.constant 80 : i32
      %mul3A_207 = arith.muli %add3A_200, %mul3A_206 : i32
      %dma_start3A_208 = tpu.memref_slice %arg6[%mul3A_207] : memref<10000xi32, #tpu.memory_space<vmem>> -> memref<80xi32, #tpu.memory_space<vmem>>
      %dma_start3A_209 = arith.constant 0 : i32
      %dma_start3A_210 = arith.constant 0 : i32
      %dma_start3A_211 = tpu.memref_slice %arg2[%dma_start3A_209, %dma_start3A_210] : memref<10000x128xf32, #tpu.memory_space<hbm>> -> memref<10000x128xf32, #tpu.memory_space<hbm>>
      tpu.enqueue_indirect_dma source(%dma_start3A_211 : memref<10000x128xf32, #tpu.memory_space<hbm>>) target(%arg9 : memref<80x128xf32, #tpu.memory_space<vmem>>) offsets(%dma_start3A_208 : memref<80xi32, #tpu.memory_space<vmem>>) semaphore(%arg16 : memref<!tpu.dma_semaphore, #tpu.memory_space<semaphore_mem>>)
      %mul3A_212 = arith.constant 80 : i32
      %mul3A_213 = arith.muli %add3A_195, %mul3A_212 : i32
      %add3A_214 = arith.addi %mul3A_2, %mul3A_213 : i32
      %dma_wait3A_215 = tpu.memref_slice %arg4[%add3A_214] : memref<320000xi32, #tpu.memory_space<hbm>> -> memref<80xi32, #tpu.memory_space<hbm>>
      %dma_wait3A_216 = tpu.memref_slice %arg4[%add3A_214] : memref<320000xi32, #tpu.memory_space<hbm>> -> memref<80xi32, #tpu.memory_space<hbm>>
      tpu.wait_dma2 semaphore(%arg20 : memref<!tpu.dma_semaphore, #tpu.memory_space<semaphore_mem>>) src(%dma_wait3A_216 : memref<80xi32, #tpu.memory_space<hbm>>) dst(%arg10 : memref<80xi32, #tpu.memory_space<vmem>>)
      %mul3A_217 = arith.constant 80 : i32
      %mul3A_218 = arith.muli %add3A_195, %mul3A_217 : i32
      %dma_wait3A_219 = tpu.memref_slice %arg6[%mul3A_218] : memref<10000xi32, #tpu.memory_space<vmem>> -> memref<80xi32, #tpu.memory_space<vmem>>
      %dma_wait3A_220 = arith.constant 0 : i32
      %dma_wait3A_221 = arith.constant 0 : i32
      %dma_wait3A_222 = tpu.memref_slice %arg2[%dma_wait3A_220, %dma_wait3A_221] : memref<10000x128xf32, #tpu.memory_space<hbm>> -> memref<10000x128xf32, #tpu.memory_space<hbm>>
      tpu.wait_indirect_dma semaphore(%arg14 : memref<!tpu.dma_semaphore, #tpu.memory_space<semaphore_mem>>) src(%dma_wait3A_222 : memref<10000x128xf32, #tpu.memory_space<hbm>>) dst(%arg7 : memref<80x128xf32, #tpu.memory_space<vmem>>)
      %dma_start3A_223 = arith.constant 0 : i32
      %dma_start3A_224 = arith.constant 0 : i32
      %dma_start3A_225 = tpu.memref_slice %arg13[%dma_start3A_223, %dma_start3A_224] : memref<10240x128xf32, #tpu.memory_space<vmem_shared>> -> memref<10240x128xf32, #tpu.memory_space<vmem_shared>>
      tpu.enqueue_indirect_dma source(%arg7 : memref<80x128xf32, #tpu.memory_space<vmem>>) target(%dma_start3A_225 : memref<10240x128xf32, #tpu.memory_space<vmem_shared>>) offsets(%arg10 : memref<80xi32, #tpu.memory_space<vmem>>) semaphore(%arg17 : memref<!tpu.dma_semaphore, #tpu.memory_space<semaphore_mem>>) {add = true}
      %mul3A_226 = arith.constant 3 : i32
      %mul3A_227 = arith.muli %scan3A_191, %mul3A_226 : i32
      %add3A_228 = arith.constant 1 : i32
      %add3A_229 = arith.addi %mul3A_227, %add3A_228 : i32
      %dma_wait3A_230 = arith.constant 0 : i32
      %dma_wait3A_231 = arith.constant 0 : i32
      %dma_wait3A_232 = tpu.memref_slice %arg13[%dma_wait3A_230, %dma_wait3A_231] : memref<10240x128xf32, #tpu.memory_space<vmem_shared>> -> memref<10240x128xf32, #tpu.memory_space<vmem_shared>>
      tpu.wait_indirect_dma semaphore(%arg17 : memref<!tpu.dma_semaphore, #tpu.memory_space<semaphore_mem>>) src(%arg7 : memref<80x128xf32, #tpu.memory_space<vmem>>) dst(%dma_wait3A_232 : memref<10240x128xf32, #tpu.memory_space<vmem_shared>>)
      %add3A_233 = arith.constant 2 : i32
      %add3A_234 = arith.addi %add3A_229, %add3A_233 : i32
      %mul3A_235 = arith.constant 80 : i32
      %mul3A_236 = arith.muli %add3A_234, %mul3A_235 : i32
      %add3A_237 = arith.addi %mul3A_2, %mul3A_236 : i32
      %dma_start3A_238 = tpu.memref_slice %arg4[%add3A_237] : memref<320000xi32, #tpu.memory_space<hbm>> -> memref<80xi32, #tpu.memory_space<hbm>>
      %dma_start3A_239 = tpu.memref_slice %arg4[%add3A_237] : memref<320000xi32, #tpu.memory_space<hbm>> -> memref<80xi32, #tpu.memory_space<hbm>>
      tpu.enqueue_dma source(%dma_start3A_239 : memref<80xi32, #tpu.memory_space<hbm>>) target(%arg10 : memref<80xi32, #tpu.memory_space<vmem>>) target_semaphore(%arg20 : memref<!tpu.dma_semaphore, #tpu.memory_space<semaphore_mem>>)
      %mul3A_240 = arith.constant 80 : i32
      %mul3A_241 = arith.muli %add3A_234, %mul3A_240 : i32
      %dma_start3A_242 = tpu.memref_slice %arg6[%mul3A_241] : memref<10000xi32, #tpu.memory_space<vmem>> -> memref<80xi32, #tpu.memory_space<vmem>>
      %dma_start3A_243 = arith.constant 0 : i32
      %dma_start3A_244 = arith.constant 0 : i32
      %dma_start3A_245 = tpu.memref_slice %arg2[%dma_start3A_243, %dma_start3A_244] : memref<10000x128xf32, #tpu.memory_space<hbm>> -> memref<10000x128xf32, #tpu.memory_space<hbm>>
      tpu.enqueue_indirect_dma source(%dma_start3A_245 : memref<10000x128xf32, #tpu.memory_space<hbm>>) target(%arg7 : memref<80x128xf32, #tpu.memory_space<vmem>>) offsets(%dma_start3A_242 : memref<80xi32, #tpu.memory_space<vmem>>) semaphore(%arg14 : memref<!tpu.dma_semaphore, #tpu.memory_space<semaphore_mem>>)
      %mul3A_246 = arith.constant 80 : i32
      %mul3A_247 = arith.muli %add3A_229, %mul3A_246 : i32
      %add3A_248 = arith.addi %mul3A_2, %mul3A_247 : i32
      %dma_wait3A_249 = tpu.memref_slice %arg4[%add3A_248] : memref<320000xi32, #tpu.memory_space<hbm>> -> memref<80xi32, #tpu.memory_space<hbm>>
      %dma_wait3A_250 = tpu.memref_slice %arg4[%add3A_248] : memref<320000xi32, #tpu.memory_space<hbm>> -> memref<80xi32, #tpu.memory_space<hbm>>
      tpu.wait_dma2 semaphore(%arg21 : memref<!tpu.dma_semaphore, #tpu.memory_space<semaphore_mem>>) src(%dma_wait3A_250 : memref<80xi32, #tpu.memory_space<hbm>>) dst(%arg11 : memref<80xi32, #tpu.memory_space<vmem>>)
      %mul3A_251 = arith.constant 80 : i32
      %mul3A_252 = arith.muli %add3A_229, %mul3A_251 : i32
      %dma_wait3A_253 = tpu.memref_slice %arg6[%mul3A_252] : memref<10000xi32, #tpu.memory_space<vmem>> -> memref<80xi32, #tpu.memory_space<vmem>>
      %dma_wait3A_254 = arith.constant 0 : i32
      %dma_wait3A_255 = arith.constant 0 : i32
      %dma_wait3A_256 = tpu.memref_slice %arg2[%dma_wait3A_254, %dma_wait3A_255] : memref<10000x128xf32, #tpu.memory_space<hbm>> -> memref<10000x128xf32, #tpu.memory_space<hbm>>
      tpu.wait_indirect_dma semaphore(%arg15 : memref<!tpu.dma_semaphore, #tpu.memory_space<semaphore_mem>>) src(%dma_wait3A_256 : memref<10000x128xf32, #tpu.memory_space<hbm>>) dst(%arg8 : memref<80x128xf32, #tpu.memory_space<vmem>>)
      %dma_start3A_257 = arith.constant 0 : i32
      %dma_start3A_258 = arith.constant 0 : i32
      %dma_start3A_259 = tpu.memref_slice %arg13[%dma_start3A_257, %dma_start3A_258] : memref<10240x128xf32, #tpu.memory_space<vmem_shared>> -> memref<10240x128xf32, #tpu.memory_space<vmem_shared>>
      tpu.enqueue_indirect_dma source(%arg8 : memref<80x128xf32, #tpu.memory_space<vmem>>) target(%dma_start3A_259 : memref<10240x128xf32, #tpu.memory_space<vmem_shared>>) offsets(%arg11 : memref<80xi32, #tpu.memory_space<vmem>>) semaphore(%arg18 : memref<!tpu.dma_semaphore, #tpu.memory_space<semaphore_mem>>) {add = true}
      %mul3A_260 = arith.constant 3 : i32
      %mul3A_261 = arith.muli %scan3A_191, %mul3A_260 : i32
      %add3A_262 = arith.constant 2 : i32
      %add3A_263 = arith.addi %mul3A_261, %add3A_262 : i32
      %dma_wait3A_264 = arith.constant 0 : i32
      %dma_wait3A_265 = arith.constant 0 : i32
      %dma_wait3A_266 = tpu.memref_slice %arg13[%dma_wait3A_264, %dma_wait3A_265] : memref<10240x128xf32, #tpu.memory_space<vmem_shared>> -> memref<10240x128xf32, #tpu.memory_space<vmem_shared>>
      tpu.wait_indirect_dma semaphore(%arg18 : memref<!tpu.dma_semaphore, #tpu.memory_space<semaphore_mem>>) src(%arg8 : memref<80x128xf32, #tpu.memory_space<vmem>>) dst(%dma_wait3A_266 : memref<10240x128xf32, #tpu.memory_space<vmem_shared>>)
      %add3A_267 = arith.constant 2 : i32
      %add3A_268 = arith.addi %add3A_263, %add3A_267 : i32
      %mul3A_269 = arith.constant 80 : i32
      %mul3A_270 = arith.muli %add3A_268, %mul3A_269 : i32
      %add3A_271 = arith.addi %mul3A_2, %mul3A_270 : i32
      %dma_start3A_272 = tpu.memref_slice %arg4[%add3A_271] : memref<320000xi32, #tpu.memory_space<hbm>> -> memref<80xi32, #tpu.memory_space<hbm>>
      %dma_start3A_273 = tpu.memref_slice %arg4[%add3A_271] : memref<320000xi32, #tpu.memory_space<hbm>> -> memref<80xi32, #tpu.memory_space<hbm>>
      tpu.enqueue_dma source(%dma_start3A_273 : memref<80xi32, #tpu.memory_space<hbm>>) target(%arg11 : memref<80xi32, #tpu.memory_space<vmem>>) target_semaphore(%arg21 : memref<!tpu.dma_semaphore, #tpu.memory_space<semaphore_mem>>)
      %mul3A_274 = arith.constant 80 : i32
      %mul3A_275 = arith.muli %add3A_268, %mul3A_274 : i32
      %dma_start3A_276 = tpu.memref_slice %arg6[%mul3A_275] : memref<10000xi32, #tpu.memory_space<vmem>> -> memref<80xi32, #tpu.memory_space<vmem>>
      %dma_start3A_277 = arith.constant 0 : i32
      %dma_start3A_278 = arith.constant 0 : i32
      %dma_start3A_279 = tpu.memref_slice %arg2[%dma_start3A_277, %dma_start3A_278] : memref<10000x128xf32, #tpu.memory_space<hbm>> -> memref<10000x128xf32, #tpu.memory_space<hbm>>
      tpu.enqueue_indirect_dma source(%dma_start3A_279 : memref<10000x128xf32, #tpu.memory_space<hbm>>) target(%arg8 : memref<80x128xf32, #tpu.memory_space<vmem>>) offsets(%dma_start3A_276 : memref<80xi32, #tpu.memory_space<vmem>>) semaphore(%arg15 : memref<!tpu.dma_semaphore, #tpu.memory_space<semaphore_mem>>)
      %mul3A_280 = arith.constant 80 : i32
      %mul3A_281 = arith.muli %add3A_263, %mul3A_280 : i32
      %add3A_282 = arith.addi %mul3A_2, %mul3A_281 : i32
      %dma_wait3A_283 = tpu.memref_slice %arg4[%add3A_282] : memref<320000xi32, #tpu.memory_space<hbm>> -> memref<80xi32, #tpu.memory_space<hbm>>
      %dma_wait3A_284 = tpu.memref_slice %arg4[%add3A_282] : memref<320000xi32, #tpu.memory_space<hbm>> -> memref<80xi32, #tpu.memory_space<hbm>>
      tpu.wait_dma2 semaphore(%arg22 : memref<!tpu.dma_semaphore, #tpu.memory_space<semaphore_mem>>) src(%dma_wait3A_284 : memref<80xi32, #tpu.memory_space<hbm>>) dst(%arg12 : memref<80xi32, #tpu.memory_space<vmem>>)
      %mul3A_285 = arith.constant 80 : i32
      %mul3A_286 = arith.muli %add3A_263, %mul3A_285 : i32
      %dma_wait3A_287 = tpu.memref_slice %arg6[%mul3A_286] : memref<10000xi32, #tpu.memory_space<vmem>> -> memref<80xi32, #tpu.memory_space<vmem>>
      %dma_wait3A_288 = arith.constant 0 : i32
      %dma_wait3A_289 = arith.constant 0 : i32
      %dma_wait3A_290 = tpu.memref_slice %arg2[%dma_wait3A_288, %dma_wait3A_289] : memref<10000x128xf32, #tpu.memory_space<hbm>> -> memref<10000x128xf32, #tpu.memory_space<hbm>>
      tpu.wait_indirect_dma semaphore(%arg16 : memref<!tpu.dma_semaphore, #tpu.memory_space<semaphore_mem>>) src(%dma_wait3A_290 : memref<10000x128xf32, #tpu.memory_space<hbm>>) dst(%arg9 : memref<80x128xf32, #tpu.memory_space<vmem>>)
      %dma_start3A_291 = arith.constant 0 : i32
      %dma_start3A_292 = arith.constant 0 : i32
      %dma_start3A_293 = tpu.memref_slice %arg13[%dma_start3A_291, %dma_start3A_292] : memref<10240x128xf32, #tpu.memory_space<vmem_shared>> -> memref<10240x128xf32, #tpu.memory_space<vmem_shared>>
      tpu.enqueue_indirect_dma source(%arg9 : memref<80x128xf32, #tpu.memory_space<vmem>>) target(%dma_start3A_293 : memref<10240x128xf32, #tpu.memory_space<vmem_shared>>) offsets(%arg12 : memref<80xi32, #tpu.memory_space<vmem>>) semaphore(%arg19 : memref<!tpu.dma_semaphore, #tpu.memory_space<semaphore_mem>>) {add = true}
    }
    %scan3A_149 = arith.constant 41 : i32
    %add3A_150 = arith.constant 9840 : i32
    %add3A_151 = arith.addi %mul3A_2, %add3A_150 : i32
    %dma_wait3A_152 = tpu.memref_slice %arg4[%add3A_151] : memref<320000xi32, #tpu.memory_space<hbm>> -> memref<80xi32, #tpu.memory_space<hbm>>
    %dma_wait3A_153 = tpu.memref_slice %arg4[%add3A_151] : memref<320000xi32, #tpu.memory_space<hbm>> -> memref<80xi32, #tpu.memory_space<hbm>>
    tpu.wait_dma2 semaphore(%arg20 : memref<!tpu.dma_semaphore, #tpu.memory_space<semaphore_mem>>) src(%dma_wait3A_153 : memref<80xi32, #tpu.memory_space<hbm>>) dst(%arg10 : memref<80xi32, #tpu.memory_space<vmem>>)
    %dma_wait3A_154 = arith.constant 9840 : i32
    %dma_wait3A_155 = tpu.memref_slice %arg6[%dma_wait3A_154] : memref<10000xi32, #tpu.memory_space<vmem>> -> memref<80xi32, #tpu.memory_space<vmem>>
    %dma_wait3A_156 = arith.constant 0 : i32
    %dma_wait3A_157 = arith.constant 0 : i32
    %dma_wait3A_158 = tpu.memref_slice %arg2[%dma_wait3A_156, %dma_wait3A_157] : memref<10000x128xf32, #tpu.memory_space<hbm>> -> memref<10000x128xf32, #tpu.memory_space<hbm>>
    tpu.wait_indirect_dma semaphore(%arg14 : memref<!tpu.dma_semaphore, #tpu.memory_space<semaphore_mem>>) src(%dma_wait3A_158 : memref<10000x128xf32, #tpu.memory_space<hbm>>) dst(%arg7 : memref<80x128xf32, #tpu.memory_space<vmem>>)
    %dma_start3A_159 = arith.constant 0 : i32
    %dma_start3A_160 = arith.constant 0 : i32
    %dma_start3A_161 = tpu.memref_slice %arg13[%dma_start3A_159, %dma_start3A_160] : memref<10240x128xf32, #tpu.memory_space<vmem_shared>> -> memref<10240x128xf32, #tpu.memory_space<vmem_shared>>
    tpu.enqueue_indirect_dma source(%arg7 : memref<80x128xf32, #tpu.memory_space<vmem>>) target(%dma_start3A_161 : memref<10240x128xf32, #tpu.memory_space<vmem_shared>>) offsets(%arg10 : memref<80xi32, #tpu.memory_space<vmem>>) semaphore(%arg17 : memref<!tpu.dma_semaphore, #tpu.memory_space<semaphore_mem>>) {add = true}
    %add3A_162 = arith.constant 9920 : i32
    %add3A_163 = arith.addi %mul3A_2, %add3A_162 : i32
    %dma_wait3A_164 = tpu.memref_slice %arg4[%add3A_163] : memref<320000xi32, #tpu.memory_space<hbm>> -> memref<80xi32, #tpu.memory_space<hbm>>
    %dma_wait3A_165 = tpu.memref_slice %arg4[%add3A_163] : memref<320000xi32, #tpu.memory_space<hbm>> -> memref<80xi32, #tpu.memory_space<hbm>>
    tpu.wait_dma2 semaphore(%arg21 : memref<!tpu.dma_semaphore, #tpu.memory_space<semaphore_mem>>) src(%dma_wait3A_165 : memref<80xi32, #tpu.memory_space<hbm>>) dst(%arg11 : memref<80xi32, #tpu.memory_space<vmem>>)
    %dma_wait3A_166 = arith.constant 9920 : i32
    %dma_wait3A_167 = tpu.memref_slice %arg6[%dma_wait3A_166] : memref<10000xi32, #tpu.memory_space<vmem>> -> memref<80xi32, #tpu.memory_space<vmem>>
    %dma_wait3A_168 = arith.constant 0 : i32
    %dma_wait3A_169 = arith.constant 0 : i32
    %dma_wait3A_170 = tpu.memref_slice %arg2[%dma_wait3A_168, %dma_wait3A_169] : memref<10000x128xf32, #tpu.memory_space<hbm>> -> memref<10000x128xf32, #tpu.memory_space<hbm>>
    tpu.wait_indirect_dma semaphore(%arg15 : memref<!tpu.dma_semaphore, #tpu.memory_space<semaphore_mem>>) src(%dma_wait3A_170 : memref<10000x128xf32, #tpu.memory_space<hbm>>) dst(%arg8 : memref<80x128xf32, #tpu.memory_space<vmem>>)
    %dma_start3A_171 = arith.constant 0 : i32
    %dma_start3A_172 = arith.constant 0 : i32
    %dma_start3A_173 = tpu.memref_slice %arg13[%dma_start3A_171, %dma_start3A_172] : memref<10240x128xf32, #tpu.memory_space<vmem_shared>> -> memref<10240x128xf32, #tpu.memory_space<vmem_shared>>
    tpu.enqueue_indirect_dma source(%arg8 : memref<80x128xf32, #tpu.memory_space<vmem>>) target(%dma_start3A_173 : memref<10240x128xf32, #tpu.memory_space<vmem_shared>>) offsets(%arg11 : memref<80xi32, #tpu.memory_space<vmem>>) semaphore(%arg18 : memref<!tpu.dma_semaphore, #tpu.memory_space<semaphore_mem>>) {add = true}
    %dma_wait3A_174 = arith.constant 0 : i32
    %dma_wait3A_175 = arith.constant 0 : i32
    %dma_wait3A_176 = tpu.memref_slice %arg13[%dma_wait3A_174, %dma_wait3A_175] : memref<10240x128xf32, #tpu.memory_space<vmem_shared>> -> memref<10240x128xf32, #tpu.memory_space<vmem_shared>>
    tpu.wait_indirect_dma semaphore(%arg17 : memref<!tpu.dma_semaphore, #tpu.memory_space<semaphore_mem>>) src(%arg7 : memref<80x128xf32, #tpu.memory_space<vmem>>) dst(%dma_wait3A_176 : memref<10240x128xf32, #tpu.memory_space<vmem_shared>>)
    %dma_wait3A_177 = arith.constant 0 : i32
    %dma_wait3A_178 = arith.constant 0 : i32
    %dma_wait3A_179 = tpu.memref_slice %arg13[%dma_wait3A_177, %dma_wait3A_178] : memref<10240x128xf32, #tpu.memory_space<vmem_shared>> -> memref<10240x128xf32, #tpu.memory_space<vmem_shared>>
    tpu.wait_indirect_dma semaphore(%arg18 : memref<!tpu.dma_semaphore, #tpu.memory_space<semaphore_mem>>) src(%arg8 : memref<80x128xf32, #tpu.memory_space<vmem>>) dst(%dma_wait3A_179 : memref<10240x128xf32, #tpu.memory_space<vmem_shared>>)
    %dma_wait3A_180 = arith.constant 0 : i32
    %dma_wait3A_181 = arith.constant 0 : i32
    %dma_wait3A_182 = tpu.memref_slice %arg13[%dma_wait3A_180, %dma_wait3A_181] : memref<10240x128xf32, #tpu.memory_space<vmem_shared>> -> memref<10240x128xf32, #tpu.memory_space<vmem_shared>>
    tpu.wait_indirect_dma semaphore(%arg19 : memref<!tpu.dma_semaphore, #tpu.memory_space<semaphore_mem>>) src(%arg9 : memref<80x128xf32, #tpu.memory_space<vmem>>) dst(%dma_wait3A_182 : memref<10240x128xf32, #tpu.memory_space<vmem_shared>>)
    %barrier3A_183 = arith.constant 0 : index
    tpu.barrier barrier_id(%barrier3A_183)
    %mul3A_184 = arith.constant 640 : i32
    %mul3A_185 = arith.muli %arg1, %mul3A_184 : i32
    %mul3A_186 = arith.constant 10240 : i32
    %mul3A_187 = arith.muli %arg0, %mul3A_186 : i32
    %mul3A_188 = arith.constant 640 : i32
    %mul3A_189 = arith.muli %arg1, %mul3A_188 : i32
    %add3A_190 = arith.addi %mul3A_187, %mul3A_189 : i32
    "tpu.region"() ({
      %run_scoped3A = tpu.sem_alloc : memref<!tpu.dma_semaphore, #tpu.memory_space<semaphore_mem>>
      %dma_start3A_191 = arith.constant 0 : i32
      %dma_start3A_192 = tpu.memref_slice %arg5[%add3A_190, %dma_start3A_191] : memref<20480x128xf32, #tpu.memory_space<hbm>> -> memref<640x128xf32, #tpu.memory_space<hbm>>
      %dma_start3A_193 = arith.constant 0 : i32
      %dma_start3A_194 = tpu.memref_slice %arg13[%mul3A_185, %dma_start3A_193] : memref<10240x128xf32, #tpu.memory_space<vmem_shared>> -> memref<640x128xf32, #tpu.memory_space<vmem_shared>>
      tpu.enqueue_dma source(%dma_start3A_194 : memref<640x128xf32, #tpu.memory_space<vmem_shared>>) target(%dma_start3A_192 : memref<640x128xf32, #tpu.memory_space<hbm>>) target_semaphore(%run_scoped3A : memref<!tpu.dma_semaphore, #tpu.memory_space<semaphore_mem>>)
      %dma_wait3A_195 = arith.constant 0 : i32
      %dma_wait3A_196 = tpu.memref_slice %arg5[%add3A_190, %dma_wait3A_195] : memref<20480x128xf32, #tpu.memory_space<hbm>> -> memref<640x128xf32, #tpu.memory_space<hbm>>
      %dma_wait3A_197 = arith.constant 0 : i32
      %dma_wait3A_198 = tpu.memref_slice %arg13[%mul3A_185, %dma_wait3A_197] : memref<10240x128xf32, #tpu.memory_space<vmem_shared>> -> memref<640x128xf32, #tpu.memory_space<vmem_shared>>
      tpu.wait_dma2 semaphore(%run_scoped3A : memref<!tpu.dma_semaphore, #tpu.memory_space<semaphore_mem>>) src(%dma_wait3A_198 : memref<640x128xf32, #tpu.memory_space<vmem_shared>>) dst(%dma_wait3A_196 : memref<640x128xf32, #tpu.memory_space<hbm>>)
      tpu.yield
    }) : () -> ()
    return
  }
}

#map = affine_map<(d0, d1) -> (0, 0)>
#map1 = affine_map<(d0, d1) -> (0)>
module attributes {stable_mosaic.version = 14 : i64} {
  func.func @_agg_body(%arg0: i32, %arg1: i32, %arg2: memref<10000x128xf32, #tpu.memory_space<hbm>>, %arg3: memref<320000xi32, #tpu.memory_space<hbm>>, %arg4: memref<320000xi32, #tpu.memory_space<hbm>>, %arg5: memref<20480x128xf32, #tpu.memory_space<hbm>>, %arg6: memref<10000xi32, #tpu.memory_space<vmem>>, %arg7: memref<80x128xf32, #tpu.memory_space<vmem>>, %arg8: memref<80x128xf32, #tpu.memory_space<vmem>>, %arg9: memref<80x128xf32, #tpu.memory_space<vmem>>, %arg10: memref<80xi32, #tpu.memory_space<vmem>>, %arg11: memref<80xi32, #tpu.memory_space<vmem>>, %arg12: memref<80xi32, #tpu.memory_space<vmem>>, %arg13: memref<10240x128xf32, #tpu.memory_space<vmem_shared>>, %arg14: memref<!tpu.dma_semaphore, #tpu.memory_space<semaphore_mem>>, %arg15: memref<!tpu.dma_semaphore, #tpu.memory_space<semaphore_mem>>, %arg16: memref<!tpu.dma_semaphore, #tpu.memory_space<semaphore_mem>>, %arg17: memref<!tpu.dma_semaphore, #tpu.memory_space<semaphore_mem>>, %arg18: memref<!tpu.dma_semaphore, #tpu.memory_space<semaphore_mem>>, %arg19: memref<!tpu.dma_semaphore, #tpu.memory_space<semaphore_mem>>, %arg20: memref<!tpu.dma_semaphore, #tpu.memory_space<semaphore_mem>>, %arg21: memref<!tpu.dma_semaphore, #tpu.memory_space<semaphore_mem>>, %arg22: memref<!tpu.dma_semaphore, #tpu.memory_space<semaphore_mem>>, %arg23: memref<!tpu.dma_semaphore, #tpu.memory_space<semaphore_mem>>) attributes {dimension_semantics = [#tpu.dimension_semantics<core_parallel>, #tpu.dimension_semantics<subcore_parallel>], iteration_bounds = array<i64: 2, 16>, scalar_prefetch = 0 : i64, scratch_operands = 18 : i64, tpu.core_type = #tpu.core_type<sc_vector_subcore>, window_params = [{transform_indices = #map}, {transform_indices = #map1}, {transform_indices = #map1}, {transform_indices = #map}]} {
    %mul3A = arith.constant 2 : i32
    %mul3A_0 = arith.muli %arg1, %mul3A : i32
    %add3A = arith.addi %mul3A_0, %arg0 : i32
    %mul3A_1 = arith.constant 10000 : i32
    %mul3A_2 = arith.muli %add3A, %mul3A_1 : i32
    "tpu.region"() ({
      %run_scoped3A = tpu.sem_alloc : memref<!tpu.dma_semaphore, #tpu.memory_space<semaphore_mem>>
      %dma_start3A_191 = tpu.memref_slice %arg3[%mul3A_2] : memref<320000xi32, #tpu.memory_space<hbm>> -> memref<10000xi32, #tpu.memory_space<hbm>>
      %dma_start3A_192 = tpu.memref_slice %arg3[%mul3A_2] : memref<320000xi32, #tpu.memory_space<hbm>> -> memref<10000xi32, #tpu.memory_space<hbm>>
      tpu.enqueue_dma source(%dma_start3A_192 : memref<10000xi32, #tpu.memory_space<hbm>>) target(%arg6 : memref<10000xi32, #tpu.memory_space<vmem>>) target_semaphore(%run_scoped3A : memref<!tpu.dma_semaphore, #tpu.memory_space<semaphore_mem>>)
      %dma_wait3A_193 = tpu.memref_slice %arg3[%mul3A_2] : memref<320000xi32, #tpu.memory_space<hbm>> -> memref<10000xi32, #tpu.memory_space<hbm>>
      %dma_wait3A_194 = tpu.memref_slice %arg3[%mul3A_2] : memref<320000xi32, #tpu.memory_space<hbm>> -> memref<10000xi32, #tpu.memory_space<hbm>>
      tpu.wait_dma2 semaphore(%run_scoped3A : memref<!tpu.dma_semaphore, #tpu.memory_space<semaphore_mem>>) src(%dma_wait3A_194 : memref<10000xi32, #tpu.memory_space<hbm>>) dst(%arg6 : memref<10000xi32, #tpu.memory_space<vmem>>)
      tpu.yield
    }) : () -> ()
    %add3A_3 = arith.constant 0 : i32
    %add3A_4 = arith.addi %mul3A_2, %add3A_3 : i32
    %dma_start3A = tpu.memref_slice %arg4[%add3A_4] : memref<320000xi32, #tpu.memory_space<hbm>> -> memref<80xi32, #tpu.memory_space<hbm>>
    %dma_start3A_5 = tpu.memref_slice %arg4[%add3A_4] : memref<320000xi32, #tpu.memory_space<hbm>> -> memref<80xi32, #tpu.memory_space<hbm>>
    tpu.enqueue_dma source(%dma_start3A_5 : memref<80xi32, #tpu.memory_space<hbm>>) target(%arg10 : memref<80xi32, #tpu.memory_space<vmem>>) target_semaphore(%arg20 : memref<!tpu.dma_semaphore, #tpu.memory_space<semaphore_mem>>)
    %dma_start3A_6 = arith.constant 0 : i32
    %dma_start3A_7 = tpu.memref_slice %arg6[%dma_start3A_6] : memref<10000xi32, #tpu.memory_space<vmem>> -> memref<80xi32, #tpu.memory_space<vmem>>
    %dma_start3A_8 = arith.constant 0 : i32
    %dma_start3A_9 = arith.constant 0 : i32
    %dma_start3A_10 = tpu.memref_slice %arg2[%dma_start3A_8, %dma_start3A_9] : memref<10000x128xf32, #tpu.memory_space<hbm>> -> memref<10000x128xf32, #tpu.memory_space<hbm>>
    tpu.enqueue_indirect_dma source(%dma_start3A_10 : memref<10000x128xf32, #tpu.memory_space<hbm>>) target(%arg7 : memref<80x128xf32, #tpu.memory_space<vmem>>) offsets(%dma_start3A_7 : memref<80xi32, #tpu.memory_space<vmem>>) semaphore(%arg14 : memref<!tpu.dma_semaphore, #tpu.memory_space<semaphore_mem>>)
    %add3A_11 = arith.constant 80 : i32
    %add3A_12 = arith.addi %mul3A_2, %add3A_11 : i32
    %dma_start3A_13 = tpu.memref_slice %arg4[%add3A_12] : memref<320000xi32, #tpu.memory_space<hbm>> -> memref<80xi32, #tpu.memory_space<hbm>>
    %dma_start3A_14 = tpu.memref_slice %arg4[%add3A_12] : memref<320000xi32, #tpu.memory_space<hbm>> -> memref<80xi32, #tpu.memory_space<hbm>>
    tpu.enqueue_dma source(%dma_start3A_14 : memref<80xi32, #tpu.memory_space<hbm>>) target(%arg11 : memref<80xi32, #tpu.memory_space<vmem>>) target_semaphore(%arg21 : memref<!tpu.dma_semaphore, #tpu.memory_space<semaphore_mem>>)
    %dma_start3A_15 = arith.constant 80 : i32
    %dma_start3A_16 = tpu.memref_slice %arg6[%dma_start3A_15] : memref<10000xi32, #tpu.memory_space<vmem>> -> memref<80xi32, #tpu.memory_space<vmem>>
    %dma_start3A_17 = arith.constant 0 : i32
    %dma_start3A_18 = arith.constant 0 : i32
    %dma_start3A_19 = tpu.memref_slice %arg2[%dma_start3A_17, %dma_start3A_18] : memref<10000x128xf32, #tpu.memory_space<hbm>> -> memref<10000x128xf32, #tpu.memory_space<hbm>>
    tpu.enqueue_indirect_dma source(%dma_start3A_19 : memref<10000x128xf32, #tpu.memory_space<hbm>>) target(%arg8 : memref<80x128xf32, #tpu.memory_space<vmem>>) offsets(%dma_start3A_16 : memref<80xi32, #tpu.memory_space<vmem>>) semaphore(%arg15 : memref<!tpu.dma_semaphore, #tpu.memory_space<semaphore_mem>>)
    %scan3A = arith.constant 0 : i32
    %scan3A_20 = arith.constant 0 : i32
    %scan3A_21 = arith.constant 80 : i32
    %scan3A_22 = arith.addi %scan3A_20, %scan3A_21 : i32
    %scan3A_23 = arith.constant 1 : i32
    scf.for %scan3A_191 = %scan3A_20 to %scan3A_22 step %scan3A_23  : i32 {
      %broadcast_in_dim3A = arith.constant 0.000000e+00 : f32
      %broadcast_in_dim3A_192 = vector.broadcast %broadcast_in_dim3A : f32 to vector<16xf32>
      %swap3A = arith.index_cast %scan3A_191 : i32 to index
      %swap3A_193 = arith.constant 0 : index
      %swap3A_194 = tpu.vector_load %arg9[%swap3A, %swap3A_193] {strides = array<i32>} : memref<80x128xf32, #tpu.memory_space<vmem>>, vector<1x16xf32>,
      %swap3A_195 = vector.shape_cast %swap3A_194 : vector<1x16xf32> to vector<16xf32>
      %swap3A_196 = vector.shape_cast %broadcast_in_dim3A_192 : vector<16xf32> to vector<1x16xf32>
      tpu.vector_store %arg9[%swap3A, %swap3A_193], %swap3A_196 {strides = array<i32>} : memref<80x128xf32, #tpu.memory_space<vmem>>, vector<1x16xf32>,
      %broadcast_in_dim3A_197 = arith.constant 0.000000e+00 : f32
      %broadcast_in_dim3A_198 = vector.broadcast %broadcast_in_dim3A_197 : f32 to vector<16xf32>
      %swap3A_199 = arith.index_cast %scan3A_191 : i32 to index
      %swap3A_200 = arith.constant 16 : index
      %swap3A_201 = tpu.vector_load %arg9[%swap3A_199, %swap3A_200] {strides = array<i32>} : memref<80x128xf32, #tpu.memory_space<vmem>>, vector<1x16xf32>,
      %swap3A_202 = vector.shape_cast %swap3A_201 : vector<1x16xf32> to vector<16xf32>
      %swap3A_203 = vector.shape_cast %broadcast_in_dim3A_198 : vector<16xf32> to vector<1x16xf32>
      tpu.vector_store %arg9[%swap3A_199, %swap3A_200], %swap3A_203 {strides = array<i32>} : memref<80x128xf32, #tpu.memory_space<vmem>>, vector<1x16xf32>,
      %broadcast_in_dim3A_204 = arith.constant 0.000000e+00 : f32
      %broadcast_in_dim3A_205 = vector.broadcast %broadcast_in_dim3A_204 : f32 to vector<16xf32>
      %swap3A_206 = arith.index_cast %scan3A_191 : i32 to index
      %swap3A_207 = arith.constant 32 : index
      %swap3A_208 = tpu.vector_load %arg9[%swap3A_206, %swap3A_207] {strides = array<i32>} : memref<80x128xf32, #tpu.memory_space<vmem>>, vector<1x16xf32>,
      %swap3A_209 = vector.shape_cast %swap3A_208 : vector<1x16xf32> to vector<16xf32>
      %swap3A_210 = vector.shape_cast %broadcast_in_dim3A_205 : vector<16xf32> to vector<1x16xf32>
      tpu.vector_store %arg9[%swap3A_206, %swap3A_207], %swap3A_210 {strides = array<i32>} : memref<80x128xf32, #tpu.memory_space<vmem>>, vector<1x16xf32>,
      %broadcast_in_dim3A_211 = arith.constant 0.000000e+00 : f32
      %broadcast_in_dim3A_212 = vector.broadcast %broadcast_in_dim3A_211 : f32 to vector<16xf32>
      %swap3A_213 = arith.index_cast %scan3A_191 : i32 to index
      %swap3A_214 = arith.constant 48 : index
      %swap3A_215 = tpu.vector_load %arg9[%swap3A_213, %swap3A_214] {strides = array<i32>} : memref<80x128xf32, #tpu.memory_space<vmem>>, vector<1x16xf32>,
      %swap3A_216 = vector.shape_cast %swap3A_215 : vector<1x16xf32> to vector<16xf32>
      %swap3A_217 = vector.shape_cast %broadcast_in_dim3A_212 : vector<16xf32> to vector<1x16xf32>
      tpu.vector_store %arg9[%swap3A_213, %swap3A_214], %swap3A_217 {strides = array<i32>} : memref<80x128xf32, #tpu.memory_space<vmem>>, vector<1x16xf32>,
      %broadcast_in_dim3A_218 = arith.constant 0.000000e+00 : f32
      %broadcast_in_dim3A_219 = vector.broadcast %broadcast_in_dim3A_218 : f32 to vector<16xf32>
      %swap3A_220 = arith.index_cast %scan3A_191 : i32 to index
      %swap3A_221 = arith.constant 64 : index
      %swap3A_222 = tpu.vector_load %arg9[%swap3A_220, %swap3A_221] {strides = array<i32>} : memref<80x128xf32, #tpu.memory_space<vmem>>, vector<1x16xf32>,
      %swap3A_223 = vector.shape_cast %swap3A_222 : vector<1x16xf32> to vector<16xf32>
      %swap3A_224 = vector.shape_cast %broadcast_in_dim3A_219 : vector<16xf32> to vector<1x16xf32>
      tpu.vector_store %arg9[%swap3A_220, %swap3A_221], %swap3A_224 {strides = array<i32>} : memref<80x128xf32, #tpu.memory_space<vmem>>, vector<1x16xf32>,
      %broadcast_in_dim3A_225 = arith.constant 0.000000e+00 : f32
      %broadcast_in_dim3A_226 = vector.broadcast %broadcast_in_dim3A_225 : f32 to vector<16xf32>
      %swap3A_227 = arith.index_cast %scan3A_191 : i32 to index
      %swap3A_228 = arith.constant 80 : index
      %swap3A_229 = tpu.vector_load %arg9[%swap3A_227, %swap3A_228] {strides = array<i32>} : memref<80x128xf32, #tpu.memory_space<vmem>>, vector<1x16xf32>,
      %swap3A_230 = vector.shape_cast %swap3A_229 : vector<1x16xf32> to vector<16xf32>
      %swap3A_231 = vector.shape_cast %broadcast_in_dim3A_226 : vector<16xf32> to vector<1x16xf32>
      tpu.vector_store %arg9[%swap3A_227, %swap3A_228], %swap3A_231 {strides = array<i32>} : memref<80x128xf32, #tpu.memory_space<vmem>>, vector<1x16xf32>,
      %broadcast_in_dim3A_232 = arith.constant 0.000000e+00 : f32
      %broadcast_in_dim3A_233 = vector.broadcast %broadcast_in_dim3A_232 : f32 to vector<16xf32>
      %swap3A_234 = arith.index_cast %scan3A_191 : i32 to index
      %swap3A_235 = arith.constant 96 : index
      %swap3A_236 = tpu.vector_load %arg9[%swap3A_234, %swap3A_235] {strides = array<i32>} : memref<80x128xf32, #tpu.memory_space<vmem>>, vector<1x16xf32>,
      %swap3A_237 = vector.shape_cast %swap3A_236 : vector<1x16xf32> to vector<16xf32>
      %swap3A_238 = vector.shape_cast %broadcast_in_dim3A_233 : vector<16xf32> to vector<1x16xf32>
      tpu.vector_store %arg9[%swap3A_234, %swap3A_235], %swap3A_238 {strides = array<i32>} : memref<80x128xf32, #tpu.memory_space<vmem>>, vector<1x16xf32>,
      %broadcast_in_dim3A_239 = arith.constant 0.000000e+00 : f32
      %broadcast_in_dim3A_240 = vector.broadcast %broadcast_in_dim3A_239 : f32 to vector<16xf32>
      %swap3A_241 = arith.index_cast %scan3A_191 : i32 to index
      %swap3A_242 = arith.constant 112 : index
      %swap3A_243 = tpu.vector_load %arg9[%swap3A_241, %swap3A_242] {strides = array<i32>} : memref<80x128xf32, #tpu.memory_space<vmem>>, vector<1x16xf32>,
      %swap3A_244 = vector.shape_cast %swap3A_243 : vector<1x16xf32> to vector<16xf32>
      %swap3A_245 = vector.shape_cast %broadcast_in_dim3A_240 : vector<16xf32> to vector<1x16xf32>
      tpu.vector_store %arg9[%swap3A_241, %swap3A_242], %swap3A_245 {strides = array<i32>} : memref<80x128xf32, #tpu.memory_space<vmem>>, vector<1x16xf32>,
    }
    %scan3A_24 = arith.constant 80 : i32
    %mul3A_25 = arith.constant 640 : i32
    %mul3A_26 = arith.muli %arg1, %mul3A_25 : i32
    %add3A_27 = arith.constant 0 : i32
    %add3A_28 = arith.addi %mul3A_26, %add3A_27 : i32
    %dma_start3A_29 = arith.constant 0 : i32
    %dma_start3A_30 = tpu.memref_slice %arg13[%add3A_28, %dma_start3A_29] : memref<10240x128xf32, #tpu.memory_space<vmem_shared>> -> memref<80x128xf32, #tpu.memory_space<vmem_shared>>
    %dma_start3A_31 = arith.constant 0 : i32
    %dma_start3A_32 = tpu.memref_slice %arg13[%add3A_28, %dma_start3A_31] : memref<10240x128xf32, #tpu.memory_space<vmem_shared>> -> memref<80x128xf32, #tpu.memory_space<vmem_shared>>
    tpu.enqueue_dma source(%arg9 : memref<80x128xf32, #tpu.memory_space<vmem>>) target(%dma_start3A_32 : memref<80x128xf32, #tpu.memory_space<vmem_shared>>) target_semaphore(%arg23 : memref<!tpu.dma_semaphore, #tpu.memory_space<semaphore_mem>>)
    %mul3A_33 = arith.constant 640 : i32
    %mul3A_34 = arith.muli %arg1, %mul3A_33 : i32
    %add3A_35 = arith.constant 80 : i32
    %add3A_36 = arith.addi %mul3A_34, %add3A_35 : i32
    %dma_start3A_37 = arith.constant 0 : i32
    %dma_start3A_38 = tpu.memref_slice %arg13[%add3A_36, %dma_start3A_37] : memref<10240x128xf32, #tpu.memory_space<vmem_shared>> -> memref<80x128xf32, #tpu.memory_space<vmem_shared>>
    %dma_start3A_39 = arith.constant 0 : i32
    %dma_start3A_40 = tpu.memref_slice %arg13[%add3A_36, %dma_start3A_39] : memref<10240x128xf32, #tpu.memory_space<vmem_shared>> -> memref<80x128xf32, #tpu.memory_space<vmem_shared>>
    tpu.enqueue_dma source(%arg9 : memref<80x128xf32, #tpu.memory_space<vmem>>) target(%dma_start3A_40 : memref<80x128xf32, #tpu.memory_space<vmem_shared>>) target_semaphore(%arg23 : memref<!tpu.dma_semaphore, #tpu.memory_space<semaphore_mem>>)
    %mul3A_41 = arith.constant 640 : i32
    %mul3A_42 = arith.muli %arg1, %mul3A_41 : i32
    %add3A_43 = arith.constant 160 : i32
    %add3A_44 = arith.addi %mul3A_42, %add3A_43 : i32
    %dma_start3A_45 = arith.constant 0 : i32
    %dma_start3A_46 = tpu.memref_slice %arg13[%add3A_44, %dma_start3A_45] : memref<10240x128xf32, #tpu.memory_space<vmem_shared>> -> memref<80x128xf32, #tpu.memory_space<vmem_shared>>
    %dma_start3A_47 = arith.constant 0 : i32
    %dma_start3A_48 = tpu.memref_slice %arg13[%add3A_44, %dma_start3A_47] : memref<10240x128xf32, #tpu.memory_space<vmem_shared>> -> memref<80x128xf32, #tpu.memory_space<vmem_shared>>
    tpu.enqueue_dma source(%arg9 : memref<80x128xf32, #tpu.memory_space<vmem>>) target(%dma_start3A_48 : memref<80x128xf32, #tpu.memory_space<vmem_shared>>) target_semaphore(%arg23 : memref<!tpu.dma_semaphore, #tpu.memory_space<semaphore_mem>>)
    %mul3A_49 = arith.constant 640 : i32
    %mul3A_50 = arith.muli %arg1, %mul3A_49 : i32
    %add3A_51 = arith.constant 240 : i32
    %add3A_52 = arith.addi %mul3A_50, %add3A_51 : i32
    %dma_start3A_53 = arith.constant 0 : i32
    %dma_start3A_54 = tpu.memref_slice %arg13[%add3A_52, %dma_start3A_53] : memref<10240x128xf32, #tpu.memory_space<vmem_shared>> -> memref<80x128xf32, #tpu.memory_space<vmem_shared>>
    %dma_start3A_55 = arith.constant 0 : i32
    %dma_start3A_56 = tpu.memref_slice %arg13[%add3A_52, %dma_start3A_55] : memref<10240x128xf32, #tpu.memory_space<vmem_shared>> -> memref<80x128xf32, #tpu.memory_space<vmem_shared>>
    tpu.enqueue_dma source(%arg9 : memref<80x128xf32, #tpu.memory_space<vmem>>) target(%dma_start3A_56 : memref<80x128xf32, #tpu.memory_space<vmem_shared>>) target_semaphore(%arg23 : memref<!tpu.dma_semaphore, #tpu.memory_space<semaphore_mem>>)
    %mul3A_57 = arith.constant 640 : i32
    %mul3A_58 = arith.muli %arg1, %mul3A_57 : i32
    %add3A_59 = arith.constant 320 : i32
    %add3A_60 = arith.addi %mul3A_58, %add3A_59 : i32
    %dma_start3A_61 = arith.constant 0 : i32
    %dma_start3A_62 = tpu.memref_slice %arg13[%add3A_60, %dma_start3A_61] : memref<10240x128xf32, #tpu.memory_space<vmem_shared>> -> memref<80x128xf32, #tpu.memory_space<vmem_shared>>
    %dma_start3A_63 = arith.constant 0 : i32
    %dma_start3A_64 = tpu.memref_slice %arg13[%add3A_60, %dma_start3A_63] : memref<10240x128xf32, #tpu.memory_space<vmem_shared>> -> memref<80x128xf32, #tpu.memory_space<vmem_shared>>
    tpu.enqueue_dma source(%arg9 : memref<80x128xf32, #tpu.memory_space<vmem>>) target(%dma_start3A_64 : memref<80x128xf32, #tpu.memory_space<vmem_shared>>) target_semaphore(%arg23 : memref<!tpu.dma_semaphore, #tpu.memory_space<semaphore_mem>>)
    %mul3A_65 = arith.constant 640 : i32
    %mul3A_66 = arith.muli %arg1, %mul3A_65 : i32
    %add3A_67 = arith.constant 400 : i32
    %add3A_68 = arith.addi %mul3A_66, %add3A_67 : i32
    %dma_start3A_69 = arith.constant 0 : i32
    %dma_start3A_70 = tpu.memref_slice %arg13[%add3A_68, %dma_start3A_69] : memref<10240x128xf32, #tpu.memory_space<vmem_shared>> -> memref<80x128xf32, #tpu.memory_space<vmem_shared>>
    %dma_start3A_71 = arith.constant 0 : i32
    %dma_start3A_72 = tpu.memref_slice %arg13[%add3A_68, %dma_start3A_71] : memref<10240x128xf32, #tpu.memory_space<vmem_shared>> -> memref<80x128xf32, #tpu.memory_space<vmem_shared>>
    tpu.enqueue_dma source(%arg9 : memref<80x128xf32, #tpu.memory_space<vmem>>) target(%dma_start3A_72 : memref<80x128xf32, #tpu.memory_space<vmem_shared>>) target_semaphore(%arg23 : memref<!tpu.dma_semaphore, #tpu.memory_space<semaphore_mem>>)
    %mul3A_73 = arith.constant 640 : i32
    %mul3A_74 = arith.muli %arg1, %mul3A_73 : i32
    %add3A_75 = arith.constant 480 : i32
    %add3A_76 = arith.addi %mul3A_74, %add3A_75 : i32
    %dma_start3A_77 = arith.constant 0 : i32
    %dma_start3A_78 = tpu.memref_slice %arg13[%add3A_76, %dma_start3A_77] : memref<10240x128xf32, #tpu.memory_space<vmem_shared>> -> memref<80x128xf32, #tpu.memory_space<vmem_shared>>
    %dma_start3A_79 = arith.constant 0 : i32
    %dma_start3A_80 = tpu.memref_slice %arg13[%add3A_76, %dma_start3A_79] : memref<10240x128xf32, #tpu.memory_space<vmem_shared>> -> memref<80x128xf32, #tpu.memory_space<vmem_shared>>
    tpu.enqueue_dma source(%arg9 : memref<80x128xf32, #tpu.memory_space<vmem>>) target(%dma_start3A_80 : memref<80x128xf32, #tpu.memory_space<vmem_shared>>) target_semaphore(%arg23 : memref<!tpu.dma_semaphore, #tpu.memory_space<semaphore_mem>>)
    %mul3A_81 = arith.constant 640 : i32
    %mul3A_82 = arith.muli %arg1, %mul3A_81 : i32
    %add3A_83 = arith.constant 560 : i32
    %add3A_84 = arith.addi %mul3A_82, %add3A_83 : i32
    %dma_start3A_85 = arith.constant 0 : i32
    %dma_start3A_86 = tpu.memref_slice %arg13[%add3A_84, %dma_start3A_85] : memref<10240x128xf32, #tpu.memory_space<vmem_shared>> -> memref<80x128xf32, #tpu.memory_space<vmem_shared>>
    %dma_start3A_87 = arith.constant 0 : i32
    %dma_start3A_88 = tpu.memref_slice %arg13[%add3A_84, %dma_start3A_87] : memref<10240x128xf32, #tpu.memory_space<vmem_shared>> -> memref<80x128xf32, #tpu.memory_space<vmem_shared>>
    tpu.enqueue_dma source(%arg9 : memref<80x128xf32, #tpu.memory_space<vmem>>) target(%dma_start3A_88 : memref<80x128xf32, #tpu.memory_space<vmem_shared>>) target_semaphore(%arg19 : memref<!tpu.dma_semaphore, #tpu.memory_space<semaphore_mem>>)
    %mul3A_89 = arith.constant 640 : i32
    %mul3A_90 = arith.muli %arg1, %mul3A_89 : i32
    %add3A_91 = arith.constant 0 : i32
    %add3A_92 = arith.addi %mul3A_90, %add3A_91 : i32
    %dma_wait3A = arith.constant 0 : i32
    %dma_wait3A_93 = tpu.memref_slice %arg13[%add3A_92, %dma_wait3A] : memref<10240x128xf32, #tpu.memory_space<vmem_shared>> -> memref<80x128xf32, #tpu.memory_space<vmem_shared>>
    %dma_wait3A_94 = arith.constant 0 : i32
    %dma_wait3A_95 = tpu.memref_slice %arg13[%add3A_92, %dma_wait3A_94] : memref<10240x128xf32, #tpu.memory_space<vmem_shared>> -> memref<80x128xf32, #tpu.memory_space<vmem_shared>>
    tpu.wait_dma2 semaphore(%arg23 : memref<!tpu.dma_semaphore, #tpu.memory_space<semaphore_mem>>) src(%arg9 : memref<80x128xf32, #tpu.memory_space<vmem>>) dst(%dma_wait3A_95 : memref<80x128xf32, #tpu.memory_space<vmem_shared>>)
    %mul3A_96 = arith.constant 640 : i32
    %mul3A_97 = arith.muli %arg1, %mul3A_96 : i32
    %add3A_98 = arith.constant 80 : i32
    %add3A_99 = arith.addi %mul3A_97, %add3A_98 : i32
    %dma_wait3A_100 = arith.constant 0 : i32
    %dma_wait3A_101 = tpu.memref_slice %arg13[%add3A_99, %dma_wait3A_100] : memref<10240x128xf32, #tpu.memory_space<vmem_shared>> -> memref<80x128xf32, #tpu.memory_space<vmem_shared>>
    %dma_wait3A_102 = arith.constant 0 : i32
    %dma_wait3A_103 = tpu.memref_slice %arg13[%add3A_99, %dma_wait3A_102] : memref<10240x128xf32, #tpu.memory_space<vmem_shared>> -> memref<80x128xf32, #tpu.memory_space<vmem_shared>>
    tpu.wait_dma2 semaphore(%arg23 : memref<!tpu.dma_semaphore, #tpu.memory_space<semaphore_mem>>) src(%arg9 : memref<80x128xf32, #tpu.memory_space<vmem>>) dst(%dma_wait3A_103 : memref<80x128xf32, #tpu.memory_space<vmem_shared>>)
    %mul3A_104 = arith.constant 640 : i32
    %mul3A_105 = arith.muli %arg1, %mul3A_104 : i32
    %add3A_106 = arith.constant 160 : i32
    %add3A_107 = arith.addi %mul3A_105, %add3A_106 : i32
    %dma_wait3A_108 = arith.constant 0 : i32
    %dma_wait3A_109 = tpu.memref_slice %arg13[%add3A_107, %dma_wait3A_108] : memref<10240x128xf32, #tpu.memory_space<vmem_shared>> -> memref<80x128xf32, #tpu.memory_space<vmem_shared>>
    %dma_wait3A_110 = arith.constant 0 : i32
    %dma_wait3A_111 = tpu.memref_slice %arg13[%add3A_107, %dma_wait3A_110] : memref<10240x128xf32, #tpu.memory_space<vmem_shared>> -> memref<80x128xf32, #tpu.memory_space<vmem_shared>>
    tpu.wait_dma2 semaphore(%arg23 : memref<!tpu.dma_semaphore, #tpu.memory_space<semaphore_mem>>) src(%arg9 : memref<80x128xf32, #tpu.memory_space<vmem>>) dst(%dma_wait3A_111 : memref<80x128xf32, #tpu.memory_space<vmem_shared>>)
    %mul3A_112 = arith.constant 640 : i32
    %mul3A_113 = arith.muli %arg1, %mul3A_112 : i32
    %add3A_114 = arith.constant 240 : i32
    %add3A_115 = arith.addi %mul3A_113, %add3A_114 : i32
    %dma_wait3A_116 = arith.constant 0 : i32
    %dma_wait3A_117 = tpu.memref_slice %arg13[%add3A_115, %dma_wait3A_116] : memref<10240x128xf32, #tpu.memory_space<vmem_shared>> -> memref<80x128xf32, #tpu.memory_space<vmem_shared>>
    %dma_wait3A_118 = arith.constant 0 : i32
    %dma_wait3A_119 = tpu.memref_slice %arg13[%add3A_115, %dma_wait3A_118] : memref<10240x128xf32, #tpu.memory_space<vmem_shared>> -> memref<80x128xf32, #tpu.memory_space<vmem_shared>>
    tpu.wait_dma2 semaphore(%arg23 : memref<!tpu.dma_semaphore, #tpu.memory_space<semaphore_mem>>) src(%arg9 : memref<80x128xf32, #tpu.memory_space<vmem>>) dst(%dma_wait3A_119 : memref<80x128xf32, #tpu.memory_space<vmem_shared>>)
    %mul3A_120 = arith.constant 640 : i32
    %mul3A_121 = arith.muli %arg1, %mul3A_120 : i32
    %add3A_122 = arith.constant 320 : i32
    %add3A_123 = arith.addi %mul3A_121, %add3A_122 : i32
    %dma_wait3A_124 = arith.constant 0 : i32
    %dma_wait3A_125 = tpu.memref_slice %arg13[%add3A_123, %dma_wait3A_124] : memref<10240x128xf32, #tpu.memory_space<vmem_shared>> -> memref<80x128xf32, #tpu.memory_space<vmem_shared>>
    %dma_wait3A_126 = arith.constant 0 : i32
    %dma_wait3A_127 = tpu.memref_slice %arg13[%add3A_123, %dma_wait3A_126] : memref<10240x128xf32, #tpu.memory_space<vmem_shared>> -> memref<80x128xf32, #tpu.memory_space<vmem_shared>>
    tpu.wait_dma2 semaphore(%arg23 : memref<!tpu.dma_semaphore, #tpu.memory_space<semaphore_mem>>) src(%arg9 : memref<80x128xf32, #tpu.memory_space<vmem>>) dst(%dma_wait3A_127 : memref<80x128xf32, #tpu.memory_space<vmem_shared>>)
    %mul3A_128 = arith.constant 640 : i32
    %mul3A_129 = arith.muli %arg1, %mul3A_128 : i32
    %add3A_130 = arith.constant 400 : i32
    %add3A_131 = arith.addi %mul3A_129, %add3A_130 : i32
    %dma_wait3A_132 = arith.constant 0 : i32
    %dma_wait3A_133 = tpu.memref_slice %arg13[%add3A_131, %dma_wait3A_132] : memref<10240x128xf32, #tpu.memory_space<vmem_shared>> -> memref<80x128xf32, #tpu.memory_space<vmem_shared>>
    %dma_wait3A_134 = arith.constant 0 : i32
    %dma_wait3A_135 = tpu.memref_slice %arg13[%add3A_131, %dma_wait3A_134] : memref<10240x128xf32, #tpu.memory_space<vmem_shared>> -> memref<80x128xf32, #tpu.memory_space<vmem_shared>>
    tpu.wait_dma2 semaphore(%arg23 : memref<!tpu.dma_semaphore, #tpu.memory_space<semaphore_mem>>) src(%arg9 : memref<80x128xf32, #tpu.memory_space<vmem>>) dst(%dma_wait3A_135 : memref<80x128xf32, #tpu.memory_space<vmem_shared>>)
    %mul3A_136 = arith.constant 640 : i32
    %mul3A_137 = arith.muli %arg1, %mul3A_136 : i32
    %add3A_138 = arith.constant 480 : i32
    %add3A_139 = arith.addi %mul3A_137, %add3A_138 : i32
    %dma_wait3A_140 = arith.constant 0 : i32
    %dma_wait3A_141 = tpu.memref_slice %arg13[%add3A_139, %dma_wait3A_140] : memref<10240x128xf32, #tpu.memory_space<vmem_shared>> -> memref<80x128xf32, #tpu.memory_space<vmem_shared>>
    %dma_wait3A_142 = arith.constant 0 : i32
    %dma_wait3A_143 = tpu.memref_slice %arg13[%add3A_139, %dma_wait3A_142] : memref<10240x128xf32, #tpu.memory_space<vmem_shared>> -> memref<80x128xf32, #tpu.memory_space<vmem_shared>>
    tpu.wait_dma2 semaphore(%arg23 : memref<!tpu.dma_semaphore, #tpu.memory_space<semaphore_mem>>) src(%arg9 : memref<80x128xf32, #tpu.memory_space<vmem>>) dst(%dma_wait3A_143 : memref<80x128xf32, #tpu.memory_space<vmem_shared>>)
    %barrier3A = arith.constant 0 : index
    tpu.barrier barrier_id(%barrier3A)
    %scan3A_144 = arith.constant 0 : i32
    %scan3A_145 = arith.constant 0 : i32
    %scan3A_146 = arith.constant 41 : i32
    %scan3A_147 = arith.addi %scan3A_145, %scan3A_146 : i32
    %scan3A_148 = arith.constant 1 : i32
    scf.for %scan3A_191 = %scan3A_145 to %scan3A_147 step %scan3A_148  : i32 {
      %mul3A_192 = arith.constant 3 : i32
      %mul3A_193 = arith.muli %scan3A_191, %mul3A_192 : i32
      %add3A_194 = arith.constant 0 : i32
      %add3A_195 = arith.addi %mul3A_193, %add3A_194 : i32
      %dma_wait3A_196 = arith.constant 0 : i32
      %dma_wait3A_197 = arith.constant 0 : i32
      %dma_wait3A_198 = tpu.memref_slice %arg13[%dma_wait3A_196, %dma_wait3A_197] : memref<10240x128xf32, #tpu.memory_space<vmem_shared>> -> memref<10240x128xf32, #tpu.memory_space<vmem_shared>>
      tpu.wait_indirect_dma semaphore(%arg19 : memref<!tpu.dma_semaphore, #tpu.memory_space<semaphore_mem>>) src(%arg9 : memref<80x128xf32, #tpu.memory_space<vmem>>) dst(%dma_wait3A_198 : memref<10240x128xf32, #tpu.memory_space<vmem_shared>>)
      %add3A_199 = arith.constant 2 : i32
      %add3A_200 = arith.addi %add3A_195, %add3A_199 : i32
      %mul3A_201 = arith.constant 80 : i32
      %mul3A_202 = arith.muli %add3A_200, %mul3A_201 : i32
      %add3A_203 = arith.addi %mul3A_2, %mul3A_202 : i32
      %dma_start3A_204 = tpu.memref_slice %arg4[%add3A_203] : memref<320000xi32, #tpu.memory_space<hbm>> -> memref<80xi32, #tpu.memory_space<hbm>>
      %dma_start3A_205 = tpu.memref_slice %arg4[%add3A_203] : memref<320000xi32, #tpu.memory_space<hbm>> -> memref<80xi32, #tpu.memory_space<hbm>>
      tpu.enqueue_dma source(%dma_start3A_205 : memref<80xi32, #tpu.memory_space<hbm>>) target(%arg12 : memref<80xi32, #tpu.memory_space<vmem>>) target_semaphore(%arg22 : memref<!tpu.dma_semaphore, #tpu.memory_space<semaphore_mem>>)
      %mul3A_206 = arith.constant 80 : i32
      %mul3A_207 = arith.muli %add3A_200, %mul3A_206 : i32
      %dma_start3A_208 = tpu.memref_slice %arg6[%mul3A_207] : memref<10000xi32, #tpu.memory_space<vmem>> -> memref<80xi32, #tpu.memory_space<vmem>>
      %dma_start3A_209 = arith.constant 0 : i32
      %dma_start3A_210 = arith.constant 0 : i32
      %dma_start3A_211 = tpu.memref_slice %arg2[%dma_start3A_209, %dma_start3A_210] : memref<10000x128xf32, #tpu.memory_space<hbm>> -> memref<10000x128xf32, #tpu.memory_space<hbm>>
      tpu.enqueue_indirect_dma source(%dma_start3A_211 : memref<10000x128xf32, #tpu.memory_space<hbm>>) target(%arg9 : memref<80x128xf32, #tpu.memory_space<vmem>>) offsets(%dma_start3A_208 : memref<80xi32, #tpu.memory_space<vmem>>) semaphore(%arg16 : memref<!tpu.dma_semaphore, #tpu.memory_space<semaphore_mem>>)
      %mul3A_212 = arith.constant 80 : i32
      %mul3A_213 = arith.muli %add3A_195, %mul3A_212 : i32
      %add3A_214 = arith.addi %mul3A_2, %mul3A_213 : i32
      %dma_wait3A_215 = tpu.memref_slice %arg4[%add3A_214] : memref<320000xi32, #tpu.memory_space<hbm>> -> memref<80xi32, #tpu.memory_space<hbm>>
      %dma_wait3A_216 = tpu.memref_slice %arg4[%add3A_214] : memref<320000xi32, #tpu.memory_space<hbm>> -> memref<80xi32, #tpu.memory_space<hbm>>
      tpu.wait_dma2 semaphore(%arg20 : memref<!tpu.dma_semaphore, #tpu.memory_space<semaphore_mem>>) src(%dma_wait3A_216 : memref<80xi32, #tpu.memory_space<hbm>>) dst(%arg10 : memref<80xi32, #tpu.memory_space<vmem>>)
      %mul3A_217 = arith.constant 80 : i32
      %mul3A_218 = arith.muli %add3A_195, %mul3A_217 : i32
      %dma_wait3A_219 = tpu.memref_slice %arg6[%mul3A_218] : memref<10000xi32, #tpu.memory_space<vmem>> -> memref<80xi32, #tpu.memory_space<vmem>>
      %dma_wait3A_220 = arith.constant 0 : i32
      %dma_wait3A_221 = arith.constant 0 : i32
      %dma_wait3A_222 = tpu.memref_slice %arg2[%dma_wait3A_220, %dma_wait3A_221] : memref<10000x128xf32, #tpu.memory_space<hbm>> -> memref<10000x128xf32, #tpu.memory_space<hbm>>
      tpu.wait_indirect_dma semaphore(%arg14 : memref<!tpu.dma_semaphore, #tpu.memory_space<semaphore_mem>>) src(%dma_wait3A_222 : memref<10000x128xf32, #tpu.memory_space<hbm>>) dst(%arg7 : memref<80x128xf32, #tpu.memory_space<vmem>>)
      %dma_start3A_223 = arith.constant 0 : i32
      %dma_start3A_224 = arith.constant 0 : i32
      %dma_start3A_225 = tpu.memref_slice %arg13[%dma_start3A_223, %dma_start3A_224] : memref<10240x128xf32, #tpu.memory_space<vmem_shared>> -> memref<10240x128xf32, #tpu.memory_space<vmem_shared>>
      tpu.enqueue_indirect_dma source(%arg7 : memref<80x128xf32, #tpu.memory_space<vmem>>) target(%dma_start3A_225 : memref<10240x128xf32, #tpu.memory_space<vmem_shared>>) offsets(%arg10 : memref<80xi32, #tpu.memory_space<vmem>>) semaphore(%arg17 : memref<!tpu.dma_semaphore, #tpu.memory_space<semaphore_mem>>) {add = true}
      %mul3A_226 = arith.constant 3 : i32
      %mul3A_227 = arith.muli %scan3A_191, %mul3A_226 : i32
      %add3A_228 = arith.constant 1 : i32
      %add3A_229 = arith.addi %mul3A_227, %add3A_228 : i32
      %dma_wait3A_230 = arith.constant 0 : i32
      %dma_wait3A_231 = arith.constant 0 : i32
      %dma_wait3A_232 = tpu.memref_slice %arg13[%dma_wait3A_230, %dma_wait3A_231] : memref<10240x128xf32, #tpu.memory_space<vmem_shared>> -> memref<10240x128xf32, #tpu.memory_space<vmem_shared>>
      tpu.wait_indirect_dma semaphore(%arg17 : memref<!tpu.dma_semaphore, #tpu.memory_space<semaphore_mem>>) src(%arg7 : memref<80x128xf32, #tpu.memory_space<vmem>>) dst(%dma_wait3A_232 : memref<10240x128xf32, #tpu.memory_space<vmem_shared>>)
      %add3A_233 = arith.constant 2 : i32
      %add3A_234 = arith.addi %add3A_229, %add3A_233 : i32
      %mul3A_235 = arith.constant 80 : i32
      %mul3A_236 = arith.muli %add3A_234, %mul3A_235 : i32
      %add3A_237 = arith.addi %mul3A_2, %mul3A_236 : i32
      %dma_start3A_238 = tpu.memref_slice %arg4[%add3A_237] : memref<320000xi32, #tpu.memory_space<hbm>> -> memref<80xi32, #tpu.memory_space<hbm>>
      %dma_start3A_239 = tpu.memref_slice %arg4[%add3A_237] : memref<320000xi32, #tpu.memory_space<hbm>> -> memref<80xi32, #tpu.memory_space<hbm>>
      tpu.enqueue_dma source(%dma_start3A_239 : memref<80xi32, #tpu.memory_space<hbm>>) target(%arg10 : memref<80xi32, #tpu.memory_space<vmem>>) target_semaphore(%arg20 : memref<!tpu.dma_semaphore, #tpu.memory_space<semaphore_mem>>)
      %mul3A_240 = arith.constant 80 : i32
      %mul3A_241 = arith.muli %add3A_234, %mul3A_240 : i32
      %dma_start3A_242 = tpu.memref_slice %arg6[%mul3A_241] : memref<10000xi32, #tpu.memory_space<vmem>> -> memref<80xi32, #tpu.memory_space<vmem>>
      %dma_start3A_243 = arith.constant 0 : i32
      %dma_start3A_244 = arith.constant 0 : i32
      %dma_start3A_245 = tpu.memref_slice %arg2[%dma_start3A_243, %dma_start3A_244] : memref<10000x128xf32, #tpu.memory_space<hbm>> -> memref<10000x128xf32, #tpu.memory_space<hbm>>
      tpu.enqueue_indirect_dma source(%dma_start3A_245 : memref<10000x128xf32, #tpu.memory_space<hbm>>) target(%arg7 : memref<80x128xf32, #tpu.memory_space<vmem>>) offsets(%dma_start3A_242 : memref<80xi32, #tpu.memory_space<vmem>>) semaphore(%arg14 : memref<!tpu.dma_semaphore, #tpu.memory_space<semaphore_mem>>)
      %mul3A_246 = arith.constant 80 : i32
      %mul3A_247 = arith.muli %add3A_229, %mul3A_246 : i32
      %add3A_248 = arith.addi %mul3A_2, %mul3A_247 : i32
      %dma_wait3A_249 = tpu.memref_slice %arg4[%add3A_248] : memref<320000xi32, #tpu.memory_space<hbm>> -> memref<80xi32, #tpu.memory_space<hbm>>
      %dma_wait3A_250 = tpu.memref_slice %arg4[%add3A_248] : memref<320000xi32, #tpu.memory_space<hbm>> -> memref<80xi32, #tpu.memory_space<hbm>>
      tpu.wait_dma2 semaphore(%arg21 : memref<!tpu.dma_semaphore, #tpu.memory_space<semaphore_mem>>) src(%dma_wait3A_250 : memref<80xi32, #tpu.memory_space<hbm>>) dst(%arg11 : memref<80xi32, #tpu.memory_space<vmem>>)
      %mul3A_251 = arith.constant 80 : i32
      %mul3A_252 = arith.muli %add3A_229, %mul3A_251 : i32
      %dma_wait3A_253 = tpu.memref_slice %arg6[%mul3A_252] : memref<10000xi32, #tpu.memory_space<vmem>> -> memref<80xi32, #tpu.memory_space<vmem>>
      %dma_wait3A_254 = arith.constant 0 : i32
      %dma_wait3A_255 = arith.constant 0 : i32
      %dma_wait3A_256 = tpu.memref_slice %arg2[%dma_wait3A_254, %dma_wait3A_255] : memref<10000x128xf32, #tpu.memory_space<hbm>> -> memref<10000x128xf32, #tpu.memory_space<hbm>>
      tpu.wait_indirect_dma semaphore(%arg15 : memref<!tpu.dma_semaphore, #tpu.memory_space<semaphore_mem>>) src(%dma_wait3A_256 : memref<10000x128xf32, #tpu.memory_space<hbm>>) dst(%arg8 : memref<80x128xf32, #tpu.memory_space<vmem>>)
      %dma_start3A_257 = arith.constant 0 : i32
      %dma_start3A_258 = arith.constant 0 : i32
      %dma_start3A_259 = tpu.memref_slice %arg13[%dma_start3A_257, %dma_start3A_258] : memref<10240x128xf32, #tpu.memory_space<vmem_shared>> -> memref<10240x128xf32, #tpu.memory_space<vmem_shared>>
      tpu.enqueue_indirect_dma source(%arg8 : memref<80x128xf32, #tpu.memory_space<vmem>>) target(%dma_start3A_259 : memref<10240x128xf32, #tpu.memory_space<vmem_shared>>) offsets(%arg11 : memref<80xi32, #tpu.memory_space<vmem>>) semaphore(%arg18 : memref<!tpu.dma_semaphore, #tpu.memory_space<semaphore_mem>>) {add = true}
      %mul3A_260 = arith.constant 3 : i32
      %mul3A_261 = arith.muli %scan3A_191, %mul3A_260 : i32
      %add3A_262 = arith.constant 2 : i32
      %add3A_263 = arith.addi %mul3A_261, %add3A_262 : i32
      %dma_wait3A_264 = arith.constant 0 : i32
      %dma_wait3A_265 = arith.constant 0 : i32
      %dma_wait3A_266 = tpu.memref_slice %arg13[%dma_wait3A_264, %dma_wait3A_265] : memref<10240x128xf32, #tpu.memory_space<vmem_shared>> -> memref<10240x128xf32, #tpu.memory_space<vmem_shared>>
      tpu.wait_indirect_dma semaphore(%arg18 : memref<!tpu.dma_semaphore, #tpu.memory_space<semaphore_mem>>) src(%arg8 : memref<80x128xf32, #tpu.memory_space<vmem>>) dst(%dma_wait3A_266 : memref<10240x128xf32, #tpu.memory_space<vmem_shared>>)
      %add3A_267 = arith.constant 2 : i32
      %add3A_268 = arith.addi %add3A_263, %add3A_267 : i32
      %mul3A_269 = arith.constant 80 : i32
      %mul3A_270 = arith.muli %add3A_268, %mul3A_269 : i32
      %add3A_271 = arith.addi %mul3A_2, %mul3A_270 : i32
      %dma_start3A_272 = tpu.memref_slice %arg4[%add3A_271] : memref<320000xi32, #tpu.memory_space<hbm>> -> memref<80xi32, #tpu.memory_space<hbm>>
      %dma_start3A_273 = tpu.memref_slice %arg4[%add3A_271] : memref<320000xi32, #tpu.memory_space<hbm>> -> memref<80xi32, #tpu.memory_space<hbm>>
      tpu.enqueue_dma source(%dma_start3A_273 : memref<80xi32, #tpu.memory_space<hbm>>) target(%arg11 : memref<80xi32, #tpu.memory_space<vmem>>) target_semaphore(%arg21 : memref<!tpu.dma_semaphore, #tpu.memory_space<semaphore_mem>>)
      %mul3A_274 = arith.constant 80 : i32
      %mul3A_275 = arith.muli %add3A_268, %mul3A_274 : i32
      %dma_start3A_276 = tpu.memref_slice %arg6[%mul3A_275] : memref<10000xi32, #tpu.memory_space<vmem>> -> memref<80xi32, #tpu.memory_space<vmem>>
      %dma_start3A_277 = arith.constant 0 : i32
      %dma_start3A_278 = arith.constant 0 : i32
      %dma_start3A_279 = tpu.memref_slice %arg2[%dma_start3A_277, %dma_start3A_278] : memref<10000x128xf32, #tpu.memory_space<hbm>> -> memref<10000x128xf32, #tpu.memory_space<hbm>>
      tpu.enqueue_indirect_dma source(%dma_start3A_279 : memref<10000x128xf32, #tpu.memory_space<hbm>>) target(%arg8 : memref<80x128xf32, #tpu.memory_space<vmem>>) offsets(%dma_start3A_276 : memref<80xi32, #tpu.memory_space<vmem>>) semaphore(%arg15 : memref<!tpu.dma_semaphore, #tpu.memory_space<semaphore_mem>>)
      %mul3A_280 = arith.constant 80 : i32
      %mul3A_281 = arith.muli %add3A_263, %mul3A_280 : i32
      %add3A_282 = arith.addi %mul3A_2, %mul3A_281 : i32
      %dma_wait3A_283 = tpu.memref_slice %arg4[%add3A_282] : memref<320000xi32, #tpu.memory_space<hbm>> -> memref<80xi32, #tpu.memory_space<hbm>>
      %dma_wait3A_284 = tpu.memref_slice %arg4[%add3A_282] : memref<320000xi32, #tpu.memory_space<hbm>> -> memref<80xi32, #tpu.memory_space<hbm>>
      tpu.wait_dma2 semaphore(%arg22 : memref<!tpu.dma_semaphore, #tpu.memory_space<semaphore_mem>>) src(%dma_wait3A_284 : memref<80xi32, #tpu.memory_space<hbm>>) dst(%arg12 : memref<80xi32, #tpu.memory_space<vmem>>)
      %mul3A_285 = arith.constant 80 : i32
      %mul3A_286 = arith.muli %add3A_263, %mul3A_285 : i32
      %dma_wait3A_287 = tpu.memref_slice %arg6[%mul3A_286] : memref<10000xi32, #tpu.memory_space<vmem>> -> memref<80xi32, #tpu.memory_space<vmem>>
      %dma_wait3A_288 = arith.constant 0 : i32
      %dma_wait3A_289 = arith.constant 0 : i32
      %dma_wait3A_290 = tpu.memref_slice %arg2[%dma_wait3A_288, %dma_wait3A_289] : memref<10000x128xf32, #tpu.memory_space<hbm>> -> memref<10000x128xf32, #tpu.memory_space<hbm>>
      tpu.wait_indirect_dma semaphore(%arg16 : memref<!tpu.dma_semaphore, #tpu.memory_space<semaphore_mem>>) src(%dma_wait3A_290 : memref<10000x128xf32, #tpu.memory_space<hbm>>) dst(%arg9 : memref<80x128xf32, #tpu.memory_space<vmem>>)
      %dma_start3A_291 = arith.constant 0 : i32
      %dma_start3A_292 = arith.constant 0 : i32
      %dma_start3A_293 = tpu.memref_slice %arg13[%dma_start3A_291, %dma_start3A_292] : memref<10240x128xf32, #tpu.memory_space<vmem_shared>> -> memref<10240x128xf32, #tpu.memory_space<vmem_shared>>
      tpu.enqueue_indirect_dma source(%arg9 : memref<80x128xf32, #tpu.memory_space<vmem>>) target(%dma_start3A_293 : memref<10240x128xf32, #tpu.memory_space<vmem_shared>>) offsets(%arg12 : memref<80xi32, #tpu.memory_space<vmem>>) semaphore(%arg19 : memref<!tpu.dma_semaphore, #tpu.memory_space<semaphore_mem>>) {add = true}
    }
    %scan3A_149 = arith.constant 41 : i32
    %add3A_150 = arith.constant 9840 : i32
    %add3A_151 = arith.addi %mul3A_2, %add3A_150 : i32
    %dma_wait3A_152 = tpu.memref_slice %arg4[%add3A_151] : memref<320000xi32, #tpu.memory_space<hbm>> -> memref<80xi32, #tpu.memory_space<hbm>>
    %dma_wait3A_153 = tpu.memref_slice %arg4[%add3A_151] : memref<320000xi32, #tpu.memory_space<hbm>> -> memref<80xi32, #tpu.memory_space<hbm>>
    tpu.wait_dma2 semaphore(%arg20 : memref<!tpu.dma_semaphore, #tpu.memory_space<semaphore_mem>>) src(%dma_wait3A_153 : memref<80xi32, #tpu.memory_space<hbm>>) dst(%arg10 : memref<80xi32, #tpu.memory_space<vmem>>)
    %dma_wait3A_154 = arith.constant 9840 : i32
    %dma_wait3A_155 = tpu.memref_slice %arg6[%dma_wait3A_154] : memref<10000xi32, #tpu.memory_space<vmem>> -> memref<80xi32, #tpu.memory_space<vmem>>
    %dma_wait3A_156 = arith.constant 0 : i32
    %dma_wait3A_157 = arith.constant 0 : i32
    %dma_wait3A_158 = tpu.memref_slice %arg2[%dma_wait3A_156, %dma_wait3A_157] : memref<10000x128xf32, #tpu.memory_space<hbm>> -> memref<10000x128xf32, #tpu.memory_space<hbm>>
    tpu.wait_indirect_dma semaphore(%arg14 : memref<!tpu.dma_semaphore, #tpu.memory_space<semaphore_mem>>) src(%dma_wait3A_158 : memref<10000x128xf32, #tpu.memory_space<hbm>>) dst(%arg7 : memref<80x128xf32, #tpu.memory_space<vmem>>)
    %dma_start3A_159 = arith.constant 0 : i32
    %dma_start3A_160 = arith.constant 0 : i32
    %dma_start3A_161 = tpu.memref_slice %arg13[%dma_start3A_159, %dma_start3A_160] : memref<10240x128xf32, #tpu.memory_space<vmem_shared>> -> memref<10240x128xf32, #tpu.memory_space<vmem_shared>>
    tpu.enqueue_indirect_dma source(%arg7 : memref<80x128xf32, #tpu.memory_space<vmem>>) target(%dma_start3A_161 : memref<10240x128xf32, #tpu.memory_space<vmem_shared>>) offsets(%arg10 : memref<80xi32, #tpu.memory_space<vmem>>) semaphore(%arg17 : memref<!tpu.dma_semaphore, #tpu.memory_space<semaphore_mem>>) {add = true}
    %add3A_162 = arith.constant 9920 : i32
    %add3A_163 = arith.addi %mul3A_2, %add3A_162 : i32
    %dma_wait3A_164 = tpu.memref_slice %arg4[%add3A_163] : memref<320000xi32, #tpu.memory_space<hbm>> -> memref<80xi32, #tpu.memory_space<hbm>>
    %dma_wait3A_165 = tpu.memref_slice %arg4[%add3A_163] : memref<320000xi32, #tpu.memory_space<hbm>> -> memref<80xi32, #tpu.memory_space<hbm>>
    tpu.wait_dma2 semaphore(%arg21 : memref<!tpu.dma_semaphore, #tpu.memory_space<semaphore_mem>>) src(%dma_wait3A_165 : memref<80xi32, #tpu.memory_space<hbm>>) dst(%arg11 : memref<80xi32, #tpu.memory_space<vmem>>)
    %dma_wait3A_166 = arith.constant 9920 : i32
    %dma_wait3A_167 = tpu.memref_slice %arg6[%dma_wait3A_166] : memref<10000xi32, #tpu.memory_space<vmem>> -> memref<80xi32, #tpu.memory_space<vmem>>
    %dma_wait3A_168 = arith.constant 0 : i32
    %dma_wait3A_169 = arith.constant 0 : i32
    %dma_wait3A_170 = tpu.memref_slice %arg2[%dma_wait3A_168, %dma_wait3A_169] : memref<10000x128xf32, #tpu.memory_space<hbm>> -> memref<10000x128xf32, #tpu.memory_space<hbm>>
    tpu.wait_indirect_dma semaphore(%arg15 : memref<!tpu.dma_semaphore, #tpu.memory_space<semaphore_mem>>) src(%dma_wait3A_170 : memref<10000x128xf32, #tpu.memory_space<hbm>>) dst(%arg8 : memref<80x128xf32, #tpu.memory_space<vmem>>)
    %dma_start3A_171 = arith.constant 0 : i32
    %dma_start3A_172 = arith.constant 0 : i32
    %dma_start3A_173 = tpu.memref_slice %arg13[%dma_start3A_171, %dma_start3A_172] : memref<10240x128xf32, #tpu.memory_space<vmem_shared>> -> memref<10240x128xf32, #tpu.memory_space<vmem_shared>>
    tpu.enqueue_indirect_dma source(%arg8 : memref<80x128xf32, #tpu.memory_space<vmem>>) target(%dma_start3A_173 : memref<10240x128xf32, #tpu.memory_space<vmem_shared>>) offsets(%arg11 : memref<80xi32, #tpu.memory_space<vmem>>) semaphore(%arg18 : memref<!tpu.dma_semaphore, #tpu.memory_space<semaphore_mem>>) {add = true}
    %dma_wait3A_174 = arith.constant 0 : i32
    %dma_wait3A_175 = arith.constant 0 : i32
    %dma_wait3A_176 = tpu.memref_slice %arg13[%dma_wait3A_174, %dma_wait3A_175] : memref<10240x128xf32, #tpu.memory_space<vmem_shared>> -> memref<10240x128xf32, #tpu.memory_space<vmem_shared>>
    tpu.wait_indirect_dma semaphore(%arg17 : memref<!tpu.dma_semaphore, #tpu.memory_space<semaphore_mem>>) src(%arg7 : memref<80x128xf32, #tpu.memory_space<vmem>>) dst(%dma_wait3A_176 : memref<10240x128xf32, #tpu.memory_space<vmem_shared>>)
    %dma_wait3A_177 = arith.constant 0 : i32
    %dma_wait3A_178 = arith.constant 0 : i32
    %dma_wait3A_179 = tpu.memref_slice %arg13[%dma_wait3A_177, %dma_wait3A_178] : memref<10240x128xf32, #tpu.memory_space<vmem_shared>> -> memref<10240x128xf32, #tpu.memory_space<vmem_shared>>
    tpu.wait_indirect_dma semaphore(%arg18 : memref<!tpu.dma_semaphore, #tpu.memory_space<semaphore_mem>>) src(%arg8 : memref<80x128xf32, #tpu.memory_space<vmem>>) dst(%dma_wait3A_179 : memref<10240x128xf32, #tpu.memory_space<vmem_shared>>)
    %dma_wait3A_180 = arith.constant 0 : i32
    %dma_wait3A_181 = arith.constant 0 : i32
    %dma_wait3A_182 = tpu.memref_slice %arg13[%dma_wait3A_180, %dma_wait3A_181] : memref<10240x128xf32, #tpu.memory_space<vmem_shared>> -> memref<10240x128xf32, #tpu.memory_space<vmem_shared>>
    tpu.wait_indirect_dma semaphore(%arg19 : memref<!tpu.dma_semaphore, #tpu.memory_space<semaphore_mem>>) src(%arg9 : memref<80x128xf32, #tpu.memory_space<vmem>>) dst(%dma_wait3A_182 : memref<10240x128xf32, #tpu.memory_space<vmem_shared>>)
    %barrier3A_183 = arith.constant 0 : index
    tpu.barrier barrier_id(%barrier3A_183)
    %mul3A_184 = arith.constant 640 : i32
    %mul3A_185 = arith.muli %arg1, %mul3A_184 : i32
    %mul3A_186 = arith.constant 10240 : i32
    %mul3A_187 = arith.muli %arg0, %mul3A_186 : i32
    %mul3A_188 = arith.constant 640 : i32
    %mul3A_189 = arith.muli %arg1, %mul3A_188 : i32
    %add3A_190 = arith.addi %mul3A_187, %mul3A_189 : i32
    "tpu.region"() ({
      %run_scoped3A = tpu.sem_alloc : memref<!tpu.dma_semaphore, #tpu.memory_space<semaphore_mem>>
      %dma_start3A_191 = arith.constant 0 : i32
      %dma_start3A_192 = tpu.memref_slice %arg5[%add3A_190, %dma_start3A_191] : memref<20480x128xf32, #tpu.memory_space<hbm>> -> memref<640x128xf32, #tpu.memory_space<hbm>>
      %dma_start3A_193 = arith.constant 0 : i32
      %dma_start3A_194 = tpu.memref_slice %arg13[%mul3A_185, %dma_start3A_193] : memref<10240x128xf32, #tpu.memory_space<vmem_shared>> -> memref<640x128xf32, #tpu.memory_space<vmem_shared>>
      tpu.enqueue_dma source(%dma_start3A_194 : memref<640x128xf32, #tpu.memory_space<vmem_shared>>) target(%dma_start3A_192 : memref<640x128xf32, #tpu.memory_space<hbm>>) target_semaphore(%run_scoped3A : memref<!tpu.dma_semaphore, #tpu.memory_space<semaphore_mem>>)
      %dma_wait3A_195 = arith.constant 0 : i32
      %dma_wait3A_196 = tpu.memref_slice %arg5[%add3A_190, %dma_wait3A_195] : memref<20480x128xf32, #tpu.memory_space<hbm>> -> memref<640x128xf32, #tpu.memory_space<hbm>>
      %dma_wait3A_197 = arith.constant 0 : i32
      %dma_wait3A_198 = tpu.memref_slice %arg13[%mul3A_185, %dma_wait3A_197] : memref<10240x128xf32, #tpu.memory_space<vmem_shared>> -> memref<640x128xf32, #tpu.memory_space<vmem_shared>>
      tpu.wait_dma2 semaphore(%run_scoped3A : memref<!tpu.dma_semaphore, #tpu.memory_space<semaphore_mem>>) src(%dma_wait3A_198 : memref<640x128xf32, #tpu.memory_space<vmem_shared>>) dst(%dma_wait3A_196 : memref<640x128xf32, #tpu.memory_space<hbm>>)
      tpu.yield
    }) : () -> ()
    return
  }
}

#map = affine_map<(d0, d1) -> (0, 0)>
#map1 = affine_map<(d0, d1) -> (0)>
module attributes {stable_mosaic.version = 14 : i64} {
  func.func @_agg_body(%arg0: i32, %arg1: i32, %arg2: memref<10000x128xf32, #tpu.memory_space<hbm>>, %arg3: memref<320000xi32, #tpu.memory_space<hbm>>, %arg4: memref<320000xi32, #tpu.memory_space<hbm>>, %arg5: memref<20480x128xf32, #tpu.memory_space<hbm>>, %arg6: memref<10000xi32, #tpu.memory_space<vmem>>, %arg7: memref<80x128xf32, #tpu.memory_space<vmem>>, %arg8: memref<80x128xf32, #tpu.memory_space<vmem>>, %arg9: memref<80x128xf32, #tpu.memory_space<vmem>>, %arg10: memref<80xi32, #tpu.memory_space<vmem>>, %arg11: memref<80xi32, #tpu.memory_space<vmem>>, %arg12: memref<80xi32, #tpu.memory_space<vmem>>, %arg13: memref<10240x128xf32, #tpu.memory_space<vmem_shared>>, %arg14: memref<!tpu.dma_semaphore, #tpu.memory_space<semaphore_mem>>, %arg15: memref<!tpu.dma_semaphore, #tpu.memory_space<semaphore_mem>>, %arg16: memref<!tpu.dma_semaphore, #tpu.memory_space<semaphore_mem>>, %arg17: memref<!tpu.dma_semaphore, #tpu.memory_space<semaphore_mem>>, %arg18: memref<!tpu.dma_semaphore, #tpu.memory_space<semaphore_mem>>, %arg19: memref<!tpu.dma_semaphore, #tpu.memory_space<semaphore_mem>>, %arg20: memref<!tpu.dma_semaphore, #tpu.memory_space<semaphore_mem>>, %arg21: memref<!tpu.dma_semaphore, #tpu.memory_space<semaphore_mem>>, %arg22: memref<!tpu.dma_semaphore, #tpu.memory_space<semaphore_mem>>, %arg23: memref<!tpu.dma_semaphore, #tpu.memory_space<semaphore_mem>>) attributes {dimension_semantics = [#tpu.dimension_semantics<core_parallel>, #tpu.dimension_semantics<subcore_parallel>], iteration_bounds = array<i64: 2, 16>, scalar_prefetch = 0 : i64, scratch_operands = 18 : i64, tpu.core_type = #tpu.core_type<sc_vector_subcore>, window_params = [{transform_indices = #map}, {transform_indices = #map1}, {transform_indices = #map1}, {transform_indices = #map}]} {
    %mul3A = arith.constant 2 : i32
    %mul3A_0 = arith.muli %arg1, %mul3A : i32
    %add3A = arith.addi %mul3A_0, %arg0 : i32
    %mul3A_1 = arith.constant 10000 : i32
    %mul3A_2 = arith.muli %add3A, %mul3A_1 : i32
    "tpu.region"() ({
      %run_scoped3A = tpu.sem_alloc : memref<!tpu.dma_semaphore, #tpu.memory_space<semaphore_mem>>
      %dma_start3A_191 = tpu.memref_slice %arg3[%mul3A_2] : memref<320000xi32, #tpu.memory_space<hbm>> -> memref<10000xi32, #tpu.memory_space<hbm>>
      %dma_start3A_192 = tpu.memref_slice %arg3[%mul3A_2] : memref<320000xi32, #tpu.memory_space<hbm>> -> memref<10000xi32, #tpu.memory_space<hbm>>
      tpu.enqueue_dma source(%dma_start3A_192 : memref<10000xi32, #tpu.memory_space<hbm>>) target(%arg6 : memref<10000xi32, #tpu.memory_space<vmem>>) target_semaphore(%run_scoped3A : memref<!tpu.dma_semaphore, #tpu.memory_space<semaphore_mem>>)
      %dma_wait3A_193 = tpu.memref_slice %arg3[%mul3A_2] : memref<320000xi32, #tpu.memory_space<hbm>> -> memref<10000xi32, #tpu.memory_space<hbm>>
      %dma_wait3A_194 = tpu.memref_slice %arg3[%mul3A_2] : memref<320000xi32, #tpu.memory_space<hbm>> -> memref<10000xi32, #tpu.memory_space<hbm>>
      tpu.wait_dma2 semaphore(%run_scoped3A : memref<!tpu.dma_semaphore, #tpu.memory_space<semaphore_mem>>) src(%dma_wait3A_194 : memref<10000xi32, #tpu.memory_space<hbm>>) dst(%arg6 : memref<10000xi32, #tpu.memory_space<vmem>>)
      tpu.yield
    }) : () -> ()
    %add3A_3 = arith.constant 0 : i32
    %add3A_4 = arith.addi %mul3A_2, %add3A_3 : i32
    %dma_start3A = tpu.memref_slice %arg4[%add3A_4] : memref<320000xi32, #tpu.memory_space<hbm>> -> memref<80xi32, #tpu.memory_space<hbm>>
    %dma_start3A_5 = tpu.memref_slice %arg4[%add3A_4] : memref<320000xi32, #tpu.memory_space<hbm>> -> memref<80xi32, #tpu.memory_space<hbm>>
    tpu.enqueue_dma source(%dma_start3A_5 : memref<80xi32, #tpu.memory_space<hbm>>) target(%arg10 : memref<80xi32, #tpu.memory_space<vmem>>) target_semaphore(%arg20 : memref<!tpu.dma_semaphore, #tpu.memory_space<semaphore_mem>>)
    %dma_start3A_6 = arith.constant 0 : i32
    %dma_start3A_7 = tpu.memref_slice %arg6[%dma_start3A_6] : memref<10000xi32, #tpu.memory_space<vmem>> -> memref<80xi32, #tpu.memory_space<vmem>>
    %dma_start3A_8 = arith.constant 0 : i32
    %dma_start3A_9 = arith.constant 0 : i32
    %dma_start3A_10 = tpu.memref_slice %arg2[%dma_start3A_8, %dma_start3A_9] : memref<10000x128xf32, #tpu.memory_space<hbm>> -> memref<10000x128xf32, #tpu.memory_space<hbm>>
    tpu.enqueue_indirect_dma source(%dma_start3A_10 : memref<10000x128xf32, #tpu.memory_space<hbm>>) target(%arg7 : memref<80x128xf32, #tpu.memory_space<vmem>>) offsets(%dma_start3A_7 : memref<80xi32, #tpu.memory_space<vmem>>) semaphore(%arg14 : memref<!tpu.dma_semaphore, #tpu.memory_space<semaphore_mem>>)
    %add3A_11 = arith.constant 80 : i32
    %add3A_12 = arith.addi %mul3A_2, %add3A_11 : i32
    %dma_start3A_13 = tpu.memref_slice %arg4[%add3A_12] : memref<320000xi32, #tpu.memory_space<hbm>> -> memref<80xi32, #tpu.memory_space<hbm>>
    %dma_start3A_14 = tpu.memref_slice %arg4[%add3A_12] : memref<320000xi32, #tpu.memory_space<hbm>> -> memref<80xi32, #tpu.memory_space<hbm>>
    tpu.enqueue_dma source(%dma_start3A_14 : memref<80xi32, #tpu.memory_space<hbm>>) target(%arg11 : memref<80xi32, #tpu.memory_space<vmem>>) target_semaphore(%arg21 : memref<!tpu.dma_semaphore, #tpu.memory_space<semaphore_mem>>)
    %dma_start3A_15 = arith.constant 80 : i32
    %dma_start3A_16 = tpu.memref_slice %arg6[%dma_start3A_15] : memref<10000xi32, #tpu.memory_space<vmem>> -> memref<80xi32, #tpu.memory_space<vmem>>
    %dma_start3A_17 = arith.constant 0 : i32
    %dma_start3A_18 = arith.constant 0 : i32
    %dma_start3A_19 = tpu.memref_slice %arg2[%dma_start3A_17, %dma_start3A_18] : memref<10000x128xf32, #tpu.memory_space<hbm>> -> memref<10000x128xf32, #tpu.memory_space<hbm>>
    tpu.enqueue_indirect_dma source(%dma_start3A_19 : memref<10000x128xf32, #tpu.memory_space<hbm>>) target(%arg8 : memref<80x128xf32, #tpu.memory_space<vmem>>) offsets(%dma_start3A_16 : memref<80xi32, #tpu.memory_space<vmem>>) semaphore(%arg15 : memref<!tpu.dma_semaphore, #tpu.memory_space<semaphore_mem>>)
    %scan3A = arith.constant 0 : i32
    %scan3A_20 = arith.constant 0 : i32
    %scan3A_21 = arith.constant 80 : i32
    %scan3A_22 = arith.addi %scan3A_20, %scan3A_21 : i32
    %scan3A_23 = arith.constant 1 : i32
    scf.for %scan3A_191 = %scan3A_20 to %scan3A_22 step %scan3A_23  : i32 {
      %broadcast_in_dim3A = arith.constant 0.000000e+00 : f32
      %broadcast_in_dim3A_192 = vector.broadcast %broadcast_in_dim3A : f32 to vector<16xf32>
      %swap3A = arith.index_cast %scan3A_191 : i32 to index
      %swap3A_193 = arith.constant 0 : index
      %swap3A_194 = tpu.vector_load %arg9[%swap3A, %swap3A_193] {strides = array<i32>} : memref<80x128xf32, #tpu.memory_space<vmem>>, vector<1x16xf32>,
      %swap3A_195 = vector.shape_cast %swap3A_194 : vector<1x16xf32> to vector<16xf32>
      %swap3A_196 = vector.shape_cast %broadcast_in_dim3A_192 : vector<16xf32> to vector<1x16xf32>
      tpu.vector_store %arg9[%swap3A, %swap3A_193], %swap3A_196 {strides = array<i32>} : memref<80x128xf32, #tpu.memory_space<vmem>>, vector<1x16xf32>,
      %broadcast_in_dim3A_197 = arith.constant 0.000000e+00 : f32
      %broadcast_in_dim3A_198 = vector.broadcast %broadcast_in_dim3A_197 : f32 to vector<16xf32>
      %swap3A_199 = arith.index_cast %scan3A_191 : i32 to index
      %swap3A_200 = arith.constant 16 : index
      %swap3A_201 = tpu.vector_load %arg9[%swap3A_199, %swap3A_200] {strides = array<i32>} : memref<80x128xf32, #tpu.memory_space<vmem>>, vector<1x16xf32>,
      %swap3A_202 = vector.shape_cast %swap3A_201 : vector<1x16xf32> to vector<16xf32>
      %swap3A_203 = vector.shape_cast %broadcast_in_dim3A_198 : vector<16xf32> to vector<1x16xf32>
      tpu.vector_store %arg9[%swap3A_199, %swap3A_200], %swap3A_203 {strides = array<i32>} : memref<80x128xf32, #tpu.memory_space<vmem>>, vector<1x16xf32>,
      %broadcast_in_dim3A_204 = arith.constant 0.000000e+00 : f32
      %broadcast_in_dim3A_205 = vector.broadcast %broadcast_in_dim3A_204 : f32 to vector<16xf32>
      %swap3A_206 = arith.index_cast %scan3A_191 : i32 to index
      %swap3A_207 = arith.constant 32 : index
      %swap3A_208 = tpu.vector_load %arg9[%swap3A_206, %swap3A_207] {strides = array<i32>} : memref<80x128xf32, #tpu.memory_space<vmem>>, vector<1x16xf32>,
      %swap3A_209 = vector.shape_cast %swap3A_208 : vector<1x16xf32> to vector<16xf32>
      %swap3A_210 = vector.shape_cast %broadcast_in_dim3A_205 : vector<16xf32> to vector<1x16xf32>
      tpu.vector_store %arg9[%swap3A_206, %swap3A_207], %swap3A_210 {strides = array<i32>} : memref<80x128xf32, #tpu.memory_space<vmem>>, vector<1x16xf32>,
      %broadcast_in_dim3A_211 = arith.constant 0.000000e+00 : f32
      %broadcast_in_dim3A_212 = vector.broadcast %broadcast_in_dim3A_211 : f32 to vector<16xf32>
      %swap3A_213 = arith.index_cast %scan3A_191 : i32 to index
      %swap3A_214 = arith.constant 48 : index
      %swap3A_215 = tpu.vector_load %arg9[%swap3A_213, %swap3A_214] {strides = array<i32>} : memref<80x128xf32, #tpu.memory_space<vmem>>, vector<1x16xf32>,
      %swap3A_216 = vector.shape_cast %swap3A_215 : vector<1x16xf32> to vector<16xf32>
      %swap3A_217 = vector.shape_cast %broadcast_in_dim3A_212 : vector<16xf32> to vector<1x16xf32>
      tpu.vector_store %arg9[%swap3A_213, %swap3A_214], %swap3A_217 {strides = array<i32>} : memref<80x128xf32, #tpu.memory_space<vmem>>, vector<1x16xf32>,
      %broadcast_in_dim3A_218 = arith.constant 0.000000e+00 : f32
      %broadcast_in_dim3A_219 = vector.broadcast %broadcast_in_dim3A_218 : f32 to vector<16xf32>
      %swap3A_220 = arith.index_cast %scan3A_191 : i32 to index
      %swap3A_221 = arith.constant 64 : index
      %swap3A_222 = tpu.vector_load %arg9[%swap3A_220, %swap3A_221] {strides = array<i32>} : memref<80x128xf32, #tpu.memory_space<vmem>>, vector<1x16xf32>,
      %swap3A_223 = vector.shape_cast %swap3A_222 : vector<1x16xf32> to vector<16xf32>
      %swap3A_224 = vector.shape_cast %broadcast_in_dim3A_219 : vector<16xf32> to vector<1x16xf32>
      tpu.vector_store %arg9[%swap3A_220, %swap3A_221], %swap3A_224 {strides = array<i32>} : memref<80x128xf32, #tpu.memory_space<vmem>>, vector<1x16xf32>,
      %broadcast_in_dim3A_225 = arith.constant 0.000000e+00 : f32
      %broadcast_in_dim3A_226 = vector.broadcast %broadcast_in_dim3A_225 : f32 to vector<16xf32>
      %swap3A_227 = arith.index_cast %scan3A_191 : i32 to index
      %swap3A_228 = arith.constant 80 : index
      %swap3A_229 = tpu.vector_load %arg9[%swap3A_227, %swap3A_228] {strides = array<i32>} : memref<80x128xf32, #tpu.memory_space<vmem>>, vector<1x16xf32>,
      %swap3A_230 = vector.shape_cast %swap3A_229 : vector<1x16xf32> to vector<16xf32>
      %swap3A_231 = vector.shape_cast %broadcast_in_dim3A_226 : vector<16xf32> to vector<1x16xf32>
      tpu.vector_store %arg9[%swap3A_227, %swap3A_228], %swap3A_231 {strides = array<i32>} : memref<80x128xf32, #tpu.memory_space<vmem>>, vector<1x16xf32>,
      %broadcast_in_dim3A_232 = arith.constant 0.000000e+00 : f32
      %broadcast_in_dim3A_233 = vector.broadcast %broadcast_in_dim3A_232 : f32 to vector<16xf32>
      %swap3A_234 = arith.index_cast %scan3A_191 : i32 to index
      %swap3A_235 = arith.constant 96 : index
      %swap3A_236 = tpu.vector_load %arg9[%swap3A_234, %swap3A_235] {strides = array<i32>} : memref<80x128xf32, #tpu.memory_space<vmem>>, vector<1x16xf32>,
      %swap3A_237 = vector.shape_cast %swap3A_236 : vector<1x16xf32> to vector<16xf32>
      %swap3A_238 = vector.shape_cast %broadcast_in_dim3A_233 : vector<16xf32> to vector<1x16xf32>
      tpu.vector_store %arg9[%swap3A_234, %swap3A_235], %swap3A_238 {strides = array<i32>} : memref<80x128xf32, #tpu.memory_space<vmem>>, vector<1x16xf32>,
      %broadcast_in_dim3A_239 = arith.constant 0.000000e+00 : f32
      %broadcast_in_dim3A_240 = vector.broadcast %broadcast_in_dim3A_239 : f32 to vector<16xf32>
      %swap3A_241 = arith.index_cast %scan3A_191 : i32 to index
      %swap3A_242 = arith.constant 112 : index
      %swap3A_243 = tpu.vector_load %arg9[%swap3A_241, %swap3A_242] {strides = array<i32>} : memref<80x128xf32, #tpu.memory_space<vmem>>, vector<1x16xf32>,
      %swap3A_244 = vector.shape_cast %swap3A_243 : vector<1x16xf32> to vector<16xf32>
      %swap3A_245 = vector.shape_cast %broadcast_in_dim3A_240 : vector<16xf32> to vector<1x16xf32>
      tpu.vector_store %arg9[%swap3A_241, %swap3A_242], %swap3A_245 {strides = array<i32>} : memref<80x128xf32, #tpu.memory_space<vmem>>, vector<1x16xf32>,
    }
    %scan3A_24 = arith.constant 80 : i32
    %mul3A_25 = arith.constant 640 : i32
    %mul3A_26 = arith.muli %arg1, %mul3A_25 : i32
    %add3A_27 = arith.constant 0 : i32
    %add3A_28 = arith.addi %mul3A_26, %add3A_27 : i32
    %dma_start3A_29 = arith.constant 0 : i32
    %dma_start3A_30 = tpu.memref_slice %arg13[%add3A_28, %dma_start3A_29] : memref<10240x128xf32, #tpu.memory_space<vmem_shared>> -> memref<80x128xf32, #tpu.memory_space<vmem_shared>>
    %dma_start3A_31 = arith.constant 0 : i32
    %dma_start3A_32 = tpu.memref_slice %arg13[%add3A_28, %dma_start3A_31] : memref<10240x128xf32, #tpu.memory_space<vmem_shared>> -> memref<80x128xf32, #tpu.memory_space<vmem_shared>>
    tpu.enqueue_dma source(%arg9 : memref<80x128xf32, #tpu.memory_space<vmem>>) target(%dma_start3A_32 : memref<80x128xf32, #tpu.memory_space<vmem_shared>>) target_semaphore(%arg23 : memref<!tpu.dma_semaphore, #tpu.memory_space<semaphore_mem>>)
    %mul3A_33 = arith.constant 640 : i32
    %mul3A_34 = arith.muli %arg1, %mul3A_33 : i32
    %add3A_35 = arith.constant 80 : i32
    %add3A_36 = arith.addi %mul3A_34, %add3A_35 : i32
    %dma_start3A_37 = arith.constant 0 : i32
    %dma_start3A_38 = tpu.memref_slice %arg13[%add3A_36, %dma_start3A_37] : memref<10240x128xf32, #tpu.memory_space<vmem_shared>> -> memref<80x128xf32, #tpu.memory_space<vmem_shared>>
    %dma_start3A_39 = arith.constant 0 : i32
    %dma_start3A_40 = tpu.memref_slice %arg13[%add3A_36, %dma_start3A_39] : memref<10240x128xf32, #tpu.memory_space<vmem_shared>> -> memref<80x128xf32, #tpu.memory_space<vmem_shared>>
    tpu.enqueue_dma source(%arg9 : memref<80x128xf32, #tpu.memory_space<vmem>>) target(%dma_start3A_40 : memref<80x128xf32, #tpu.memory_space<vmem_shared>>) target_semaphore(%arg23 : memref<!tpu.dma_semaphore, #tpu.memory_space<semaphore_mem>>)
    %mul3A_41 = arith.constant 640 : i32
    %mul3A_42 = arith.muli %arg1, %mul3A_41 : i32
    %add3A_43 = arith.constant 160 : i32
    %add3A_44 = arith.addi %mul3A_42, %add3A_43 : i32
    %dma_start3A_45 = arith.constant 0 : i32
    %dma_start3A_46 = tpu.memref_slice %arg13[%add3A_44, %dma_start3A_45] : memref<10240x128xf32, #tpu.memory_space<vmem_shared>> -> memref<80x128xf32, #tpu.memory_space<vmem_shared>>
    %dma_start3A_47 = arith.constant 0 : i32
    %dma_start3A_48 = tpu.memref_slice %arg13[%add3A_44, %dma_start3A_47] : memref<10240x128xf32, #tpu.memory_space<vmem_shared>> -> memref<80x128xf32, #tpu.memory_space<vmem_shared>>
    tpu.enqueue_dma source(%arg9 : memref<80x128xf32, #tpu.memory_space<vmem>>) target(%dma_start3A_48 : memref<80x128xf32, #tpu.memory_space<vmem_shared>>) target_semaphore(%arg23 : memref<!tpu.dma_semaphore, #tpu.memory_space<semaphore_mem>>)
    %mul3A_49 = arith.constant 640 : i32
    %mul3A_50 = arith.muli %arg1, %mul3A_49 : i32
    %add3A_51 = arith.constant 240 : i32
    %add3A_52 = arith.addi %mul3A_50, %add3A_51 : i32
    %dma_start3A_53 = arith.constant 0 : i32
    %dma_start3A_54 = tpu.memref_slice %arg13[%add3A_52, %dma_start3A_53] : memref<10240x128xf32, #tpu.memory_space<vmem_shared>> -> memref<80x128xf32, #tpu.memory_space<vmem_shared>>
    %dma_start3A_55 = arith.constant 0 : i32
    %dma_start3A_56 = tpu.memref_slice %arg13[%add3A_52, %dma_start3A_55] : memref<10240x128xf32, #tpu.memory_space<vmem_shared>> -> memref<80x128xf32, #tpu.memory_space<vmem_shared>>
    tpu.enqueue_dma source(%arg9 : memref<80x128xf32, #tpu.memory_space<vmem>>) target(%dma_start3A_56 : memref<80x128xf32, #tpu.memory_space<vmem_shared>>) target_semaphore(%arg23 : memref<!tpu.dma_semaphore, #tpu.memory_space<semaphore_mem>>)
    %mul3A_57 = arith.constant 640 : i32
    %mul3A_58 = arith.muli %arg1, %mul3A_57 : i32
    %add3A_59 = arith.constant 320 : i32
    %add3A_60 = arith.addi %mul3A_58, %add3A_59 : i32
    %dma_start3A_61 = arith.constant 0 : i32
    %dma_start3A_62 = tpu.memref_slice %arg13[%add3A_60, %dma_start3A_61] : memref<10240x128xf32, #tpu.memory_space<vmem_shared>> -> memref<80x128xf32, #tpu.memory_space<vmem_shared>>
    %dma_start3A_63 = arith.constant 0 : i32
    %dma_start3A_64 = tpu.memref_slice %arg13[%add3A_60, %dma_start3A_63] : memref<10240x128xf32, #tpu.memory_space<vmem_shared>> -> memref<80x128xf32, #tpu.memory_space<vmem_shared>>
    tpu.enqueue_dma source(%arg9 : memref<80x128xf32, #tpu.memory_space<vmem>>) target(%dma_start3A_64 : memref<80x128xf32, #tpu.memory_space<vmem_shared>>) target_semaphore(%arg23 : memref<!tpu.dma_semaphore, #tpu.memory_space<semaphore_mem>>)
    %mul3A_65 = arith.constant 640 : i32
    %mul3A_66 = arith.muli %arg1, %mul3A_65 : i32
    %add3A_67 = arith.constant 400 : i32
    %add3A_68 = arith.addi %mul3A_66, %add3A_67 : i32
    %dma_start3A_69 = arith.constant 0 : i32
    %dma_start3A_70 = tpu.memref_slice %arg13[%add3A_68, %dma_start3A_69] : memref<10240x128xf32, #tpu.memory_space<vmem_shared>> -> memref<80x128xf32, #tpu.memory_space<vmem_shared>>
    %dma_start3A_71 = arith.constant 0 : i32
    %dma_start3A_72 = tpu.memref_slice %arg13[%add3A_68, %dma_start3A_71] : memref<10240x128xf32, #tpu.memory_space<vmem_shared>> -> memref<80x128xf32, #tpu.memory_space<vmem_shared>>
    tpu.enqueue_dma source(%arg9 : memref<80x128xf32, #tpu.memory_space<vmem>>) target(%dma_start3A_72 : memref<80x128xf32, #tpu.memory_space<vmem_shared>>) target_semaphore(%arg23 : memref<!tpu.dma_semaphore, #tpu.memory_space<semaphore_mem>>)
    %mul3A_73 = arith.constant 640 : i32
    %mul3A_74 = arith.muli %arg1, %mul3A_73 : i32
    %add3A_75 = arith.constant 480 : i32
    %add3A_76 = arith.addi %mul3A_74, %add3A_75 : i32
    %dma_start3A_77 = arith.constant 0 : i32
    %dma_start3A_78 = tpu.memref_slice %arg13[%add3A_76, %dma_start3A_77] : memref<10240x128xf32, #tpu.memory_space<vmem_shared>> -> memref<80x128xf32, #tpu.memory_space<vmem_shared>>
    %dma_start3A_79 = arith.constant 0 : i32
    %dma_start3A_80 = tpu.memref_slice %arg13[%add3A_76, %dma_start3A_79] : memref<10240x128xf32, #tpu.memory_space<vmem_shared>> -> memref<80x128xf32, #tpu.memory_space<vmem_shared>>
    tpu.enqueue_dma source(%arg9 : memref<80x128xf32, #tpu.memory_space<vmem>>) target(%dma_start3A_80 : memref<80x128xf32, #tpu.memory_space<vmem_shared>>) target_semaphore(%arg23 : memref<!tpu.dma_semaphore, #tpu.memory_space<semaphore_mem>>)
    %mul3A_81 = arith.constant 640 : i32
    %mul3A_82 = arith.muli %arg1, %mul3A_81 : i32
    %add3A_83 = arith.constant 560 : i32
    %add3A_84 = arith.addi %mul3A_82, %add3A_83 : i32
    %dma_start3A_85 = arith.constant 0 : i32
    %dma_start3A_86 = tpu.memref_slice %arg13[%add3A_84, %dma_start3A_85] : memref<10240x128xf32, #tpu.memory_space<vmem_shared>> -> memref<80x128xf32, #tpu.memory_space<vmem_shared>>
    %dma_start3A_87 = arith.constant 0 : i32
    %dma_start3A_88 = tpu.memref_slice %arg13[%add3A_84, %dma_start3A_87] : memref<10240x128xf32, #tpu.memory_space<vmem_shared>> -> memref<80x128xf32, #tpu.memory_space<vmem_shared>>
    tpu.enqueue_dma source(%arg9 : memref<80x128xf32, #tpu.memory_space<vmem>>) target(%dma_start3A_88 : memref<80x128xf32, #tpu.memory_space<vmem_shared>>) target_semaphore(%arg19 : memref<!tpu.dma_semaphore, #tpu.memory_space<semaphore_mem>>)
    %mul3A_89 = arith.constant 640 : i32
    %mul3A_90 = arith.muli %arg1, %mul3A_89 : i32
    %add3A_91 = arith.constant 0 : i32
    %add3A_92 = arith.addi %mul3A_90, %add3A_91 : i32
    %dma_wait3A = arith.constant 0 : i32
    %dma_wait3A_93 = tpu.memref_slice %arg13[%add3A_92, %dma_wait3A] : memref<10240x128xf32, #tpu.memory_space<vmem_shared>> -> memref<80x128xf32, #tpu.memory_space<vmem_shared>>
    %dma_wait3A_94 = arith.constant 0 : i32
    %dma_wait3A_95 = tpu.memref_slice %arg13[%add3A_92, %dma_wait3A_94] : memref<10240x128xf32, #tpu.memory_space<vmem_shared>> -> memref<80x128xf32, #tpu.memory_space<vmem_shared>>
    tpu.wait_dma2 semaphore(%arg23 : memref<!tpu.dma_semaphore, #tpu.memory_space<semaphore_mem>>) src(%arg9 : memref<80x128xf32, #tpu.memory_space<vmem>>) dst(%dma_wait3A_95 : memref<80x128xf32, #tpu.memory_space<vmem_shared>>)
    %mul3A_96 = arith.constant 640 : i32
    %mul3A_97 = arith.muli %arg1, %mul3A_96 : i32
    %add3A_98 = arith.constant 80 : i32
    %add3A_99 = arith.addi %mul3A_97, %add3A_98 : i32
    %dma_wait3A_100 = arith.constant 0 : i32
    %dma_wait3A_101 = tpu.memref_slice %arg13[%add3A_99, %dma_wait3A_100] : memref<10240x128xf32, #tpu.memory_space<vmem_shared>> -> memref<80x128xf32, #tpu.memory_space<vmem_shared>>
    %dma_wait3A_102 = arith.constant 0 : i32
    %dma_wait3A_103 = tpu.memref_slice %arg13[%add3A_99, %dma_wait3A_102] : memref<10240x128xf32, #tpu.memory_space<vmem_shared>> -> memref<80x128xf32, #tpu.memory_space<vmem_shared>>
    tpu.wait_dma2 semaphore(%arg23 : memref<!tpu.dma_semaphore, #tpu.memory_space<semaphore_mem>>) src(%arg9 : memref<80x128xf32, #tpu.memory_space<vmem>>) dst(%dma_wait3A_103 : memref<80x128xf32, #tpu.memory_space<vmem_shared>>)
    %mul3A_104 = arith.constant 640 : i32
    %mul3A_105 = arith.muli %arg1, %mul3A_104 : i32
    %add3A_106 = arith.constant 160 : i32
    %add3A_107 = arith.addi %mul3A_105, %add3A_106 : i32
    %dma_wait3A_108 = arith.constant 0 : i32
    %dma_wait3A_109 = tpu.memref_slice %arg13[%add3A_107, %dma_wait3A_108] : memref<10240x128xf32, #tpu.memory_space<vmem_shared>> -> memref<80x128xf32, #tpu.memory_space<vmem_shared>>
    %dma_wait3A_110 = arith.constant 0 : i32
    %dma_wait3A_111 = tpu.memref_slice %arg13[%add3A_107, %dma_wait3A_110] : memref<10240x128xf32, #tpu.memory_space<vmem_shared>> -> memref<80x128xf32, #tpu.memory_space<vmem_shared>>
    tpu.wait_dma2 semaphore(%arg23 : memref<!tpu.dma_semaphore, #tpu.memory_space<semaphore_mem>>) src(%arg9 : memref<80x128xf32, #tpu.memory_space<vmem>>) dst(%dma_wait3A_111 : memref<80x128xf32, #tpu.memory_space<vmem_shared>>)
    %mul3A_112 = arith.constant 640 : i32
    %mul3A_113 = arith.muli %arg1, %mul3A_112 : i32
    %add3A_114 = arith.constant 240 : i32
    %add3A_115 = arith.addi %mul3A_113, %add3A_114 : i32
    %dma_wait3A_116 = arith.constant 0 : i32
    %dma_wait3A_117 = tpu.memref_slice %arg13[%add3A_115, %dma_wait3A_116] : memref<10240x128xf32, #tpu.memory_space<vmem_shared>> -> memref<80x128xf32, #tpu.memory_space<vmem_shared>>
    %dma_wait3A_118 = arith.constant 0 : i32
    %dma_wait3A_119 = tpu.memref_slice %arg13[%add3A_115, %dma_wait3A_118] : memref<10240x128xf32, #tpu.memory_space<vmem_shared>> -> memref<80x128xf32, #tpu.memory_space<vmem_shared>>
    tpu.wait_dma2 semaphore(%arg23 : memref<!tpu.dma_semaphore, #tpu.memory_space<semaphore_mem>>) src(%arg9 : memref<80x128xf32, #tpu.memory_space<vmem>>) dst(%dma_wait3A_119 : memref<80x128xf32, #tpu.memory_space<vmem_shared>>)
    %mul3A_120 = arith.constant 640 : i32
    %mul3A_121 = arith.muli %arg1, %mul3A_120 : i32
    %add3A_122 = arith.constant 320 : i32
    %add3A_123 = arith.addi %mul3A_121, %add3A_122 : i32
    %dma_wait3A_124 = arith.constant 0 : i32
    %dma_wait3A_125 = tpu.memref_slice %arg13[%add3A_123, %dma_wait3A_124] : memref<10240x128xf32, #tpu.memory_space<vmem_shared>> -> memref<80x128xf32, #tpu.memory_space<vmem_shared>>
    %dma_wait3A_126 = arith.constant 0 : i32
    %dma_wait3A_127 = tpu.memref_slice %arg13[%add3A_123, %dma_wait3A_126] : memref<10240x128xf32, #tpu.memory_space<vmem_shared>> -> memref<80x128xf32, #tpu.memory_space<vmem_shared>>
    tpu.wait_dma2 semaphore(%arg23 : memref<!tpu.dma_semaphore, #tpu.memory_space<semaphore_mem>>) src(%arg9 : memref<80x128xf32, #tpu.memory_space<vmem>>) dst(%dma_wait3A_127 : memref<80x128xf32, #tpu.memory_space<vmem_shared>>)
    %mul3A_128 = arith.constant 640 : i32
    %mul3A_129 = arith.muli %arg1, %mul3A_128 : i32
    %add3A_130 = arith.constant 400 : i32
    %add3A_131 = arith.addi %mul3A_129, %add3A_130 : i32
    %dma_wait3A_132 = arith.constant 0 : i32
    %dma_wait3A_133 = tpu.memref_slice %arg13[%add3A_131, %dma_wait3A_132] : memref<10240x128xf32, #tpu.memory_space<vmem_shared>> -> memref<80x128xf32, #tpu.memory_space<vmem_shared>>
    %dma_wait3A_134 = arith.constant 0 : i32
    %dma_wait3A_135 = tpu.memref_slice %arg13[%add3A_131, %dma_wait3A_134] : memref<10240x128xf32, #tpu.memory_space<vmem_shared>> -> memref<80x128xf32, #tpu.memory_space<vmem_shared>>
    tpu.wait_dma2 semaphore(%arg23 : memref<!tpu.dma_semaphore, #tpu.memory_space<semaphore_mem>>) src(%arg9 : memref<80x128xf32, #tpu.memory_space<vmem>>) dst(%dma_wait3A_135 : memref<80x128xf32, #tpu.memory_space<vmem_shared>>)
    %mul3A_136 = arith.constant 640 : i32
    %mul3A_137 = arith.muli %arg1, %mul3A_136 : i32
    %add3A_138 = arith.constant 480 : i32
    %add3A_139 = arith.addi %mul3A_137, %add3A_138 : i32
    %dma_wait3A_140 = arith.constant 0 : i32
    %dma_wait3A_141 = tpu.memref_slice %arg13[%add3A_139, %dma_wait3A_140] : memref<10240x128xf32, #tpu.memory_space<vmem_shared>> -> memref<80x128xf32, #tpu.memory_space<vmem_shared>>
    %dma_wait3A_142 = arith.constant 0 : i32
    %dma_wait3A_143 = tpu.memref_slice %arg13[%add3A_139, %dma_wait3A_142] : memref<10240x128xf32, #tpu.memory_space<vmem_shared>> -> memref<80x128xf32, #tpu.memory_space<vmem_shared>>
    tpu.wait_dma2 semaphore(%arg23 : memref<!tpu.dma_semaphore, #tpu.memory_space<semaphore_mem>>) src(%arg9 : memref<80x128xf32, #tpu.memory_space<vmem>>) dst(%dma_wait3A_143 : memref<80x128xf32, #tpu.memory_space<vmem_shared>>)
    %barrier3A = arith.constant 0 : index
    tpu.barrier barrier_id(%barrier3A)
    %scan3A_144 = arith.constant 0 : i32
    %scan3A_145 = arith.constant 0 : i32
    %scan3A_146 = arith.constant 41 : i32
    %scan3A_147 = arith.addi %scan3A_145, %scan3A_146 : i32
    %scan3A_148 = arith.constant 1 : i32
    scf.for %scan3A_191 = %scan3A_145 to %scan3A_147 step %scan3A_148  : i32 {
      %mul3A_192 = arith.constant 3 : i32
      %mul3A_193 = arith.muli %scan3A_191, %mul3A_192 : i32
      %add3A_194 = arith.constant 0 : i32
      %add3A_195 = arith.addi %mul3A_193, %add3A_194 : i32
      %dma_wait3A_196 = arith.constant 0 : i32
      %dma_wait3A_197 = arith.constant 0 : i32
      %dma_wait3A_198 = tpu.memref_slice %arg13[%dma_wait3A_196, %dma_wait3A_197] : memref<10240x128xf32, #tpu.memory_space<vmem_shared>> -> memref<10240x128xf32, #tpu.memory_space<vmem_shared>>
      tpu.wait_indirect_dma semaphore(%arg19 : memref<!tpu.dma_semaphore, #tpu.memory_space<semaphore_mem>>) src(%arg9 : memref<80x128xf32, #tpu.memory_space<vmem>>) dst(%dma_wait3A_198 : memref<10240x128xf32, #tpu.memory_space<vmem_shared>>)
      %add3A_199 = arith.constant 2 : i32
      %add3A_200 = arith.addi %add3A_195, %add3A_199 : i32
      %mul3A_201 = arith.constant 80 : i32
      %mul3A_202 = arith.muli %add3A_200, %mul3A_201 : i32
      %add3A_203 = arith.addi %mul3A_2, %mul3A_202 : i32
      %dma_start3A_204 = tpu.memref_slice %arg4[%add3A_203] : memref<320000xi32, #tpu.memory_space<hbm>> -> memref<80xi32, #tpu.memory_space<hbm>>
      %dma_start3A_205 = tpu.memref_slice %arg4[%add3A_203] : memref<320000xi32, #tpu.memory_space<hbm>> -> memref<80xi32, #tpu.memory_space<hbm>>
      tpu.enqueue_dma source(%dma_start3A_205 : memref<80xi32, #tpu.memory_space<hbm>>) target(%arg12 : memref<80xi32, #tpu.memory_space<vmem>>) target_semaphore(%arg22 : memref<!tpu.dma_semaphore, #tpu.memory_space<semaphore_mem>>)
      %mul3A_206 = arith.constant 80 : i32
      %mul3A_207 = arith.muli %add3A_200, %mul3A_206 : i32
      %dma_start3A_208 = tpu.memref_slice %arg6[%mul3A_207] : memref<10000xi32, #tpu.memory_space<vmem>> -> memref<80xi32, #tpu.memory_space<vmem>>
      %dma_start3A_209 = arith.constant 0 : i32
      %dma_start3A_210 = arith.constant 0 : i32
      %dma_start3A_211 = tpu.memref_slice %arg2[%dma_start3A_209, %dma_start3A_210] : memref<10000x128xf32, #tpu.memory_space<hbm>> -> memref<10000x128xf32, #tpu.memory_space<hbm>>
      tpu.enqueue_indirect_dma source(%dma_start3A_211 : memref<10000x128xf32, #tpu.memory_space<hbm>>) target(%arg9 : memref<80x128xf32, #tpu.memory_space<vmem>>) offsets(%dma_start3A_208 : memref<80xi32, #tpu.memory_space<vmem>>) semaphore(%arg16 : memref<!tpu.dma_semaphore, #tpu.memory_space<semaphore_mem>>)
      %mul3A_212 = arith.constant 80 : i32
      %mul3A_213 = arith.muli %add3A_195, %mul3A_212 : i32
      %add3A_214 = arith.addi %mul3A_2, %mul3A_213 : i32
      %dma_wait3A_215 = tpu.memref_slice %arg4[%add3A_214] : memref<320000xi32, #tpu.memory_space<hbm>> -> memref<80xi32, #tpu.memory_space<hbm>>
      %dma_wait3A_216 = tpu.memref_slice %arg4[%add3A_214] : memref<320000xi32, #tpu.memory_space<hbm>> -> memref<80xi32, #tpu.memory_space<hbm>>
      tpu.wait_dma2 semaphore(%arg20 : memref<!tpu.dma_semaphore, #tpu.memory_space<semaphore_mem>>) src(%dma_wait3A_216 : memref<80xi32, #tpu.memory_space<hbm>>) dst(%arg10 : memref<80xi32, #tpu.memory_space<vmem>>)
      %mul3A_217 = arith.constant 80 : i32
      %mul3A_218 = arith.muli %add3A_195, %mul3A_217 : i32
      %dma_wait3A_219 = tpu.memref_slice %arg6[%mul3A_218] : memref<10000xi32, #tpu.memory_space<vmem>> -> memref<80xi32, #tpu.memory_space<vmem>>
      %dma_wait3A_220 = arith.constant 0 : i32
      %dma_wait3A_221 = arith.constant 0 : i32
      %dma_wait3A_222 = tpu.memref_slice %arg2[%dma_wait3A_220, %dma_wait3A_221] : memref<10000x128xf32, #tpu.memory_space<hbm>> -> memref<10000x128xf32, #tpu.memory_space<hbm>>
      tpu.wait_indirect_dma semaphore(%arg14 : memref<!tpu.dma_semaphore, #tpu.memory_space<semaphore_mem>>) src(%dma_wait3A_222 : memref<10000x128xf32, #tpu.memory_space<hbm>>) dst(%arg7 : memref<80x128xf32, #tpu.memory_space<vmem>>)
      %dma_start3A_223 = arith.constant 0 : i32
      %dma_start3A_224 = arith.constant 0 : i32
      %dma_start3A_225 = tpu.memref_slice %arg13[%dma_start3A_223, %dma_start3A_224] : memref<10240x128xf32, #tpu.memory_space<vmem_shared>> -> memref<10240x128xf32, #tpu.memory_space<vmem_shared>>
      tpu.enqueue_indirect_dma source(%arg7 : memref<80x128xf32, #tpu.memory_space<vmem>>) target(%dma_start3A_225 : memref<10240x128xf32, #tpu.memory_space<vmem_shared>>) offsets(%arg10 : memref<80xi32, #tpu.memory_space<vmem>>) semaphore(%arg17 : memref<!tpu.dma_semaphore, #tpu.memory_space<semaphore_mem>>) {add = true}
      %mul3A_226 = arith.constant 3 : i32
      %mul3A_227 = arith.muli %scan3A_191, %mul3A_226 : i32
      %add3A_228 = arith.constant 1 : i32
      %add3A_229 = arith.addi %mul3A_227, %add3A_228 : i32
      %dma_wait3A_230 = arith.constant 0 : i32
      %dma_wait3A_231 = arith.constant 0 : i32
      %dma_wait3A_232 = tpu.memref_slice %arg13[%dma_wait3A_230, %dma_wait3A_231] : memref<10240x128xf32, #tpu.memory_space<vmem_shared>> -> memref<10240x128xf32, #tpu.memory_space<vmem_shared>>
      tpu.wait_indirect_dma semaphore(%arg17 : memref<!tpu.dma_semaphore, #tpu.memory_space<semaphore_mem>>) src(%arg7 : memref<80x128xf32, #tpu.memory_space<vmem>>) dst(%dma_wait3A_232 : memref<10240x128xf32, #tpu.memory_space<vmem_shared>>)
      %add3A_233 = arith.constant 2 : i32
      %add3A_234 = arith.addi %add3A_229, %add3A_233 : i32
      %mul3A_235 = arith.constant 80 : i32
      %mul3A_236 = arith.muli %add3A_234, %mul3A_235 : i32
      %add3A_237 = arith.addi %mul3A_2, %mul3A_236 : i32
      %dma_start3A_238 = tpu.memref_slice %arg4[%add3A_237] : memref<320000xi32, #tpu.memory_space<hbm>> -> memref<80xi32, #tpu.memory_space<hbm>>
      %dma_start3A_239 = tpu.memref_slice %arg4[%add3A_237] : memref<320000xi32, #tpu.memory_space<hbm>> -> memref<80xi32, #tpu.memory_space<hbm>>
      tpu.enqueue_dma source(%dma_start3A_239 : memref<80xi32, #tpu.memory_space<hbm>>) target(%arg10 : memref<80xi32, #tpu.memory_space<vmem>>) target_semaphore(%arg20 : memref<!tpu.dma_semaphore, #tpu.memory_space<semaphore_mem>>)
      %mul3A_240 = arith.constant 80 : i32
      %mul3A_241 = arith.muli %add3A_234, %mul3A_240 : i32
      %dma_start3A_242 = tpu.memref_slice %arg6[%mul3A_241] : memref<10000xi32, #tpu.memory_space<vmem>> -> memref<80xi32, #tpu.memory_space<vmem>>
      %dma_start3A_243 = arith.constant 0 : i32
      %dma_start3A_244 = arith.constant 0 : i32
      %dma_start3A_245 = tpu.memref_slice %arg2[%dma_start3A_243, %dma_start3A_244] : memref<10000x128xf32, #tpu.memory_space<hbm>> -> memref<10000x128xf32, #tpu.memory_space<hbm>>
      tpu.enqueue_indirect_dma source(%dma_start3A_245 : memref<10000x128xf32, #tpu.memory_space<hbm>>) target(%arg7 : memref<80x128xf32, #tpu.memory_space<vmem>>) offsets(%dma_start3A_242 : memref<80xi32, #tpu.memory_space<vmem>>) semaphore(%arg14 : memref<!tpu.dma_semaphore, #tpu.memory_space<semaphore_mem>>)
      %mul3A_246 = arith.constant 80 : i32
      %mul3A_247 = arith.muli %add3A_229, %mul3A_246 : i32
      %add3A_248 = arith.addi %mul3A_2, %mul3A_247 : i32
      %dma_wait3A_249 = tpu.memref_slice %arg4[%add3A_248] : memref<320000xi32, #tpu.memory_space<hbm>> -> memref<80xi32, #tpu.memory_space<hbm>>
      %dma_wait3A_250 = tpu.memref_slice %arg4[%add3A_248] : memref<320000xi32, #tpu.memory_space<hbm>> -> memref<80xi32, #tpu.memory_space<hbm>>
      tpu.wait_dma2 semaphore(%arg21 : memref<!tpu.dma_semaphore, #tpu.memory_space<semaphore_mem>>) src(%dma_wait3A_250 : memref<80xi32, #tpu.memory_space<hbm>>) dst(%arg11 : memref<80xi32, #tpu.memory_space<vmem>>)
      %mul3A_251 = arith.constant 80 : i32
      %mul3A_252 = arith.muli %add3A_229, %mul3A_251 : i32
      %dma_wait3A_253 = tpu.memref_slice %arg6[%mul3A_252] : memref<10000xi32, #tpu.memory_space<vmem>> -> memref<80xi32, #tpu.memory_space<vmem>>
      %dma_wait3A_254 = arith.constant 0 : i32
      %dma_wait3A_255 = arith.constant 0 : i32
      %dma_wait3A_256 = tpu.memref_slice %arg2[%dma_wait3A_254, %dma_wait3A_255] : memref<10000x128xf32, #tpu.memory_space<hbm>> -> memref<10000x128xf32, #tpu.memory_space<hbm>>
      tpu.wait_indirect_dma semaphore(%arg15 : memref<!tpu.dma_semaphore, #tpu.memory_space<semaphore_mem>>) src(%dma_wait3A_256 : memref<10000x128xf32, #tpu.memory_space<hbm>>) dst(%arg8 : memref<80x128xf32, #tpu.memory_space<vmem>>)
      %dma_start3A_257 = arith.constant 0 : i32
      %dma_start3A_258 = arith.constant 0 : i32
      %dma_start3A_259 = tpu.memref_slice %arg13[%dma_start3A_257, %dma_start3A_258] : memref<10240x128xf32, #tpu.memory_space<vmem_shared>> -> memref<10240x128xf32, #tpu.memory_space<vmem_shared>>
      tpu.enqueue_indirect_dma source(%arg8 : memref<80x128xf32, #tpu.memory_space<vmem>>) target(%dma_start3A_259 : memref<10240x128xf32, #tpu.memory_space<vmem_shared>>) offsets(%arg11 : memref<80xi32, #tpu.memory_space<vmem>>) semaphore(%arg18 : memref<!tpu.dma_semaphore, #tpu.memory_space<semaphore_mem>>) {add = true}
      %mul3A_260 = arith.constant 3 : i32
      %mul3A_261 = arith.muli %scan3A_191, %mul3A_260 : i32
      %add3A_262 = arith.constant 2 : i32
      %add3A_263 = arith.addi %mul3A_261, %add3A_262 : i32
      %dma_wait3A_264 = arith.constant 0 : i32
      %dma_wait3A_265 = arith.constant 0 : i32
      %dma_wait3A_266 = tpu.memref_slice %arg13[%dma_wait3A_264, %dma_wait3A_265] : memref<10240x128xf32, #tpu.memory_space<vmem_shared>> -> memref<10240x128xf32, #tpu.memory_space<vmem_shared>>
      tpu.wait_indirect_dma semaphore(%arg18 : memref<!tpu.dma_semaphore, #tpu.memory_space<semaphore_mem>>) src(%arg8 : memref<80x128xf32, #tpu.memory_space<vmem>>) dst(%dma_wait3A_266 : memref<10240x128xf32, #tpu.memory_space<vmem_shared>>)
      %add3A_267 = arith.constant 2 : i32
      %add3A_268 = arith.addi %add3A_263, %add3A_267 : i32
      %mul3A_269 = arith.constant 80 : i32
      %mul3A_270 = arith.muli %add3A_268, %mul3A_269 : i32
      %add3A_271 = arith.addi %mul3A_2, %mul3A_270 : i32
      %dma_start3A_272 = tpu.memref_slice %arg4[%add3A_271] : memref<320000xi32, #tpu.memory_space<hbm>> -> memref<80xi32, #tpu.memory_space<hbm>>
      %dma_start3A_273 = tpu.memref_slice %arg4[%add3A_271] : memref<320000xi32, #tpu.memory_space<hbm>> -> memref<80xi32, #tpu.memory_space<hbm>>
      tpu.enqueue_dma source(%dma_start3A_273 : memref<80xi32, #tpu.memory_space<hbm>>) target(%arg11 : memref<80xi32, #tpu.memory_space<vmem>>) target_semaphore(%arg21 : memref<!tpu.dma_semaphore, #tpu.memory_space<semaphore_mem>>)
      %mul3A_274 = arith.constant 80 : i32
      %mul3A_275 = arith.muli %add3A_268, %mul3A_274 : i32
      %dma_start3A_276 = tpu.memref_slice %arg6[%mul3A_275] : memref<10000xi32, #tpu.memory_space<vmem>> -> memref<80xi32, #tpu.memory_space<vmem>>
      %dma_start3A_277 = arith.constant 0 : i32
      %dma_start3A_278 = arith.constant 0 : i32
      %dma_start3A_279 = tpu.memref_slice %arg2[%dma_start3A_277, %dma_start3A_278] : memref<10000x128xf32, #tpu.memory_space<hbm>> -> memref<10000x128xf32, #tpu.memory_space<hbm>>
      tpu.enqueue_indirect_dma source(%dma_start3A_279 : memref<10000x128xf32, #tpu.memory_space<hbm>>) target(%arg8 : memref<80x128xf32, #tpu.memory_space<vmem>>) offsets(%dma_start3A_276 : memref<80xi32, #tpu.memory_space<vmem>>) semaphore(%arg15 : memref<!tpu.dma_semaphore, #tpu.memory_space<semaphore_mem>>)
      %mul3A_280 = arith.constant 80 : i32
      %mul3A_281 = arith.muli %add3A_263, %mul3A_280 : i32
      %add3A_282 = arith.addi %mul3A_2, %mul3A_281 : i32
      %dma_wait3A_283 = tpu.memref_slice %arg4[%add3A_282] : memref<320000xi32, #tpu.memory_space<hbm>> -> memref<80xi32, #tpu.memory_space<hbm>>
      %dma_wait3A_284 = tpu.memref_slice %arg4[%add3A_282] : memref<320000xi32, #tpu.memory_space<hbm>> -> memref<80xi32, #tpu.memory_space<hbm>>
      tpu.wait_dma2 semaphore(%arg22 : memref<!tpu.dma_semaphore, #tpu.memory_space<semaphore_mem>>) src(%dma_wait3A_284 : memref<80xi32, #tpu.memory_space<hbm>>) dst(%arg12 : memref<80xi32, #tpu.memory_space<vmem>>)
      %mul3A_285 = arith.constant 80 : i32
      %mul3A_286 = arith.muli %add3A_263, %mul3A_285 : i32
      %dma_wait3A_287 = tpu.memref_slice %arg6[%mul3A_286] : memref<10000xi32, #tpu.memory_space<vmem>> -> memref<80xi32, #tpu.memory_space<vmem>>
      %dma_wait3A_288 = arith.constant 0 : i32
      %dma_wait3A_289 = arith.constant 0 : i32
      %dma_wait3A_290 = tpu.memref_slice %arg2[%dma_wait3A_288, %dma_wait3A_289] : memref<10000x128xf32, #tpu.memory_space<hbm>> -> memref<10000x128xf32, #tpu.memory_space<hbm>>
      tpu.wait_indirect_dma semaphore(%arg16 : memref<!tpu.dma_semaphore, #tpu.memory_space<semaphore_mem>>) src(%dma_wait3A_290 : memref<10000x128xf32, #tpu.memory_space<hbm>>) dst(%arg9 : memref<80x128xf32, #tpu.memory_space<vmem>>)
      %dma_start3A_291 = arith.constant 0 : i32
      %dma_start3A_292 = arith.constant 0 : i32
      %dma_start3A_293 = tpu.memref_slice %arg13[%dma_start3A_291, %dma_start3A_292] : memref<10240x128xf32, #tpu.memory_space<vmem_shared>> -> memref<10240x128xf32, #tpu.memory_space<vmem_shared>>
      tpu.enqueue_indirect_dma source(%arg9 : memref<80x128xf32, #tpu.memory_space<vmem>>) target(%dma_start3A_293 : memref<10240x128xf32, #tpu.memory_space<vmem_shared>>) offsets(%arg12 : memref<80xi32, #tpu.memory_space<vmem>>) semaphore(%arg19 : memref<!tpu.dma_semaphore, #tpu.memory_space<semaphore_mem>>) {add = true}
    }
    %scan3A_149 = arith.constant 41 : i32
    %add3A_150 = arith.constant 9840 : i32
    %add3A_151 = arith.addi %mul3A_2, %add3A_150 : i32
    %dma_wait3A_152 = tpu.memref_slice %arg4[%add3A_151] : memref<320000xi32, #tpu.memory_space<hbm>> -> memref<80xi32, #tpu.memory_space<hbm>>
    %dma_wait3A_153 = tpu.memref_slice %arg4[%add3A_151] : memref<320000xi32, #tpu.memory_space<hbm>> -> memref<80xi32, #tpu.memory_space<hbm>>
    tpu.wait_dma2 semaphore(%arg20 : memref<!tpu.dma_semaphore, #tpu.memory_space<semaphore_mem>>) src(%dma_wait3A_153 : memref<80xi32, #tpu.memory_space<hbm>>) dst(%arg10 : memref<80xi32, #tpu.memory_space<vmem>>)
    %dma_wait3A_154 = arith.constant 9840 : i32
    %dma_wait3A_155 = tpu.memref_slice %arg6[%dma_wait3A_154] : memref<10000xi32, #tpu.memory_space<vmem>> -> memref<80xi32, #tpu.memory_space<vmem>>
    %dma_wait3A_156 = arith.constant 0 : i32
    %dma_wait3A_157 = arith.constant 0 : i32
    %dma_wait3A_158 = tpu.memref_slice %arg2[%dma_wait3A_156, %dma_wait3A_157] : memref<10000x128xf32, #tpu.memory_space<hbm>> -> memref<10000x128xf32, #tpu.memory_space<hbm>>
    tpu.wait_indirect_dma semaphore(%arg14 : memref<!tpu.dma_semaphore, #tpu.memory_space<semaphore_mem>>) src(%dma_wait3A_158 : memref<10000x128xf32, #tpu.memory_space<hbm>>) dst(%arg7 : memref<80x128xf32, #tpu.memory_space<vmem>>)
    %dma_start3A_159 = arith.constant 0 : i32
    %dma_start3A_160 = arith.constant 0 : i32
    %dma_start3A_161 = tpu.memref_slice %arg13[%dma_start3A_159, %dma_start3A_160] : memref<10240x128xf32, #tpu.memory_space<vmem_shared>> -> memref<10240x128xf32, #tpu.memory_space<vmem_shared>>
    tpu.enqueue_indirect_dma source(%arg7 : memref<80x128xf32, #tpu.memory_space<vmem>>) target(%dma_start3A_161 : memref<10240x128xf32, #tpu.memory_space<vmem_shared>>) offsets(%arg10 : memref<80xi32, #tpu.memory_space<vmem>>) semaphore(%arg17 : memref<!tpu.dma_semaphore, #tpu.memory_space<semaphore_mem>>) {add = true}
    %add3A_162 = arith.constant 9920 : i32
    %add3A_163 = arith.addi %mul3A_2, %add3A_162 : i32
    %dma_wait3A_164 = tpu.memref_slice %arg4[%add3A_163] : memref<320000xi32, #tpu.memory_space<hbm>> -> memref<80xi32, #tpu.memory_space<hbm>>
    %dma_wait3A_165 = tpu.memref_slice %arg4[%add3A_163] : memref<320000xi32, #tpu.memory_space<hbm>> -> memref<80xi32, #tpu.memory_space<hbm>>
    tpu.wait_dma2 semaphore(%arg21 : memref<!tpu.dma_semaphore, #tpu.memory_space<semaphore_mem>>) src(%dma_wait3A_165 : memref<80xi32, #tpu.memory_space<hbm>>) dst(%arg11 : memref<80xi32, #tpu.memory_space<vmem>>)
    %dma_wait3A_166 = arith.constant 9920 : i32
    %dma_wait3A_167 = tpu.memref_slice %arg6[%dma_wait3A_166] : memref<10000xi32, #tpu.memory_space<vmem>> -> memref<80xi32, #tpu.memory_space<vmem>>
    %dma_wait3A_168 = arith.constant 0 : i32
    %dma_wait3A_169 = arith.constant 0 : i32
    %dma_wait3A_170 = tpu.memref_slice %arg2[%dma_wait3A_168, %dma_wait3A_169] : memref<10000x128xf32, #tpu.memory_space<hbm>> -> memref<10000x128xf32, #tpu.memory_space<hbm>>
    tpu.wait_indirect_dma semaphore(%arg15 : memref<!tpu.dma_semaphore, #tpu.memory_space<semaphore_mem>>) src(%dma_wait3A_170 : memref<10000x128xf32, #tpu.memory_space<hbm>>) dst(%arg8 : memref<80x128xf32, #tpu.memory_space<vmem>>)
    %dma_start3A_171 = arith.constant 0 : i32
    %dma_start3A_172 = arith.constant 0 : i32
    %dma_start3A_173 = tpu.memref_slice %arg13[%dma_start3A_171, %dma_start3A_172] : memref<10240x128xf32, #tpu.memory_space<vmem_shared>> -> memref<10240x128xf32, #tpu.memory_space<vmem_shared>>
    tpu.enqueue_indirect_dma source(%arg8 : memref<80x128xf32, #tpu.memory_space<vmem>>) target(%dma_start3A_173 : memref<10240x128xf32, #tpu.memory_space<vmem_shared>>) offsets(%arg11 : memref<80xi32, #tpu.memory_space<vmem>>) semaphore(%arg18 : memref<!tpu.dma_semaphore, #tpu.memory_space<semaphore_mem>>) {add = true}
    %dma_wait3A_174 = arith.constant 0 : i32
    %dma_wait3A_175 = arith.constant 0 : i32
    %dma_wait3A_176 = tpu.memref_slice %arg13[%dma_wait3A_174, %dma_wait3A_175] : memref<10240x128xf32, #tpu.memory_space<vmem_shared>> -> memref<10240x128xf32, #tpu.memory_space<vmem_shared>>
    tpu.wait_indirect_dma semaphore(%arg17 : memref<!tpu.dma_semaphore, #tpu.memory_space<semaphore_mem>>) src(%arg7 : memref<80x128xf32, #tpu.memory_space<vmem>>) dst(%dma_wait3A_176 : memref<10240x128xf32, #tpu.memory_space<vmem_shared>>)
    %dma_wait3A_177 = arith.constant 0 : i32
    %dma_wait3A_178 = arith.constant 0 : i32
    %dma_wait3A_179 = tpu.memref_slice %arg13[%dma_wait3A_177, %dma_wait3A_178] : memref<10240x128xf32, #tpu.memory_space<vmem_shared>> -> memref<10240x128xf32, #tpu.memory_space<vmem_shared>>
    tpu.wait_indirect_dma semaphore(%arg18 : memref<!tpu.dma_semaphore, #tpu.memory_space<semaphore_mem>>) src(%arg8 : memref<80x128xf32, #tpu.memory_space<vmem>>) dst(%dma_wait3A_179 : memref<10240x128xf32, #tpu.memory_space<vmem_shared>>)
    %dma_wait3A_180 = arith.constant 0 : i32
    %dma_wait3A_181 = arith.constant 0 : i32
    %dma_wait3A_182 = tpu.memref_slice %arg13[%dma_wait3A_180, %dma_wait3A_181] : memref<10240x128xf32, #tpu.memory_space<vmem_shared>> -> memref<10240x128xf32, #tpu.memory_space<vmem_shared>>
    tpu.wait_indirect_dma semaphore(%arg19 : memref<!tpu.dma_semaphore, #tpu.memory_space<semaphore_mem>>) src(%arg9 : memref<80x128xf32, #tpu.memory_space<vmem>>) dst(%dma_wait3A_182 : memref<10240x128xf32, #tpu.memory_space<vmem_shared>>)
    %barrier3A_183 = arith.constant 0 : index
    tpu.barrier barrier_id(%barrier3A_183)
    %mul3A_184 = arith.constant 640 : i32
    %mul3A_185 = arith.muli %arg1, %mul3A_184 : i32
    %mul3A_186 = arith.constant 10240 : i32
    %mul3A_187 = arith.muli %arg0, %mul3A_186 : i32
    %mul3A_188 = arith.constant 640 : i32
    %mul3A_189 = arith.muli %arg1, %mul3A_188 : i32
    %add3A_190 = arith.addi %mul3A_187, %mul3A_189 : i32
    "tpu.region"() ({
      %run_scoped3A = tpu.sem_alloc : memref<!tpu.dma_semaphore, #tpu.memory_space<semaphore_mem>>
      %dma_start3A_191 = arith.constant 0 : i32
      %dma_start3A_192 = tpu.memref_slice %arg5[%add3A_190, %dma_start3A_191] : memref<20480x128xf32, #tpu.memory_space<hbm>> -> memref<640x128xf32, #tpu.memory_space<hbm>>
      %dma_start3A_193 = arith.constant 0 : i32
      %dma_start3A_194 = tpu.memref_slice %arg13[%mul3A_185, %dma_start3A_193] : memref<10240x128xf32, #tpu.memory_space<vmem_shared>> -> memref<640x128xf32, #tpu.memory_space<vmem_shared>>
      tpu.enqueue_dma source(%dma_start3A_194 : memref<640x128xf32, #tpu.memory_space<vmem_shared>>) target(%dma_start3A_192 : memref<640x128xf32, #tpu.memory_space<hbm>>) target_semaphore(%run_scoped3A : memref<!tpu.dma_semaphore, #tpu.memory_space<semaphore_mem>>)
      %dma_wait3A_195 = arith.constant 0 : i32
      %dma_wait3A_196 = tpu.memref_slice %arg5[%add3A_190, %dma_wait3A_195] : memref<20480x128xf32, #tpu.memory_space<hbm>> -> memref<640x128xf32, #tpu.memory_space<hbm>>
      %dma_wait3A_197 = arith.constant 0 : i32
      %dma_wait3A_198 = tpu.memref_slice %arg13[%mul3A_185, %dma_wait3A_197] : memref<10240x128xf32, #tpu.memory_space<vmem_shared>> -> memref<640x128xf32, #tpu.memory_space<vmem_shared>>
      tpu.wait_dma2 semaphore(%run_scoped3A : memref<!tpu.dma_semaphore, #tpu.memory_space<semaphore_mem>>) src(%dma_wait3A_198 : memref<640x128xf32, #tpu.memory_space<vmem_shared>>) dst(%dma_wait3A_196 : memref<640x128xf32, #tpu.memory_space<hbm>>)
      tpu.yield
    }) : () -> ()
    return
  }
}

module attributes {stable_mosaic.version = 14 : i64} {
  func.func @_mlp_body(%arg0: i32, %arg1: memref<2000x128xf32, #tpu.memory_space<vmem>>, %arg2: memref<2x2000x128xf32, #tpu.memory_space<vmem>>, %arg3: memref<128x128xf32, #tpu.memory_space<vmem>>, %arg4: memref<1x128xf32, #tpu.memory_space<vmem>>, %arg5: memref<128x128xf32, #tpu.memory_space<vmem>>, %arg6: memref<1x128xf32, #tpu.memory_space<vmem>>, %arg7: memref<2000x128xf32, #tpu.memory_space<vmem>>) attributes {dimension_semantics = [#tpu.dimension_semantics<arbitrary>], iteration_bounds = array<i64: 5>, scalar_prefetch = 0 : i64, scratch_operands = 0 : i64, tpu.core_type = #tpu.core_type<tc>, window_params = [{transform_indices = @transform_0, window_bounds = array<i64: 2000, 128>}, {transform_indices = @transform_1, window_bounds = array<i64: 2, 2000, 128>}, {pipeline_mode = #tpu.pipeline_mode<synchronous>, transform_indices = @transform_2, window_bounds = array<i64: 128, 128>}, {pipeline_mode = #tpu.pipeline_mode<synchronous>, transform_indices = @transform_3, window_bounds = array<i64: 1, 128>}, {pipeline_mode = #tpu.pipeline_mode<synchronous>, transform_indices = @transform_4, window_bounds = array<i64: 128, 128>}, {pipeline_mode = #tpu.pipeline_mode<synchronous>, transform_indices = @transform_5, window_bounds = array<i64: 1, 128>}, {transform_indices = @transform_6, window_bounds = array<i64: 2000, 128>}]} {
    %get3A = arith.constant 0 : index
    %get3A_0 = arith.constant 0 : index
    %get3A_1 = vector.load %arg1[%get3A, %get3A_0] : memref<2000x128xf32, #tpu.memory_space<vmem>>, vector<2000x128xf32>
    %get3A_2 = arith.constant 0 : index
    %get3A_3 = arith.constant 0 : index
    %get3A_4 = arith.constant 0 : index
    %get3A_5 = vector.load %arg2[%get3A_2, %get3A_3, %get3A_4] : memref<2x2000x128xf32, #tpu.memory_space<vmem>>, vector<1x2000x128xf32>
    %get3A_6 = vector.shape_cast %get3A_5 : vector<1x2000x128xf32> to vector<2000x128xf32>
    %add3A = arith.addf %get3A_1, %get3A_6 : vector<2000x128xf32>
    %get3A_7 = arith.constant 1 : index
    %get3A_8 = arith.constant 0 : index
    %get3A_9 = arith.constant 0 : index
    %get3A_10 = vector.load %arg2[%get3A_7, %get3A_8, %get3A_9] : memref<2x2000x128xf32, #tpu.memory_space<vmem>>, vector<1x2000x128xf32>
    %get3A_11 = vector.shape_cast %get3A_10 : vector<1x2000x128xf32> to vector<2000x128xf32>
    %add3A_12 = arith.addf %add3A, %get3A_11 : vector<2000x128xf32>
    %get3A_13 = arith.constant 0 : index
    %get3A_14 = arith.constant 0 : index
    %get3A_15 = vector.load %arg3[%get3A_13, %get3A_14] : memref<128x128xf32, #tpu.memory_space<vmem>>, vector<128x128xf32>
    %dot_general3A = arith.constant dense<0.000000e+00> : vector<2000x128xf32>
    %dot_general3A_16 = tpu.matmul %add3A_12, %get3A_15, %dot_general3A {dimension_numbers = #tpu.dot_dimension_numbers<[1], [0], [0], [1], [0, 0, 1, 1], [], []>, transpose_lhs_hint = false} : vector<2000x128xf32>, vector<128x128xf32>, vector<2000x128xf32> -> vector<2000x128xf32>
    %get3A_17 = arith.constant 0 : index
    %get3A_18 = arith.constant 0 : index
    %get3A_19 = vector.load %arg4[%get3A_17, %get3A_18] : memref<1x128xf32, #tpu.memory_space<vmem>>, vector<1x128xf32>
    %add3A_20 = vector.broadcast %get3A_19 : vector<1x128xf32> to vector<2000x128xf32>
    %add3A_21 = arith.addf %dot_general3A_16, %add3A_20 : vector<2000x128xf32>
    %max3A = arith.constant 0.000000e+00 : f32
    %max3A_22 = vector.broadcast %max3A : f32 to vector<2000x128xf32>
    %max3A_23 = arith.maximumf %add3A_21, %max3A_22 : vector<2000x128xf32>
    %get3A_24 = arith.constant 0 : index
    %get3A_25 = arith.constant 0 : index
    %get3A_26 = vector.load %arg5[%get3A_24, %get3A_25] : memref<128x128xf32, #tpu.memory_space<vmem>>, vector<128x128xf32>
    %dot_general3A_27 = arith.constant dense<0.000000e+00> : vector<2000x128xf32>
    %dot_general3A_28 = tpu.matmul %max3A_23, %get3A_26, %dot_general3A_27 {dimension_numbers = #tpu.dot_dimension_numbers<[1], [0], [0], [1], [0, 0, 1, 1], [], []>, transpose_lhs_hint = false} : vector<2000x128xf32>, vector<128x128xf32>, vector<2000x128xf32> -> vector<2000x128xf32>
    %get3A_29 = arith.constant 0 : index
    %get3A_30 = arith.constant 0 : index
    %get3A_31 = vector.load %arg6[%get3A_29, %get3A_30] : memref<1x128xf32, #tpu.memory_space<vmem>>, vector<1x128xf32>
    %add3A_32 = vector.broadcast %get3A_31 : vector<1x128xf32> to vector<2000x128xf32>
    %add3A_33 = arith.addf %dot_general3A_28, %add3A_32 : vector<2000x128xf32>
    %max3A_34 = arith.constant 0.000000e+00 : f32
    %max3A_35 = vector.broadcast %max3A_34 : f32 to vector<2000x128xf32>
    %max3A_36 = arith.maximumf %add3A_33, %max3A_35 : vector<2000x128xf32>
    %swap3A = arith.constant 0 : index
    %swap3A_37 = arith.constant 0 : index
    %swap3A_38 = vector.load %arg7[%swap3A, %swap3A_37] : memref<2000x128xf32, #tpu.memory_space<vmem>>, vector<2000x128xf32>
    tpu.vector_store %arg7[%swap3A, %swap3A_37], %max3A_36 {strides = array<i32>} : memref<2000x128xf32, #tpu.memory_space<vmem>>, vector<2000x128xf32>,
    return
  }
  func.func @transform_0(%arg0: i32) -> (i32, i32) {
    %c0_i32 = arith.constant 0 : i32
    %c0_i32_0 = arith.constant 0 : i32
    return %arg0, %c0_i32 : i32, i32
  }
  func.func @transform_1(%arg0: i32) -> (i32, i32, i32) {
    %c0_i32 = arith.constant 0 : i32
    %c0_i32_0 = arith.constant 0 : i32
    %c0_i32_1 = arith.constant 0 : i32
    return %c0_i32, %arg0, %c0_i32_0 : i32, i32, i32
  }
  func.func @transform_2(%arg0: i32) -> (i32, i32) {
    %c0_i32 = arith.constant 0 : i32
    %c0_i32_0 = arith.constant 0 : i32
    %c0_i32_1 = arith.constant 0 : i32
    return %c0_i32, %c0_i32_0 : i32, i32
  }
  func.func @transform_3(%arg0: i32) -> (i32, i32) {
    %c0_i32 = arith.constant 0 : i32
    %c0_i32_0 = arith.constant 0 : i32
    %c0_i32_1 = arith.constant 0 : i32
    return %c0_i32, %c0_i32_0 : i32, i32
  }
  func.func @transform_4(%arg0: i32) -> (i32, i32) {
    %c0_i32 = arith.constant 0 : i32
    %c0_i32_0 = arith.constant 0 : i32
    %c0_i32_1 = arith.constant 0 : i32
    return %c0_i32, %c0_i32_0 : i32, i32
  }
  func.func @transform_5(%arg0: i32) -> (i32, i32) {
    %c0_i32 = arith.constant 0 : i32
    %c0_i32_0 = arith.constant 0 : i32
    %c0_i32_1 = arith.constant 0 : i32
    return %c0_i32, %c0_i32_0 : i32, i32
  }
  func.func @transform_6(%arg0: i32) -> (i32, i32) {
    %c0_i32 = arith.constant 0 : i32
    %c0_i32_0 = arith.constant 0 : i32
    return %arg0, %c0_i32 : i32, i32
  }
}

module attributes {stable_mosaic.version = 14 : i64} {
  func.func @_mlp_pool_head_body(%arg0: i32, %arg1: memref<2000x128xf32, #tpu.memory_space<vmem>>, %arg2: memref<2x2000x128xf32, #tpu.memory_space<vmem>>, %arg3: memref<128x128xf32, #tpu.memory_space<vmem>>, %arg4: memref<1x128xf32, #tpu.memory_space<vmem>>, %arg5: memref<128x128xf32, #tpu.memory_space<vmem>>, %arg6: memref<1x128xf32, #tpu.memory_space<vmem>>, %arg7: memref<2000x1xi32, #tpu.memory_space<vmem>>, %arg8: memref<128x128xf32, #tpu.memory_space<vmem>>, %arg9: memref<1x128xf32, #tpu.memory_space<vmem>>, %arg10: memref<128x128xf32, #tpu.memory_space<vmem>>, %arg11: memref<1x128xf32, #tpu.memory_space<vmem>>, %arg12: memref<128x128xf32, #tpu.memory_space<vmem>>, %arg13: memref<128x128xf32, #tpu.memory_space<vmem>>) attributes {dimension_semantics = [#tpu.dimension_semantics<arbitrary>], iteration_bounds = array<i64: 5>, scalar_prefetch = 0 : i64, scratch_operands = 1 : i64, tpu.core_type = #tpu.core_type<tc>, window_params = [{transform_indices = @transform_0, window_bounds = array<i64: 2000, 128>}, {transform_indices = @transform_1, window_bounds = array<i64: 2, 2000, 128>}, {pipeline_mode = #tpu.pipeline_mode<synchronous>, transform_indices = @transform_2, window_bounds = array<i64: 128, 128>}, {pipeline_mode = #tpu.pipeline_mode<synchronous>, transform_indices = @transform_3, window_bounds = array<i64: 1, 128>}, {pipeline_mode = #tpu.pipeline_mode<synchronous>, transform_indices = @transform_4, window_bounds = array<i64: 128, 128>}, {pipeline_mode = #tpu.pipeline_mode<synchronous>, transform_indices = @transform_5, window_bounds = array<i64: 1, 128>}, {transform_indices = @transform_6, window_bounds = array<i64: 2000, 1>}, {pipeline_mode = #tpu.pipeline_mode<synchronous>, transform_indices = @transform_7, window_bounds = array<i64: 128, 128>}, {pipeline_mode = #tpu.pipeline_mode<synchronous>, transform_indices = @transform_8, window_bounds = array<i64: 1, 128>}, {pipeline_mode = #tpu.pipeline_mode<synchronous>, transform_indices = @transform_9, window_bounds = array<i64: 128, 128>}, {pipeline_mode = #tpu.pipeline_mode<synchronous>, transform_indices = @transform_10, window_bounds = array<i64: 1, 128>}, {pipeline_mode = #tpu.pipeline_mode<synchronous>, transform_indices = @transform_11, window_bounds = array<i64: 128, 128>}]} {
    %get3A = arith.constant 0 : index
    %get3A_0 = arith.constant 0 : index
    %get3A_1 = vector.load %arg1[%get3A, %get3A_0] : memref<2000x128xf32, #tpu.memory_space<vmem>>, vector<2000x128xf32>
    %get3A_2 = arith.constant 0 : index
    %get3A_3 = arith.constant 0 : index
    %get3A_4 = arith.constant 0 : index
    %get3A_5 = vector.load %arg2[%get3A_2, %get3A_3, %get3A_4] : memref<2x2000x128xf32, #tpu.memory_space<vmem>>, vector<1x2000x128xf32>
    %get3A_6 = vector.shape_cast %get3A_5 : vector<1x2000x128xf32> to vector<2000x128xf32>
    %add3A = arith.addf %get3A_1, %get3A_6 : vector<2000x128xf32>
    %get3A_7 = arith.constant 1 : index
    %get3A_8 = arith.constant 0 : index
    %get3A_9 = arith.constant 0 : index
    %get3A_10 = vector.load %arg2[%get3A_7, %get3A_8, %get3A_9] : memref<2x2000x128xf32, #tpu.memory_space<vmem>>, vector<1x2000x128xf32>
    %get3A_11 = vector.shape_cast %get3A_10 : vector<1x2000x128xf32> to vector<2000x128xf32>
    %add3A_12 = arith.addf %add3A, %get3A_11 : vector<2000x128xf32>
    %get3A_13 = arith.constant 0 : index
    %get3A_14 = arith.constant 0 : index
    %get3A_15 = vector.load %arg3[%get3A_13, %get3A_14] : memref<128x128xf32, #tpu.memory_space<vmem>>, vector<128x128xf32>
    %dot_general3A = arith.constant dense<0.000000e+00> : vector<2000x128xf32>
    %dot_general3A_16 = tpu.matmul %add3A_12, %get3A_15, %dot_general3A {dimension_numbers = #tpu.dot_dimension_numbers<[1], [0], [0], [1], [0, 0, 1, 1], [], []>, transpose_lhs_hint = false} : vector<2000x128xf32>, vector<128x128xf32>, vector<2000x128xf32> -> vector<2000x128xf32>
    %get3A_17 = arith.constant 0 : index
    %get3A_18 = arith.constant 0 : index
    %get3A_19 = vector.load %arg4[%get3A_17, %get3A_18] : memref<1x128xf32, #tpu.memory_space<vmem>>, vector<1x128xf32>
    %add3A_20 = vector.broadcast %get3A_19 : vector<1x128xf32> to vector<2000x128xf32>
    %add3A_21 = arith.addf %dot_general3A_16, %add3A_20 : vector<2000x128xf32>
    %max3A = arith.constant 0.000000e+00 : f32
    %max3A_22 = vector.broadcast %max3A : f32 to vector<2000x128xf32>
    %max3A_23 = arith.maximumf %add3A_21, %max3A_22 : vector<2000x128xf32>
    %get3A_24 = arith.constant 0 : index
    %get3A_25 = arith.constant 0 : index
    %get3A_26 = vector.load %arg5[%get3A_24, %get3A_25] : memref<128x128xf32, #tpu.memory_space<vmem>>, vector<128x128xf32>
    %dot_general3A_27 = arith.constant dense<0.000000e+00> : vector<2000x128xf32>
    %dot_general3A_28 = tpu.matmul %max3A_23, %get3A_26, %dot_general3A_27 {dimension_numbers = #tpu.dot_dimension_numbers<[1], [0], [0], [1], [0, 0, 1, 1], [], []>, transpose_lhs_hint = false} : vector<2000x128xf32>, vector<128x128xf32>, vector<2000x128xf32> -> vector<2000x128xf32>
    %get3A_29 = arith.constant 0 : index
    %get3A_30 = arith.constant 0 : index
    %get3A_31 = vector.load %arg6[%get3A_29, %get3A_30] : memref<1x128xf32, #tpu.memory_space<vmem>>, vector<1x128xf32>
    %add3A_32 = vector.broadcast %get3A_31 : vector<1x128xf32> to vector<2000x128xf32>
    %add3A_33 = arith.addf %dot_general3A_28, %add3A_32 : vector<2000x128xf32>
    %max3A_34 = arith.constant 0.000000e+00 : f32
    %max3A_35 = vector.broadcast %max3A_34 : f32 to vector<2000x128xf32>
    %max3A_36 = arith.maximumf %add3A_33, %max3A_35 : vector<2000x128xf32>
    %get3A_37 = arith.constant 0 : index
    %get3A_38 = arith.constant 0 : index
    %get3A_39 = vector.load %arg7[%get3A_37, %get3A_38] : memref<2000x1xi32, #tpu.memory_space<vmem>>, vector<2000x1xi32>
    %iota3A = tpu.iota {dimensions = array<i32: 1>} : vector<2000x128xi32>
    %eq3A = vector.broadcast %get3A_39 : vector<2000x1xi32> to vector<2000x128xi32>
    %eq3A_40 = arith.cmpi eq, %eq3A, %iota3A : vector<2000x128xi32>
    %convert_element_type3A = arith.extui %eq3A_40 : vector<2000x128xi1> to vector<2000x128xi32>
    %convert_element_type3A_41 = arith.sitofp %convert_element_type3A : vector<2000x128xi32> to vector<2000x128xf32>
    %dot_general3A_42 = arith.constant dense<0.000000e+00> : vector<128x128xf32>
    %dot_general3A_43 = tpu.matmul %convert_element_type3A_41, %max3A_36, %dot_general3A_42 {dimension_numbers = #tpu.dot_dimension_numbers<[0], [0], [1], [1], [0, 1, 1, 1], [], []>, transpose_lhs_hint = false} : vector<2000x128xf32>, vector<2000x128xf32>, vector<128x128xf32> -> vector<128x128xf32>
    %eq3A_44 = arith.constant 0 : i32
    %eq3A_45 = arith.cmpi eq, %arg0, %eq3A_44 : i32
    %convert_element_type3A_46 = arith.extui %eq3A_45 : i1 to i32
    %cond3A = arith.constant 0 : i32
    %cond3A_47 = arith.cmpi ne, %convert_element_type3A_46, %cond3A : i32
    scf.if %cond3A_47 {
      %broadcast_in_dim3A = arith.constant 0.000000e+00 : f32
      %broadcast_in_dim3A_59 = vector.broadcast %broadcast_in_dim3A : f32 to vector<128x128xf32>
      %swap3A_60 = arith.constant 0 : index
      %swap3A_61 = arith.constant 0 : index
      %swap3A_62 = vector.load %arg13[%swap3A_60, %swap3A_61] : memref<128x128xf32, #tpu.memory_space<vmem>>, vector<128x128xf32>
      tpu.vector_store %arg13[%swap3A_60, %swap3A_61], %broadcast_in_dim3A_59 {strides = array<i32>} : memref<128x128xf32, #tpu.memory_space<vmem>>, vector<128x128xf32>,
    } else {
    }
    %get3A_48 = arith.constant 0 : index
    %get3A_49 = arith.constant 0 : index
    %get3A_50 = vector.load %arg13[%get3A_48, %get3A_49] : memref<128x128xf32, #tpu.memory_space<vmem>>, vector<128x128xf32>
    %add3A_51 = arith.addf %get3A_50, %dot_general3A_43 : vector<128x128xf32>
    %swap3A = arith.constant 0 : index
    %swap3A_52 = arith.constant 0 : index
    %swap3A_53 = vector.load %arg13[%swap3A, %swap3A_52] : memref<128x128xf32, #tpu.memory_space<vmem>>, vector<128x128xf32>
    tpu.vector_store %arg13[%swap3A, %swap3A_52], %add3A_51 {strides = array<i32>} : memref<128x128xf32, #tpu.memory_space<vmem>>, vector<128x128xf32>,
    %eq3A_54 = arith.constant 4 : i32
    %eq3A_55 = arith.cmpi eq, %arg0, %eq3A_54 : i32
    %convert_element_type3A_56 = arith.extui %eq3A_55 : i1 to i32
    %cond3A_57 = arith.constant 0 : i32
    %cond3A_58 = arith.cmpi ne, %convert_element_type3A_56, %cond3A_57 : i32
    scf.if %cond3A_58 {
      %get3A_59 = arith.constant 0 : index
      %get3A_60 = arith.constant 0 : index
      %get3A_61 = vector.load %arg13[%get3A_59, %get3A_60] : memref<128x128xf32, #tpu.memory_space<vmem>>, vector<128x128xf32>
      %get3A_62 = arith.constant 0 : index
      %get3A_63 = arith.constant 0 : index
      %get3A_64 = vector.load %arg8[%get3A_62, %get3A_63] : memref<128x128xf32, #tpu.memory_space<vmem>>, vector<128x128xf32>
      %dot_general3A_65 = arith.constant dense<0.000000e+00> : vector<128x128xf32>
      %dot_general3A_66 = tpu.matmul %get3A_61, %get3A_64, %dot_general3A_65 {dimension_numbers = #tpu.dot_dimension_numbers<[1], [0], [0], [1], [0, 0, 1, 1], [], []>, transpose_lhs_hint = false} : vector<128x128xf32>, vector<128x128xf32>, vector<128x128xf32> -> vector<128x128xf32>
      %get3A_67 = arith.constant 0 : index
      %get3A_68 = arith.constant 0 : index
      %get3A_69 = vector.load %arg9[%get3A_67, %get3A_68] : memref<1x128xf32, #tpu.memory_space<vmem>>, vector<1x128xf32>
      %add3A_70 = vector.broadcast %get3A_69 : vector<1x128xf32> to vector<128x128xf32>
      %add3A_71 = arith.addf %dot_general3A_66, %add3A_70 : vector<128x128xf32>
      %max3A_72 = arith.constant 0.000000e+00 : f32
      %max3A_73 = vector.broadcast %max3A_72 : f32 to vector<128x128xf32>
      %max3A_74 = arith.maximumf %add3A_71, %max3A_73 : vector<128x128xf32>
      %get3A_75 = arith.constant 0 : index
      %get3A_76 = arith.constant 0 : index
      %get3A_77 = vector.load %arg10[%get3A_75, %get3A_76] : memref<128x128xf32, #tpu.memory_space<vmem>>, vector<128x128xf32>
      %dot_general3A_78 = arith.constant dense<0.000000e+00> : vector<128x128xf32>
      %dot_general3A_79 = tpu.matmul %max3A_74, %get3A_77, %dot_general3A_78 {dimension_numbers = #tpu.dot_dimension_numbers<[1], [0], [0], [1], [0, 0, 1, 1], [], []>, transpose_lhs_hint = false} : vector<128x128xf32>, vector<128x128xf32>, vector<128x128xf32> -> vector<128x128xf32>
      %get3A_80 = arith.constant 0 : index
      %get3A_81 = arith.constant 0 : index
      %get3A_82 = vector.load %arg11[%get3A_80, %get3A_81] : memref<1x128xf32, #tpu.memory_space<vmem>>, vector<1x128xf32>
      %add3A_83 = vector.broadcast %get3A_82 : vector<1x128xf32> to vector<128x128xf32>
      %add3A_84 = arith.addf %dot_general3A_79, %add3A_83 : vector<128x128xf32>
      %reduce_max3A = arith.constant dense<0xFF800000> : vector<128xf32>
      %reduce_max3A_85 = vector.multi_reduction <maximumf>, %add3A_84, %reduce_max3A [1] : vector<128x128xf32> to vector<128xf32>
      %broadcast_in_dim3A = vector.shape_cast %reduce_max3A_85 : vector<128xf32> to vector<128x1xf32>
      %sub3A = vector.broadcast %broadcast_in_dim3A : vector<128x1xf32> to vector<128x128xf32>
      %sub3A_86 = arith.subf %add3A_84, %sub3A : vector<128x128xf32>
      %exp3A = math.exp %sub3A_86 : vector<128x128xf32>
      %reduce_sum3A = arith.constant dense<0.000000e+00> : vector<128xf32>
      %reduce_sum3A_87 = vector.multi_reduction <add>, %exp3A, %reduce_sum3A [1] : vector<128x128xf32> to vector<128xf32>
      %broadcast_in_dim3A_88 = vector.shape_cast %reduce_sum3A_87 : vector<128xf32> to vector<128x1xf32>
      %log3A = math.log %broadcast_in_dim3A_88 : vector<128x1xf32>
      %add3A_89 = arith.addf %log3A, %broadcast_in_dim3A : vector<128x1xf32>
      %sub3A_90 = vector.broadcast %add3A_89 : vector<128x1xf32> to vector<128x128xf32>
      %sub3A_91 = arith.subf %add3A_84, %sub3A_90 : vector<128x128xf32>
      %swap3A_92 = arith.constant 0 : index
      %swap3A_93 = arith.constant 0 : index
      %swap3A_94 = vector.load %arg12[%swap3A_92, %swap3A_93] : memref<128x128xf32, #tpu.memory_space<vmem>>, vector<128x128xf32>
      tpu.vector_store %arg12[%swap3A_92, %swap3A_93], %sub3A_91 {strides = array<i32>} : memref<128x128xf32, #tpu.memory_space<vmem>>, vector<128x128xf32>,
    } else {
    }
    return
  }
  func.func @transform_0(%arg0: i32) -> (i32, i32) {
    %c0_i32 = arith.constant 0 : i32
    %c0_i32_0 = arith.constant 0 : i32
    return %arg0, %c0_i32 : i32, i32
  }
  func.func @transform_1(%arg0: i32) -> (i32, i32, i32) {
    %c0_i32 = arith.constant 0 : i32
    %c0_i32_0 = arith.constant 0 : i32
    %c0_i32_1 = arith.constant 0 : i32
    return %c0_i32, %arg0, %c0_i32_0 : i32, i32, i32
  }
  func.func @transform_2(%arg0: i32) -> (i32, i32) {
    %c0_i32 = arith.constant 0 : i32
    %c0_i32_0 = arith.constant 0 : i32
    %c0_i32_1 = arith.constant 0 : i32
    return %c0_i32, %c0_i32_0 : i32, i32
  }
  func.func @transform_3(%arg0: i32) -> (i32, i32) {
    %c0_i32 = arith.constant 0 : i32
    %c0_i32_0 = arith.constant 0 : i32
    %c0_i32_1 = arith.constant 0 : i32
    return %c0_i32, %c0_i32_0 : i32, i32
  }
  func.func @transform_4(%arg0: i32) -> (i32, i32) {
    %c0_i32 = arith.constant 0 : i32
    %c0_i32_0 = arith.constant 0 : i32
    %c0_i32_1 = arith.constant 0 : i32
    return %c0_i32, %c0_i32_0 : i32, i32
  }
  func.func @transform_5(%arg0: i32) -> (i32, i32) {
    %c0_i32 = arith.constant 0 : i32
    %c0_i32_0 = arith.constant 0 : i32
    %c0_i32_1 = arith.constant 0 : i32
    return %c0_i32, %c0_i32_0 : i32, i32
  }
  func.func @transform_6(%arg0: i32) -> (i32, i32) {
    %c0_i32 = arith.constant 0 : i32
    %c0_i32_0 = arith.constant 0 : i32
    return %arg0, %c0_i32 : i32, i32
  }
  func.func @transform_7(%arg0: i32) -> (i32, i32) {
    %c0_i32 = arith.constant 0 : i32
    %c0_i32_0 = arith.constant 0 : i32
    %c0_i32_1 = arith.constant 0 : i32
    return %c0_i32, %c0_i32_0 : i32, i32
  }
  func.func @transform_8(%arg0: i32) -> (i32, i32) {
    %c0_i32 = arith.constant 0 : i32
    %c0_i32_0 = arith.constant 0 : i32
    %c0_i32_1 = arith.constant 0 : i32
    return %c0_i32, %c0_i32_0 : i32, i32
  }
  func.func @transform_9(%arg0: i32) -> (i32, i32) {
    %c0_i32 = arith.constant 0 : i32
    %c0_i32_0 = arith.constant 0 : i32
    %c0_i32_1 = arith.constant 0 : i32
    return %c0_i32, %c0_i32_0 : i32, i32
  }
  func.func @transform_10(%arg0: i32) -> (i32, i32) {
    %c0_i32 = arith.constant 0 : i32
    %c0_i32_0 = arith.constant 0 : i32
    %c0_i32_1 = arith.constant 0 : i32
    return %c0_i32, %c0_i32_0 : i32, i32
  }
  func.func @transform_11(%arg0: i32) -> (i32, i32) {
    %c0_i32 = arith.constant 0 : i32
    %c0_i32_0 = arith.constant 0 : i32
    %c0_i32_1 = arith.constant 0 : i32
    return %c0_i32, %c0_i32_0 : i32, i32
  }
}

</mosaic_0001>

<sc_bundles>
// kernel: kernel.11.cloned.1.call-start
scs
__scs_entry_jumppad:
0x0: {  	(pc) =	sbr.rel $0x88, $3  }
0x1: {  	(tag) =	ssettag $0x0;
	lr =	simm.s32 $0x1  }
0x2: {  	[smem:$0x3F8E] =	sst lr;
	_ =	strace $0xD0000000  }
0x3: {  	_ = 	snop  }
0x4: {  	_ = 	snop  }
0x5: {  	_ = 	snop  }
0x6: {  	_ = 	snop  }
0x7: {  	_ = 	snop  }
__scs_overlays_trampoline_lowered:
0x8: {  	[smem:$0x3F9D] =	sst s0  }
0x9: {  	[smem:$0x3F9E] =	sst s1  }
0xa: {  	[smem:$0x3F9F] =	sst s2  }
0xb: {  	[smem:$0x3FA0] =	sst s3  }
0xc: {  	[smem:$0x3FA1] =	sst s4  }
0xd: {  	[smem:$0x3FA2] =	sst s5  }
0xe: {  	[smem:$0x3FA3] =	sst s6  }
0xf: {  	[smem:$0x3FA4] =	sst s7  }
0x10: {  	[smem:$0x3FA5] =	sst s8  }
0x11: {  	[smem:$0x3FA6] =	sst s9;
	s0 =	simm.s32 @!p0 $0x0  }
0x12: {  	s1 =	sld [smem:$0x3F8C];
	s0 =	simm.s32 @p0 $0x1  }
0x13: {  	[smem:$0x3FA7] =	sst s0;
	s0 =	simm.s32 @!p1 $0x0  }
0x14: {  	s2 =	sld [smem:$0x3F8B];
	s0 =	simm.s32 @p1 $0x1  }
0x15: {  	[smem:$0x3FA8] =	sst s0;
	s0 =	simm.s32 @!p2 $0x0  }
0x16: {  	s3 =	sld [smem:$0x3FDB];
	s0 =	simm.s32 @p2 $0x1  }
0x17: {  	s4 =	simm.s32 $0x1BF5;
	[smem:$0x3FAA] =	sst s0  }
0x18: {  	s0 =	sld [smem:$0x3F8D];
	_ =	swait.ge [sflag:s4], $0x0  }
0x19: {  	s7 =	sld [smem:$0x3F8E]  }
0x1a: {  	s8 =	sadd.s32 $0xFFFFE003, lr  }
0x1b: {  	s9 =	sadd.s32 $0xFFFFFEF7, lr;
	s5 =	simm.s32 $0xFFFFFFFF;
	p2 =	slt.u32 s8, $0xFFFFF086  }
0x1c: {  	p1 =	slt.u32 s9, $0xF7A;
	s5 =	simm.s32 @!p2 $0x0  }
0x1d: {  	s5 =	simm.s32 @p1 $0x1;
	p0 =	seq.s32 s7, s2  }
0x1e: {  	s7 =	smul.u32 @!p0 $0xF7A, s2;
	p2 =	seq.s32 @!p0 s5, $0x0  }
0x1f: {  	s9 =	smul.u32 $0xF7A, s1;
	s8 =	simm.s32 @!p0 $0x1BF5;
	p2 =	por !p2, p0  }
0x20: {  	[sflag:s8] =	ssyncset.s32 @!p0 $0xFFFFF086;
	s6 =	sadd.s32 @!p0 s3, s7;
	s7 =	simm.s32 @!p0 $0x108  }
0x21: {  	s3 =	sadd.s32 s3, s9;
	s6 =	sadd.s32 @!p0 $0x88, s6;
	s7 =	simm.s32 @p2 $0x1082  }
0x22: {  	[simem:s7], [sflag:s8] =	dma.local @!p0 [hbm:s6], $0xF7A  }
0x23: {  	s9 =	sor.u32 $0xD0000000, s2;
	s6 =	simm.s32 $0x108;
	_ =	swait.ge @!p0 [sflag:s8], $0x0  }
0x24: {  	s3 =	sadd.s32 $0x88, s3;
	s6 =	simm.s32 @!p1 $0x1082;
	[sflag:s4] =	ssyncset.s32 $0xFFFFF086  }
0x25: {  	[simem:s6], [sflag:s4] =	dma.local [hbm:s3], $0xF7A  }
0x26: {  	[smem:$0x3F8E] =	sst s1;
	(tag) =	ssettag s2;
	_ =	strace s9  }
0x27: {  	s1 =	sld [smem:$0x3F9E]  }
0x28: {  	s2 =	sld [smem:$0x3F9F]  }
0x29: {  	s4 =	sld [smem:$0x3FA1]  }
0x2a: {  	p0 =	seq.s32 s5, $0x0;
	s5 =	sld [smem:$0x3FA2]  }
0x2b: {  	s6 =	sld [smem:$0x3FA3]  }
0x2c: {  	s7 =	sld [smem:$0x3FA4]  }
0x2d: {  	s3 =	simm.s32 $0x108;
	s8 =	sld [smem:$0x3FA5]  }
0x2e: {  	s3 =	simm.s32 @!p0 $0x1082;
	s9 =	sld [smem:$0x3FA6]  }
0x2f: {  	lr =	sadd.s32 s0, s3;
	s0 =	sld [smem:$0x3F9D]  }
0x30: {  	s3 =	sld [smem:$0x3FA0]  }
0x31: {  	[smem:$0x3FA9] =	sst s10  }
0x32: {  	s10 =	sld [smem:$0x3FA7];
	_ =	sdelay $0x3  }
0x33: {  	p0 =	seq.s32 s10, $0x1;
	s10 =	sld [smem:$0x3FA9];
	_ =	sdelay $0x3  }
0x34: {  	[smem:$0x3FA9] =	sst s10  }
0x35: {  	s10 =	sld [smem:$0x3FA8];
	_ =	sdelay $0x3  }
0x36: {  	p1 =	seq.s32 s10, $0x1;
	s10 =	sld [smem:$0x3FA9];
	_ =	sdelay $0x3  }
0x37: {  	[smem:$0x3FA9] =	sst s10  }
0x38: {  	s10 =	sld [smem:$0x3FAA]  }
0x39: {  	_ = 	snop;
	(pc) =	sbr.ind lr, $3  }
0x3a: {  	_ = 	snop  }
0x3b: {  	_ = 	snop  }
0x3c: {  	p2 =	seq.s32 s10, $0x1;
	s10 =	sld [smem:$0x3FA9]  }
0x3d: {  	_ =	shalt  }
0x3e: {  	_ =	shalt  }
0x3f: {  	_ =	shalt  }
0x40: {  	_ =	shalt  }
0x41: {  	_ =	shalt  }
0x42: {  	_ =	shalt  }
0x43: {  	_ =	shalt  }
0x44: {  	_ =	shalt  }
0x45: {  	_ =	shalt  }
0x46: {  	_ =	shalt  }
0x47: {  	_ =	shalt  }
0x48: {  	_ =	shalt  }
0x49: {  	_ =	shalt  }
0x4a: {  	_ =	shalt  }
0x4b: {  	_ =	shalt  }
0x4c: {  	_ =	shalt  }
0x4d: {  	_ =	shalt  }
0x4e: {  	_ =	shalt  }
0x4f: {  	_ =	shalt  }
0x50: {  	_ =	shalt  }
0x51: {  	_ =	shalt  }
0x52: {  	_ =	shalt  }
0x53: {  	_ =	shalt  }
0x54: {  	_ =	shalt  }
0x55: {  	_ =	shalt  }
0x56: {  	_ =	shalt  }
0x57: {  	_ =	shalt  }
0x58: {  	_ =	shalt  }
0x59: {  	_ =	shalt  }
0x5a: {  	_ =	shalt  }
0x5b: {  	_ =	shalt  }
0x5c: {  	_ =	shalt  }
0x5d: {  	_ =	shalt  }
0x5e: {  	_ =	shalt  }
0x5f: {  	_ =	shalt  }
0x60: {  	_ =	shalt  }
0x61: {  	_ =	shalt  }
0x62: {  	_ =	shalt  }
0x63: {  	_ =	shalt  }
0x64: {  	_ =	shalt  }
0x65: {  	_ =	shalt  }
0x66: {  	_ =	shalt  }
0x67: {  	_ =	shalt  }
0x68: {  	_ =	shalt  }
0x69: {  	_ =	shalt  }
0x6a: {  	_ =	shalt  }
0x6b: {  	_ =	shalt  }
0x6c: {  	_ =	shalt  }
0x6d: {  	_ =	shalt  }
0x6e: {  	_ =	shalt  }
0x6f: {  	_ =	shalt  }
0x70: {  	_ =	shalt  }
0x71: {  	_ =	shalt  }
0x72: {  	_ =	shalt  }
0x73: {  	_ =	shalt  }
0x74: {  	_ =	shalt  }
0x75: {  	_ =	shalt  }
0x76: {  	_ =	shalt  }
0x77: {  	_ =	shalt  }
0x78: {  	_ =	shalt  }
0x79: {  	_ =	shalt  }
0x7a: {  	_ =	shalt  }
0x7b: {  	_ =	shalt  }
0x7c: {  	_ =	shalt  }
0x7d: {  	_ =	shalt  }
0x7e: {  	_ =	shalt  }
0x7f: {  	_ =	shalt  }
0x80: {  	_ =	shalt  }
0x81: {  	_ =	shalt  }
0x82: {  	_ =	shalt  }
0x83: {  	_ =	shalt  }
0x84: {  	_ =	shalt  }
0x85: {  	_ =	shalt  }
0x86: {  	_ =	shalt  }
0x87: {  	_ =	shalt  }
.Lfunc_end0:
.L_simem_size_0:
called_computation.1_lowered:
.L_overlay_start_0:
0x88: {  	s2 =	sld [smem:$0x3FD9]  }
0x89: {  	s3 =	sld [smem:$0x3FFE];
	_ =	sdelay $0x1  }
0x8a: {  	s1 =	srdreg.scid  }
0x8b: {  	s0 =	sand.u32 $0x1, s1  }
0x8c: {  	s16 =	sshll.u32 s0, $0xA;
	s2 =	sadd.s32 s3, s2  }
0x8d: {  	s2 =	sadd.s32 s2, s16  }
0x8e: {  	[smem:$0x3FB5] =	sst s2  }
0x8f: {  	_ = 	snop  }
0x90: {  	(tm) =	ssettm $0x1  }
0x91: {  	s17 =	sld [smem:$0x3FFB];
	_ =	sdelay $0x3  }
0x92: {  	_ =	strace s17  }
0x93: {  	s2 =	sld [smem:$0x3FFC];
	_ =	sdelay $0x3  }
0x94: {  	_ =	strace s2  }
0x95: {  	s2 =	sld [smem:$0x3FFD];
	_ =	sdelay $0x3  }
0x96: {  	_ =	strace s2  }
0x97: {  	_ =	strace $0x8FFFFFFF  }
0x98: {  	s18 =	sld [smem:$0x3FDB];
	_ =	sdelay $0x1  }
0x99: {  	s19 =	simm.s32 $_scs_section_size  }
0x9a: {  	s4 =	simm.s32 $_size__tile_overlayer_lowered;
	s5 =	simm.s32 $_tile_overlayer_lowered  }
0x9b: {  	s22 =	simm.s32 $0x1BFF;
	s21 =	sshll.u32 s5, $0x1;
	s2 =	sadd.s32 s19, s18  }
0x9c: {  	s6 =	simm.s32 $0x0;
	s20 =	sshll.u32 s4, $0x1;
	s4 =	sadd.s32 s21, s2  }
0x9d: {  	[timem:s6], [sflag:s22] =	dma.local [hbm:s4], s20  }
0x9e: {  	_ =	swait.ge [sflag:s22], s20  }
0x9f: {  	s3 =	ssub.s32 $0x0, s20;
	[sflag:s22] =	ssyncset.done $0x0  }
0xa0: {  	[sflag:s22] =	ssyncadd.s32 s3;
	_ =	sdelay $0x1  }
0xa1: {  	s23 =	simm.s32 $0x1B8B  }
0xa2: {  	_ =	swait.ge [sflag:s23], $0x1  }
0xa3: {  	[sflag:s23] =	ssyncset.done $0x0  }
0xa4: {  	s25 =	simm.s32 $0x1B8E;
	s24 =	sld [smem:$0x3FFE];
	[sflag:s23] =	ssyncadd.s32 $0xFFFFFFFF  }
0xa5: {  	s26 =	simm.s32 $execute0_lowered;
	[smem:$0x3FD2] =	sst s25  }
0xa6: {  	s4 =	sshll.u32 s26, $0x1;
	_ =	strace $0x80000049;
	[dreg:$0x1] =	wrdreg $0xFFFFFFFF  }
0xa7: {  	s28 =	simm.s32 $_size_execute0_lowered;
	s2 =	sadd.s32 s2, s4;
	[dreg:$0x0] =	wrdreg $0x0  }
0xa8: {  	s4 =	sshll.u32 s28, $0x1;
	[dreg:$0x2] =	wrdreg s2  }
0xa9: {  	[dreg:$0x3] =	wrdreg s4  }
0xaa: {  	[dreg:$0x4] =	wrdreg $0xC0  }
0xab: {  	_ =	task [dreg:s6], $0x5FFFF  }
0xac: {  	[dreg:$0x1] =	wrdreg $0xFFFFFFFF  }
0xad: {  	[dreg:$0x0] =	wrdreg $0x60  }
0xae: {  	[dreg:$0x2] =	wrdreg s24  }
0xaf: {  	[dreg:$0x3] =	wrdreg $0xA1000  }
0xb0: {  	[dreg:$0x4] =	wrdreg $0x9  }
0xb1: {  	_ =	task.clear_ibuf [dreg:s6], $0x5FFFF;
	_ =	strace $0x90000049  }
0xb2: {  	s29 =	simm.s32 $0x9;
	_ =	strace $0x8000004B  }
0xb3: {  	_ =	swait.ge [sflag:s29], $0x1  }
0xb4: {  	[sflag:s29] =	ssyncadd.s32 $0xFFFFFFFF  }
0xb5: {  	_ =	strace $0x9000004B  }
0xb6: {  	_ =	sfence  }
0xb7: {  	s30 =	sld [smem:$0x0];
	_ =	sdelay $0x2  }
0xb8: {  	s31 =	sshll.u32 s1, $0xD;
	s1 =	sshrl.u32 s1, $0x2  }
0xb9: {  	s3 =	sand.u32 $0x4000, s31;
	s1 =	sadd.s32 s1, s30  }
0xba: {  	s0 =	sor.u32 s3, s0;
	s1 =	sshll.u32 s1, $0x11  }
0xbb: {  	s0 =	sor.u32 s1, s0  }
0xbc: {  	s0 =	sadd.s32 $0x8F2B, s0  }
0xbd: {  	[sflag:s0] =	ssyncadd.remote.s32 $0x1  }
0xbe: {  	_ =	sfence.sel $0xFFFF  }
0xbf: {  	[dreg:$0x0] =	wrdreg $0xFFFFFFFF;
	(pc) =	sbr.abs _section_cstart, $3  }
0xc0: {  	[dreg:$0x1] =	wrdreg $0xFFFFFFFF  }
0xc1: {  	_ =	task.clear_ibuf [dreg:s6], $0x2FFFF;
	_ =	strace $0x9FFFFFFF  }
0xc2: {  	(tm) =	ssettm $0x7FFFFFFF  }
0xc3: {  	_ =	shalt  }
tec
execute0_lowered:
.L_overlay_start_1:
0x0: {  	(tag) =	ssettag $0x1  }
0x1: {  	s0 =	rddreg [dreg:$0x0];
	s1 =	srdreg.scid  }
0x2: {  	s12 =	stileid.u32;
	s2 =	rddreg [dreg:$0x1];
	s3 =	simm.s32 $0x0  }
0x3: {  	s28 =	simm.s32 $0x4F80;
	s29 =	simm.s32 $0x7780;
	s6 =	smul.u32 $0x2800, s12  }
0x4: {  	s30 =	simm.s32 $0xA;
	s31 =	simm.s32 $0x6;
	s11 =	smul.u32 $0x50000, s12  }
0x5: {  	s1 =	sand.u32 $0x1, s1;
	s4 =	sshll.u32 s12, $0x1;
	s16 =	smul.u32 $0x4E20, s12  }
0x6: {  	[smem:$0x7FF] =	sst s3;
	s12 =	simm.s32 $0x5;
	s8 =	smul.u32 $0x28000, s1  }
0x7: {  	s4 =	sor.u32 s1, s4;
	s10 =	ssub.s32 $0x2, s1;
	s1 =	smul.u32 $0x2710, s1  }
0x8: {  	_ =	strace $0x8000004A;
	s5 =	smul.u32 $0x2710, s4;
	s4 =	sadd.s32 $0x17800, s0  }
0x9: {  	s26 =	sshrl.u32 s10, $0x1;
	s15 =	sshrl.u32 s11, $0x2;
	s11 =	simm.s32 $0x2  }
0xa: {  	s6 =	sadd.s32 s6, s8;
	s10 =	ssub.s32 s10, s26;
	s1 =	sadd.s32 s1, s16  }
0xb: {  	s8 =	simm.s32 $0x4;
	s7 =	sshrl.u32 s5, $0x3;
	s5 =	sadd.s32 $0x3C00, s0  }
0xc: {  	s23 =	sadd.s32 $0x140, s1;
	s25 =	sadd.s32 $0xA0, s1;
	s1 =	sadd.s32 $0xF0, s1  }
0xd: {  	s9 =	sadd.s32 s7, s0;
	s14 =	sadd.s32 s5, s7;
	[dreg:$0x10] =	wrdreg s1  }
0xe: {  	s0 =	sadd.s32 s6, s0;
	s6 =	smax.u32 s10, $0x1;
	[dreg:$0x4] =	wrdreg s14  }
0xf: {  	s24 =	sshrl.u32 s23, $0x3;
	s13 =	sadd.s32 $0xDA00, s9;
	[dreg:$0xe] =	wrdreg s6  }
0x10: {  	s26 =	sshrl.u32 s25, $0x3;
	s9 =	sadd.s32 $0xA, s14;
	[dreg:$0x3] =	wrdreg s13  }
0x11: {  	s23 =	simm.s32 $0x9F80;
	s0 =	sadd.s32 $0x3EA00, s0;
	[dreg:$0x5] =	wrdreg s9  }
0x12: {  	s9 =	sadd.s32 s15, s2;
	[dreg:$0xd] =	wrdreg s0;
	s0 =	sadd.s32 s24, s5  }
0x13: {  	s25 =	simm.s32 $0x2780;
	s7 =	sadd.s32 $0x2800, s9;
	[dreg:$0xf] =	wrdreg s0  }
0x14: {  	s1 =	simm.s32 $0xA080;
	s17 =	sadd.s32 $0x5000, s9;
	[dreg:$0x6] =	wrdreg s7  }
0x15: {  	s10 =	simm.s32 $0x8;
	s18 =	sadd.s32 $0x7800, s9;
	[dreg:$0x7] =	wrdreg s17  }
0x16: {  	s6 =	simm.s32 $0x1;
	s19 =	sadd.s32 $0xA000, s9;
	[dreg:$0x8] =	wrdreg s18  }
0x17: {  	s14 =	simm.s32 $0x0;
	s20 =	sadd.s32 $0xC800, s9;
	[dreg:$0x9] =	wrdreg s19  }
0x18: {  	s24 =	simm.s32 $0x50;
	s21 =	sadd.s32 $0xF000, s9;
	[dreg:$0xa] =	wrdreg s20  }
0x19: {  	s13 =	simm.s32 $0x9;
	s22 =	sadd.s32 $0x11800, s9;
	[dreg:$0xb] =	wrdreg s21  }
0x1a: {  	s0 =	simm.s32 $0x7;
	[dreg:$0xc] =	wrdreg s22;
	s21 =	sadd.s32 s26, s5  }
0x1b: {  	v0 =	vimm.f32 $0.0e+00;
	s22 =	simm.s32 $0xB;
	s26 =	simm.s32 $0xA000;
	s7 =	simm.s32 $0x3  }
.LBB2_1:
0x1c: {  	s15 =	rddreg [dreg:$0x3]  }
0x1d: {  	[tilespmem:s3], [sflag:$0xB] =	stream.linear.gather [hbm4b:s15+s3], $0x2710, $0x38;
	[tilespmem:$0x1E100] =	vst v63  }
0x1e: {  	_ =	swait.ge [sflag:s22], $0x2710  }
0x1f: {  	[sflag:s22] =	ssyncset.done $0x0  }
0x20: {  	s19 =	rddreg [dreg:$0x4];
	[sflag:s22] =	ssyncadd.s32 $0xFFFFD8F0  }
0x21: {  	[tilespmem:s23], [sflag:$0x7] =	stream.linear.gather [hbm4b:s19+s3], $0x50, $0x38;
	[tilespmem:$0x1E100] =	vst v63  }
0x22: {  	_ = 	snop  }
0x23: {  	[tilespmem:s25], [sflag:$0x1] =	stream.indirect.gather [hbm4b:s4+s24], $0x80, s3, s24, $0xb8;
	[tilespmem:$0x1E100] =	vst v63  }
0x24: {  	s20 =	rddreg [dreg:$0x5]  }
0x25: {  	[tilespmem:s26], [sflag:$0x8] =	stream.linear.gather [hbm4b:s20+s3], $0x50, $0x38;
	[tilespmem:$0x1E100] =	vst v63  }
0x26: {  	s16 =	simm.s32 $0x200;
	s15 =	simm.s32 $0x0  }
0x27: {  	[tilespmem:s28], [sflag:$0x2] =	stream.indirect.gather [hbm4b:s4+s24], $0x80, s24, s24, $0xb8;
	[tilespmem:$0x1E100] =	vst v63  }
.LBB2_2:
0x28: {  	p0 =	sne.s32 s16, $0x9E00;
	[tilespmem:s15+$0x77F0] =	vst v0  }
0x29: {  	[tilespmem:s15+$0x7780] =	vst v0  }
0x2a: {  	[tilespmem:s15+$0x7790] =	vst v0  }
.Ltmp0:
0x2b: {  	[tilespmem:s15+$0x77A0] =	vst v0;
	(pc) =	sbr.rel @p0 .LBB2_2-.Ltmp0, $4  }
0x2c: {  	[tilespmem:s15+$0x77B0] =	vst v0  }
0x2d: {  	[tilespmem:s15+$0x77C0] =	vst v0  }
0x2e: {  	[tilespmem:s15+$0x77D0] =	vst v0  }
0x2f: {  	[tilespmem:s15+$0x77E0] =	vst v0;
	s15 =	sshra.s32 s16, $0x2;
	s16 =	sadd.s32 $0x200, s16  }
0x30: {  	[tilespmem:s15+$0x77F0] =	vst v0  }
0x31: {  	[tilespmem:s15+$0x7780] =	vst v0  }
0x32: {  	[tilespmem:s15+$0x7790] =	vst v0  }
0x33: {  	[tilespmem:s15+$0x77A0] =	vst v0  }
0x34: {  	[tilespmem:s15+$0x77B0] =	vst v0  }
0x35: {  	[tilespmem:s15+$0x77C0] =	vst v0  }
0x36: {  	[tilespmem:s15+$0x77D0] =	vst v0  }
0x37: {  	[tilespmem:s15+$0x77E0] =	vst v0  }
0x38: {  	[spmem:s9] =	stream.linear.scatter [tilespmem:s29], [sflag:$0xA], $0x2800, $0x38;
	[tilespmem:$0x1E100] =	vst v63  }
0x39: {  	s19 =	rddreg [dreg:$0x6]  }
0x3a: {  	[spmem:s19] =	stream.linear.scatter [tilespmem:s29], [sflag:$0xA], $0x2800, $0x38;
	[tilespmem:$0x1E100] =	vst v63  }
0x3b: {  	s20 =	rddreg [dreg:$0x7]  }
0x3c: {  	[spmem:s20] =	stream.linear.scatter [tilespmem:s29], [sflag:$0xA], $0x2800, $0x38;
	[tilespmem:$0x1E100] =	vst v63  }
0x3d: {  	s16 =	rddreg [dreg:$0x8]  }
0x3e: {  	[spmem:s16] =	stream.linear.scatter [tilespmem:s29], [sflag:$0xA], $0x2800, $0x38;
	[tilespmem:$0x1E100] =	vst v63  }
0x3f: {  	s17 =	rddreg [dreg:$0x9]  }
0x40: {  	[spmem:s17] =	stream.linear.scatter [tilespmem:s29], [sflag:$0xA], $0x2800, $0x38;
	[tilespmem:$0x1E100] =	vst v63  }
0x41: {  	s18 =	rddreg [dreg:$0xa]  }
0x42: {  	[spmem:s18] =	stream.linear.scatter [tilespmem:s29], [sflag:$0xA], $0x2800, $0x38;
	[tilespmem:$0x1E100] =	vst v63  }
0x43: {  	s19 =	rddreg [dreg:$0xb]  }
0x44: {  	[spmem:s19] =	stream.linear.scatter [tilespmem:s29], [sflag:$0xA], $0x2800, $0x38;
	[tilespmem:$0x1E100] =	vst v63  }
0x45: {  	s20 =	rddreg [dreg:$0xc]  }
0x46: {  	[spmem:s20] =	stream.linear.scatter [tilespmem:s29], [sflag:$0x6], $0x2800, $0x38;
	[tilespmem:$0x1E100] =	vst v63  }
0x47: {  	_ =	swait.ge [sflag:s30], $0x2800  }
0x48: {  	[sflag:s30] =	ssyncset.done $0x0  }
0x49: {  	[sflag:s30] =	ssyncadd.s32 $0xFFFFD800  }
0x4a: {  	_ =	swait.ge [sflag:s30], $0x2800  }
0x4b: {  	[sflag:s30] =	ssyncset.done $0x0  }
0x4c: {  	[sflag:s30] =	ssyncadd.s32 $0xFFFFD800  }
0x4d: {  	_ =	swait.ge [sflag:s30], $0x2800  }
0x4e: {  	[sflag:s30] =	ssyncset.done $0x0  }
0x4f: {  	[sflag:s30] =	ssyncadd.s32 $0xFFFFD800  }
0x50: {  	_ =	swait.ge [sflag:s30], $0x2800  }
0x51: {  	[sflag:s30] =	ssyncset.done $0x0  }
0x52: {  	[sflag:s30] =	ssyncadd.s32 $0xFFFFD800  }
0x53: {  	_ =	swait.ge [sflag:s30], $0x2800  }
0x54: {  	[sflag:s30] =	ssyncset.done $0x0  }
0x55: {  	[sflag:s30] =	ssyncadd.s32 $0xFFFFD800  }
0x56: {  	_ =	swait.ge [sflag:s30], $0x2800  }
0x57: {  	[sflag:s30] =	ssyncset.done $0x0  }
0x58: {  	[sflag:s30] =	ssyncadd.s32 $0xFFFFD800  }
0x59: {  	_ =	swait.ge [sflag:s30], $0x2800  }
0x5a: {  	[sflag:s30] =	ssyncset.done $0x0  }
0x5b: {  	[sflag:s30] =	ssyncadd.s32 $0xFFFFD800  }
0x5c: {  	[bflag:$0x0] =	sbarrier.arrive $0xFFFF  }
0x5d: {  	_ =	swait.ge [sflag:s31], $0x2800  }
0x5e: {  	[sflag:s31] =	ssyncset.done $0x0  }
0x5f: {  	[sflag:s31] =	ssyncadd.s32 $0xFFFFD800  }
0x60: {  	[tilespmem:s1], [sflag:$0x9] =	stream.linear.gather [hbm4b:s21+s3], $0x50, $0x38;
	[tilespmem:$0x1E100] =	vst v63  }
0x61: {  	s16 =	simm.s32 $0xA0  }
0x62: {  	[tilespmem:s29], [sflag:$0x3] =	stream.indirect.gather [hbm4b:s4+s24], $0x80, s16, s24, $0xb8;
	[tilespmem:$0x1E100] =	vst v63  }
0x63: {  	_ =	swait.ge [sflag:s0], $0x50  }
0x64: {  	[sflag:s0] =	ssyncset.done $0x0  }
0x65: {  	[sflag:s0] =	ssyncadd.s32 $0xFFFFFFB0  }
0x66: {  	_ =	swait.ge [sflag:s6], $0x2800  }
0x67: {  	[sflag:s6] =	ssyncset.done $0x0  }
0x68: {  	[sflag:s6] =	ssyncadd.s32 $0xFFFFD800  }
0x69: {  	[spmem:s2] =	stream.indirect.scatter.add.f32 [tilespmem:s25], [sflag:$0x4], $0x80, s23, s24, $0xb8;
	[tilespmem:$0x1E100] =	vst v63  }
0x6a: {  	_ =	swait.ge [sflag:s8], $0x2800  }
0x6b: {  	s18 =	rddreg [dreg:$0x10]  }
0x6c: {  	[sflag:s8] =	ssyncset.done $0x0;
	s17 =	sshrl.u32 s18, $0x3  }
0x6d: {  	[sflag:s8] =	ssyncadd.s32 $0xFFFFD800;
	s15 =	sadd.s32 s5, s17  }
0x6e: {  	[tilespmem:s23], [sflag:$0x7] =	stream.linear.gather [hbm4b:s15+s3], $0x50, $0x38;
	[tilespmem:$0x1E100] =	vst v63  }
0x6f: {  	s19 =	simm.s32 $0xF0  }
0x70: {  	[tilespmem:s25], [sflag:$0x1] =	stream.indirect.gather [hbm4b:s4+s24], $0x80, s19, s24, $0xb8;
	[tilespmem:$0x1E100] =	vst v63  }
0x71: {  	_ =	swait.ge [sflag:s10], $0x50  }
0x72: {  	[sflag:s10] =	ssyncset.done $0x0  }
0x73: {  	[sflag:s10] =	ssyncadd.s32 $0xFFFFFFB0  }
0x74: {  	_ =	swait.ge [sflag:s11], $0x2800  }
0x75: {  	[sflag:s11] =	ssyncset.done $0x0  }
0x76: {  	[sflag:s11] =	ssyncadd.s32 $0xFFFFD800  }
0x77: {  	[spmem:s2] =	stream.indirect.scatter.add.f32 [tilespmem:s28], [sflag:$0x5], $0x80, s26, s24, $0xb8;
	[tilespmem:$0x1E100] =	vst v63  }
0x78: {  	_ =	swait.ge [sflag:s12], $0x2800  }
0x79: {  	[sflag:s12] =	ssyncset.done $0x0  }
0x7a: {  	s17 =	rddreg [dreg:$0xf];
	[sflag:s12] =	ssyncadd.s32 $0xFFFFD800  }
0x7b: {  	[tilespmem:s26], [sflag:$0x8] =	stream.linear.gather [hbm4b:s17+s3], $0x50, $0x38;
	[tilespmem:$0x1E100] =	vst v63  }
0x7c: {  	s20 =	simm.s32 $0x140  }
0x7d: {  	[tilespmem:s28], [sflag:$0x2] =	stream.indirect.gather [hbm4b:s4+s24], $0x80, s20, s24, $0xb8;
	[tilespmem:$0x1E100] =	vst v63  }
0x7e: {  	_ =	swait.ge [sflag:s13], $0x50  }
0x7f: {  	[sflag:s13] =	ssyncset.done $0x0  }
0x80: {  	[sflag:s13] =	ssyncadd.s32 $0xFFFFFFB0  }
0x81: {  	_ =	swait.ge [sflag:s7], $0x2800  }
0x82: {  	s16 =	sadd.s32 $0x1E, s21;
	s18 =	sadd.s32 $0xF0, s18;
	[sflag:s7] =	ssyncset.done $0x0  }
0x83: {  	s15 =	simm.s32 $0x3C0;
	s17 =	sadd.s32 $0x1E, s17;
	[sflag:s7] =	ssyncadd.s32 $0xFFFFD800  }
.LBB2_4:
0x84: {  	[spmem:s2] =	stream.indirect.scatter.add.f32 [tilespmem:s29], [sflag:$0x6], $0x80, s1, s24, $0xb8;
	[tilespmem:$0x1E100] =	vst v63  }
0x85: {  	s19 =	smov.u32 s15  }
0x86: {  	p0 =	sne.s32 s15, $0x9600;
	s15 =	sadd.s32 $0x3C0, s15;
	_ =	swait.ge [sflag:s31], $0x2800  }
0x87: {  	[sflag:s31] =	ssyncset.done $0x0  }
0x88: {  	s19 =	sshra.s32 s19, $0x2;
	[sflag:s31] =	ssyncadd.s32 $0xFFFFD800  }
0x89: {  	[tilespmem:s1], [sflag:$0x9] =	stream.linear.gather [hbm4b:s16+s3], $0x50, $0x38;
	[tilespmem:$0x1E100] =	vst v63  }
0x8a: {  	s20 =	sadd.s32 $0xA0, s19  }
0x8b: {  	[tilespmem:s29], [sflag:$0x3] =	stream.indirect.gather [hbm4b:s4+s24], $0x80, s20, s24, $0xb8;
	[tilespmem:$0x1E100] =	vst v63  }
0x8c: {  	_ =	swait.ge [sflag:s0], $0x50  }
0x8d: {  	[sflag:s0] =	ssyncset.done $0x0  }
0x8e: {  	[sflag:s0] =	ssyncadd.s32 $0xFFFFFFB0  }
0x8f: {  	_ =	swait.ge [sflag:s6], $0x2800  }
0x90: {  	[sflag:s6] =	ssyncset.done $0x0  }
0x91: {  	[sflag:s6] =	ssyncadd.s32 $0xFFFFD800  }
0x92: {  	[spmem:s2] =	stream.indirect.scatter.add.f32 [tilespmem:s25], [sflag:$0x4], $0x80, s23, s24, $0xb8;
	[tilespmem:$0x1E100] =	vst v63  }
0x93: {  	_ =	swait.ge [sflag:s8], $0x2800  }
0x94: {  	s20 =	sshrl.u32 s18, $0x3;
	[sflag:s8] =	ssyncset.done $0x0  }
0x95: {  	s20 =	sadd.s32 s5, s20;
	[sflag:s8] =	ssyncadd.s32 $0xFFFFD800  }
0x96: {  	[tilespmem:s23], [sflag:$0x7] =	stream.linear.gather [hbm4b:s20+s3], $0x50, $0x38;
	[tilespmem:$0x1E100] =	vst v63  }
0x97: {  	s20 =	sadd.s32 $0xF0, s19  }
0x98: {  	[tilespmem:s25], [sflag:$0x1] =	stream.indirect.gather [hbm4b:s4+s24], $0x80, s20, s24, $0xb8;
	[tilespmem:$0x1E100] =	vst v63  }
0x99: {  	_ =	swait.ge [sflag:s10], $0x50  }
0x9a: {  	[sflag:s10] =	ssyncset.done $0x0  }
0x9b: {  	[sflag:s10] =	ssyncadd.s32 $0xFFFFFFB0  }
0x9c: {  	_ =	swait.ge [sflag:s11], $0x2800  }
0x9d: {  	[sflag:s11] =	ssyncset.done $0x0  }
0x9e: {  	[sflag:s11] =	ssyncadd.s32 $0xFFFFD800  }
0x9f: {  	[spmem:s2] =	stream.indirect.scatter.add.f32 [tilespmem:s28], [sflag:$0x5], $0x80, s26, s24, $0xb8;
	[tilespmem:$0x1E100] =	vst v63  }
0xa0: {  	_ =	swait.ge [sflag:s12], $0x2800  }
0xa1: {  	[sflag:s12] =	ssyncset.done $0x0  }
0xa2: {  	[sflag:s12] =	ssyncadd.s32 $0xFFFFD800  }
0xa3: {  	[tilespmem:s26], [sflag:$0x8] =	stream.linear.gather [hbm4b:s17+s3], $0x50, $0x38;
	[tilespmem:$0x1E100] =	vst v63  }
0xa4: {  	s19 =	sadd.s32 $0x140, s19  }
0xa5: {  	[tilespmem:s28], [sflag:$0x2] =	stream.indirect.gather [hbm4b:s4+s24], $0x80, s19, s24, $0xb8;
	[tilespmem:$0x1E100] =	vst v63  }
0xa6: {  	_ =	swait.ge [sflag:s13], $0x50  }
.Ltmp1:
0xa7: {  	[sflag:s13] =	ssyncset.done $0x0;
	(pc) =	sbr.rel @p0 .LBB2_4-.Ltmp1, $4  }
0xa8: {  	[sflag:s13] =	ssyncadd.s32 $0xFFFFFFB0  }
0xa9: {  	_ =	swait.ge [sflag:s7], $0x2800  }
0xaa: {  	s16 =	sadd.s32 $0x1E, s16;
	[sflag:s7] =	ssyncset.done $0x0  }
0xab: {  	s18 =	sadd.s32 $0xF0, s18;
	s17 =	sadd.s32 $0x1E, s17;
	[sflag:s7] =	ssyncadd.s32 $0xFFFFD800  }
0xac: {  	[spmem:s2] =	stream.indirect.scatter.add.f32 [tilespmem:s29], [sflag:$0x6], $0x80, s1, s24, $0xb8;
	[tilespmem:$0x1E100] =	vst v63  }
0xad: {  	_ =	swait.ge [sflag:s0], $0x50  }
0xae: {  	[sflag:s0] =	ssyncset.done $0x0  }
0xaf: {  	[sflag:s0] =	ssyncadd.s32 $0xFFFFFFB0  }
0xb0: {  	_ =	swait.ge [sflag:s6], $0x2800  }
0xb1: {  	[sflag:s6] =	ssyncset.done $0x0  }
0xb2: {  	[sflag:s6] =	ssyncadd.s32 $0xFFFFD800  }
0xb3: {  	[spmem:s2] =	stream.indirect.scatter.add.f32 [tilespmem:s25], [sflag:$0x4], $0x80, s23, s24, $0xb8;
	[tilespmem:$0x1E100] =	vst v63  }
0xb4: {  	_ =	swait.ge [sflag:s10], $0x50  }
0xb5: {  	[sflag:s10] =	ssyncset.done $0x0  }
0xb6: {  	[sflag:s10] =	ssyncadd.s32 $0xFFFFFFB0  }
0xb7: {  	_ =	swait.ge [sflag:s11], $0x2800  }
0xb8: {  	[sflag:s11] =	ssyncset.done $0x0  }
0xb9: {  	[sflag:s11] =	ssyncadd.s32 $0xFFFFD800  }
0xba: {  	[spmem:s2] =	stream.indirect.scatter.add.f32 [tilespmem:s28], [sflag:$0x5], $0x80, s26, s24, $0xb8;
	[tilespmem:$0x1E100] =	vst v63  }
0xbb: {  	_ =	swait.ge [sflag:s8], $0x2800  }
0xbc: {  	[sflag:s8] =	ssyncset.done $0x0  }
0xbd: {  	[sflag:s8] =	ssyncadd.s32 $0xFFFFD800  }
0xbe: {  	_ =	swait.ge [sflag:s12], $0x2800  }
0xbf: {  	[sflag:s12] =	ssyncset.done $0x0  }
0xc0: {  	[sflag:s12] =	ssyncadd.s32 $0xFFFFD800  }
0xc1: {  	_ =	swait.ge [sflag:s31], $0x2800  }
0xc2: {  	[sflag:s31] =	ssyncset.done $0x0  }
0xc3: {  	s15 =	stileid.u32;
	[sflag:s31] =	ssyncadd.s32 $0xFFFFD800  }
0xc4: {  	s15 =	sshll.u32 s15, $0x6;
	[bflag:$0x0] =	sbarrier.arrive $0xFFFF  }
0xc5: {  	s16 =	sshrl.u32 s9, $0x3;
	s15 =	sor.u32 $0x1C0B, s15;
	s17 =	rddreg [dreg:$0xd]  }
0xc6: {  	[hbm:s17], [sflag:s15] =	dma.local [spmem:s16], $0x2800  }
0xc7: {  	_ =	swait.ge [sflag:s22], $0x2800  }
0xc8: {  	s14 =	sadd.s32 $0x1, s14;
	s20 =	rddreg [dreg:$0xe]  }
0xc9: {  	p0 =	sne.s32 s14, s20  }
.Ltmp2:
0xca: {  	_ = 	snop;
	(pc) =	sbr.rel @p0 .LBB2_1-.Ltmp2, $3  }
0xcb: {  	_ =	sdelay $0x1  }
0xcc: {  	[sflag:s22] =	ssyncset.done $0x0  }
0xcd: {  	[sflag:s22] =	ssyncadd.s32 $0xFFFFD800  }
0xce: {  	_ =	sfence.sel $0x180000  }
0xcf: {  	[bflag:$0x0] =	sbarrier.arrive $0xFFFF  }
0xd0: {  	_ =	strace $0x9000004A  }
0xd1: {  	s0 =	stileid.u32;
	[bflag:$0x2] =	sbarrier.arrive $0xFFFF  }
0xd2: {  	p0 =	sne.s32 s0, $0x0;
	s0 =	rddreg [dreg:$0x2]  }
0xd3: {  	s0 =	sadd.s32 @!p0 $0x100000, s0  }
0xd4: {  	[sflag:s0] =	ssyncadd.tile.s32 @!p0 $0x1;
	_ =	shalt  }
.Lfunc_end2:
_tile_overlayer_lowered:
.L_overlay_start_2:
0xd5: {  	(tag) =	ssettag $0x2  }
0xd6: {  	s0 =	rddreg [dreg:$0x0];
	s2 =	stileid.u32  }
0xd7: {  	s1 =	rddreg [dreg:$0x1];
	p0 =	sne.s32 s2, $0x0  }
0xd8: {  	s3 =	rddreg [dreg:$0x2];
	[bflag:$0x3] =	sbarrier.arrive $0xFFFF;
	s2 =	simm.s32 @!p0 $0x1C0B  }
0xd9: {  	[timem:s3], [sflag:s2] =	dma.local @!p0 [hbm:s0], s1  }
0xda: {  	s0 =	simm.s32 @!p0 $0xB  }
0xdb: {  	_ =	swait.ge @!p0 [sflag:s0], s1  }
0xdc: {  	s1 =	ssub.s32 @!p0 $0x0, s1;
	[sflag:s0] =	ssyncset.done @!p0 $0x0  }
0xdd: {  	[sflag:s0] =	ssyncadd.s32 @!p0 s1  }
0xde: {  	[bflag:$0x3] =	sbarrier.arrive $0xFFFF  }
0xdf: {  	_ =	shalt  }

// kernel: kernel.14.cloned.1.call-start
scs
__scs_entry_jumppad:
0x0: {  	(pc) =	sbr.rel $0x88, $3  }
0x1: {  	(tag) =	ssettag $0x0;
	lr =	simm.s32 $0x1  }
0x2: {  	[smem:$0x3F8E] =	sst lr;
	_ =	strace $0xD0000000  }
0x3: {  	_ = 	snop  }
0x4: {  	_ = 	snop  }
0x5: {  	_ = 	snop  }
0x6: {  	_ = 	snop  }
0x7: {  	_ = 	snop  }
__scs_overlays_trampoline_lowered:
0x8: {  	[smem:$0x3F9D] =	sst s0  }
0x9: {  	[smem:$0x3F9E] =	sst s1  }
0xa: {  	[smem:$0x3F9F] =	sst s2  }
0xb: {  	[smem:$0x3FA0] =	sst s3  }
0xc: {  	[smem:$0x3FA1] =	sst s4  }
0xd: {  	[smem:$0x3FA2] =	sst s5  }
0xe: {  	[smem:$0x3FA3] =	sst s6  }
0xf: {  	[smem:$0x3FA4] =	sst s7  }
0x10: {  	[smem:$0x3FA5] =	sst s8  }
0x11: {  	[smem:$0x3FA6] =	sst s9;
	s0 =	simm.s32 @!p0 $0x0  }
0x12: {  	s1 =	sld [smem:$0x3F8C];
	s0 =	simm.s32 @p0 $0x1  }
0x13: {  	[smem:$0x3FA7] =	sst s0;
	s0 =	simm.s32 @!p1 $0x0  }
0x14: {  	s2 =	sld [smem:$0x3F8B];
	s0 =	simm.s32 @p1 $0x1  }
0x15: {  	[smem:$0x3FA8] =	sst s0;
	s0 =	simm.s32 @!p2 $0x0  }
0x16: {  	s3 =	sld [smem:$0x3FDB];
	s0 =	simm.s32 @p2 $0x1  }
0x17: {  	s4 =	simm.s32 $0x1BF5;
	[smem:$0x3FAA] =	sst s0  }
0x18: {  	s0 =	sld [smem:$0x3F8D];
	_ =	swait.ge [sflag:s4], $0x0  }
0x19: {  	s7 =	sld [smem:$0x3F8E]  }
0x1a: {  	s8 =	sadd.s32 $0xFFFFE003, lr  }
0x1b: {  	s9 =	sadd.s32 $0xFFFFFEF7, lr;
	s5 =	simm.s32 $0xFFFFFFFF;
	p2 =	slt.u32 s8, $0xFFFFF086  }
0x1c: {  	p1 =	slt.u32 s9, $0xF7A;
	s5 =	simm.s32 @!p2 $0x0  }
0x1d: {  	s5 =	simm.s32 @p1 $0x1;
	p0 =	seq.s32 s7, s2  }
0x1e: {  	s7 =	smul.u32 @!p0 $0xF7A, s2;
	p2 =	seq.s32 @!p0 s5, $0x0  }
0x1f: {  	s9 =	smul.u32 $0xF7A, s1;
	s8 =	simm.s32 @!p0 $0x1BF5;
	p2 =	por !p2, p0  }
0x20: {  	[sflag:s8] =	ssyncset.s32 @!p0 $0xFFFFF086;
	s6 =	sadd.s32 @!p0 s3, s7;
	s7 =	simm.s32 @!p0 $0x108  }
0x21: {  	s3 =	sadd.s32 s3, s9;
	s6 =	sadd.s32 @!p0 $0x88, s6;
	s7 =	simm.s32 @p2 $0x1082  }
0x22: {  	[simem:s7], [sflag:s8] =	dma.local @!p0 [hbm:s6], $0xF7A  }
0x23: {  	s9 =	sor.u32 $0xD0000000, s2;
	s6 =	simm.s32 $0x108;
	_ =	swait.ge @!p0 [sflag:s8], $0x0  }
0x24: {  	s3 =	sadd.s32 $0x88, s3;
	s6 =	simm.s32 @!p1 $0x1082;
	[sflag:s4] =	ssyncset.s32 $0xFFFFF086  }
0x25: {  	[simem:s6], [sflag:s4] =	dma.local [hbm:s3], $0xF7A  }
0x26: {  	[smem:$0x3F8E] =	sst s1;
	(tag) =	ssettag s2;
	_ =	strace s9  }
0x27: {  	s1 =	sld [smem:$0x3F9E]  }
0x28: {  	s2 =	sld [smem:$0x3F9F]  }
0x29: {  	s4 =	sld [smem:$0x3FA1]  }
0x2a: {  	p0 =	seq.s32 s5, $0x0;
	s5 =	sld [smem:$0x3FA2]  }
0x2b: {  	s6 =	sld [smem:$0x3FA3]  }
0x2c: {  	s7 =	sld [smem:$0x3FA4]  }
0x2d: {  	s3 =	simm.s32 $0x108;
	s8 =	sld [smem:$0x3FA5]  }
0x2e: {  	s3 =	simm.s32 @!p0 $0x1082;
	s9 =	sld [smem:$0x3FA6]  }
0x2f: {  	lr =	sadd.s32 s0, s3;
	s0 =	sld [smem:$0x3F9D]  }
0x30: {  	s3 =	sld [smem:$0x3FA0]  }
0x31: {  	[smem:$0x3FA9] =	sst s10  }
0x32: {  	s10 =	sld [smem:$0x3FA7];
	_ =	sdelay $0x3  }
0x33: {  	p0 =	seq.s32 s10, $0x1;
	s10 =	sld [smem:$0x3FA9];
	_ =	sdelay $0x3  }
0x34: {  	[smem:$0x3FA9] =	sst s10  }
0x35: {  	s10 =	sld [smem:$0x3FA8];
	_ =	sdelay $0x3  }
0x36: {  	p1 =	seq.s32 s10, $0x1;
	s10 =	sld [smem:$0x3FA9];
	_ =	sdelay $0x3  }
0x37: {  	[smem:$0x3FA9] =	sst s10  }
0x38: {  	s10 =	sld [smem:$0x3FAA]  }
0x39: {  	_ = 	snop;
	(pc) =	sbr.ind lr, $3  }
0x3a: {  	_ = 	snop  }
0x3b: {  	_ = 	snop  }
0x3c: {  	p2 =	seq.s32 s10, $0x1;
	s10 =	sld [smem:$0x3FA9]  }
0x3d: {  	_ =	shalt  }
0x3e: {  	_ =	shalt  }
0x3f: {  	_ =	shalt  }
0x40: {  	_ =	shalt  }
0x41: {  	_ =	shalt  }
0x42: {  	_ =	shalt  }
0x43: {  	_ =	shalt  }
0x44: {  	_ =	shalt  }
0x45: {  	_ =	shalt  }
0x46: {  	_ =	shalt  }
0x47: {  	_ =	shalt  }
0x48: {  	_ =	shalt  }
0x49: {  	_ =	shalt  }
0x4a: {  	_ =	shalt  }
0x4b: {  	_ =	shalt  }
0x4c: {  	_ =	shalt  }
0x4d: {  	_ =	shalt  }
0x4e: {  	_ =	shalt  }
0x4f: {  	_ =	shalt  }
0x50: {  	_ =	shalt  }
0x51: {  	_ =	shalt  }
0x52: {  	_ =	shalt  }
0x53: {  	_ =	shalt  }
0x54: {  	_ =	shalt  }
0x55: {  	_ =	shalt  }
0x56: {  	_ =	shalt  }
0x57: {  	_ =	shalt  }
0x58: {  	_ =	shalt  }
0x59: {  	_ =	shalt  }
0x5a: {  	_ =	shalt  }
0x5b: {  	_ =	shalt  }
0x5c: {  	_ =	shalt  }
0x5d: {  	_ =	shalt  }
0x5e: {  	_ =	shalt  }
0x5f: {  	_ =	shalt  }
0x60: {  	_ =	shalt  }
0x61: {  	_ =	shalt  }
0x62: {  	_ =	shalt  }
0x63: {  	_ =	shalt  }
0x64: {  	_ =	shalt  }
0x65: {  	_ =	shalt  }
0x66: {  	_ =	shalt  }
0x67: {  	_ =	shalt  }
0x68: {  	_ =	shalt  }
0x69: {  	_ =	shalt  }
0x6a: {  	_ =	shalt  }
0x6b: {  	_ =	shalt  }
0x6c: {  	_ =	shalt  }
0x6d: {  	_ =	shalt  }
0x6e: {  	_ =	shalt  }
0x6f: {  	_ =	shalt  }
0x70: {  	_ =	shalt  }
0x71: {  	_ =	shalt  }
0x72: {  	_ =	shalt  }
0x73: {  	_ =	shalt  }
0x74: {  	_ =	shalt  }
0x75: {  	_ =	shalt  }
0x76: {  	_ =	shalt  }
0x77: {  	_ =	shalt  }
0x78: {  	_ =	shalt  }
0x79: {  	_ =	shalt  }
0x7a: {  	_ =	shalt  }
0x7b: {  	_ =	shalt  }
0x7c: {  	_ =	shalt  }
0x7d: {  	_ =	shalt  }
0x7e: {  	_ =	shalt  }
0x7f: {  	_ =	shalt  }
0x80: {  	_ =	shalt  }
0x81: {  	_ =	shalt  }
0x82: {  	_ =	shalt  }
0x83: {  	_ =	shalt  }
0x84: {  	_ =	shalt  }
0x85: {  	_ =	shalt  }
0x86: {  	_ =	shalt  }
0x87: {  	_ =	shalt  }
.Lfunc_end0:
.L_simem_size_0:
called_computation.2_lowered:
.L_overlay_start_0:
0x88: {  	s2 =	sld [smem:$0x3FD9]  }
0x89: {  	s3 =	sld [smem:$0x3FFE];
	_ =	sdelay $0x1  }
0x8a: {  	s1 =	srdreg.scid  }
0x8b: {  	s0 =	sand.u32 $0x1, s1  }
0x8c: {  	s16 =	sshll.u32 s0, $0xA;
	s2 =	sadd.s32 s3, s2  }
0x8d: {  	s2 =	sadd.s32 s2, s16  }
0x8e: {  	[smem:$0x3FB5] =	sst s2  }
0x8f: {  	_ = 	snop  }
0x90: {  	(tm) =	ssettm $0x1  }
0x91: {  	s17 =	sld [smem:$0x3FFB];
	_ =	sdelay $0x3  }
0x92: {  	_ =	strace s17  }
0x93: {  	s2 =	sld [smem:$0x3FFC];
	_ =	sdelay $0x3  }
0x94: {  	_ =	strace s2  }
0x95: {  	s2 =	sld [smem:$0x3FFD];
	_ =	sdelay $0x3  }
0x96: {  	_ =	strace s2  }
0x97: {  	_ =	strace $0x8FFFFFFF  }
0x98: {  	s18 =	sld [smem:$0x3FDB];
	_ =	sdelay $0x1  }
0x99: {  	s19 =	simm.s32 $_scs_section_size  }
0x9a: {  	s4 =	simm.s32 $_size__tile_overlayer_lowered;
	s5 =	simm.s32 $_tile_overlayer_lowered  }
0x9b: {  	s22 =	simm.s32 $0x1BFF;
	s21 =	sshll.u32 s5, $0x1;
	s2 =	sadd.s32 s19, s18  }
0x9c: {  	s6 =	simm.s32 $0x0;
	s20 =	sshll.u32 s4, $0x1;
	s4 =	sadd.s32 s21, s2  }
0x9d: {  	[timem:s6], [sflag:s22] =	dma.local [hbm:s4], s20  }
0x9e: {  	_ =	swait.ge [sflag:s22], s20  }
0x9f: {  	s3 =	ssub.s32 $0x0, s20;
	[sflag:s22] =	ssyncset.done $0x0  }
0xa0: {  	[sflag:s22] =	ssyncadd.s32 s3;
	_ =	sdelay $0x1  }
0xa1: {  	s23 =	simm.s32 $0x1B8B  }
0xa2: {  	_ =	swait.ge [sflag:s23], $0x1  }
0xa3: {  	[sflag:s23] =	ssyncset.done $0x0  }
0xa4: {  	s25 =	simm.s32 $0x1B8E;
	s24 =	sld [smem:$0x3FFE];
	[sflag:s23] =	ssyncadd.s32 $0xFFFFFFFF  }
0xa5: {  	s26 =	simm.s32 $execute0_lowered;
	[smem:$0x3FD2] =	sst s25  }
0xa6: {  	s4 =	sshll.u32 s26, $0x1;
	_ =	strace $0x8000004C;
	[dreg:$0x1] =	wrdreg $0xFFFFFFFF  }
0xa7: {  	s28 =	simm.s32 $_size_execute0_lowered;
	s2 =	sadd.s32 s2, s4;
	[dreg:$0x0] =	wrdreg $0x0  }
0xa8: {  	s4 =	sshll.u32 s28, $0x1;
	[dreg:$0x2] =	wrdreg s2  }
0xa9: {  	[dreg:$0x3] =	wrdreg s4  }
0xaa: {  	[dreg:$0x4] =	wrdreg $0xC0  }
0xab: {  	_ =	task [dreg:s6], $0x5FFFF  }
0xac: {  	[dreg:$0x1] =	wrdreg $0xFFFFFFFF  }
0xad: {  	[dreg:$0x0] =	wrdreg $0x60  }
0xae: {  	[dreg:$0x2] =	wrdreg s24  }
0xaf: {  	[dreg:$0x3] =	wrdreg $0xA1000  }
0xb0: {  	[dreg:$0x4] =	wrdreg $0x9  }
0xb1: {  	_ =	task.clear_ibuf [dreg:s6], $0x5FFFF;
	_ =	strace $0x9000004C  }
0xb2: {  	s29 =	simm.s32 $0x9;
	_ =	strace $0x8000004E  }
0xb3: {  	_ =	swait.ge [sflag:s29], $0x1  }
0xb4: {  	[sflag:s29] =	ssyncadd.s32 $0xFFFFFFFF  }
0xb5: {  	_ =	strace $0x9000004E  }
0xb6: {  	_ =	sfence  }
0xb7: {  	s30 =	sld [smem:$0x0];
	_ =	sdelay $0x2  }
0xb8: {  	s31 =	sshll.u32 s1, $0xD;
	s1 =	sshrl.u32 s1, $0x2  }
0xb9: {  	s3 =	sand.u32 $0x4000, s31;
	s1 =	sadd.s32 s1, s30  }
0xba: {  	s0 =	sor.u32 s3, s0;
	s1 =	sshll.u32 s1, $0x11  }
0xbb: {  	s0 =	sor.u32 s1, s0  }
0xbc: {  	s0 =	sadd.s32 $0x8F2B, s0  }
0xbd: {  	[sflag:s0] =	ssyncadd.remote.s32 $0x1  }
0xbe: {  	_ =	sfence.sel $0xFFFF  }
0xbf: {  	[dreg:$0x0] =	wrdreg $0xFFFFFFFF;
	(pc) =	sbr.abs _section_cstart, $3  }
0xc0: {  	[dreg:$0x1] =	wrdreg $0xFFFFFFFF  }
0xc1: {  	_ =	task.clear_ibuf [dreg:s6], $0x2FFFF;
	_ =	strace $0x9FFFFFFF  }
0xc2: {  	(tm) =	ssettm $0x7FFFFFFF  }
0xc3: {  	_ =	shalt  }
tec
execute0_lowered:
.L_overlay_start_1:
0x0: {  	(tag) =	ssettag $0x1  }
0x1: {  	s0 =	rddreg [dreg:$0x0];
	s1 =	srdreg.scid  }
0x2: {  	s12 =	stileid.u32;
	s2 =	rddreg [dreg:$0x1];
	s3 =	simm.s32 $0x0  }
0x3: {  	s28 =	simm.s32 $0x4F80;
	s29 =	simm.s32 $0x7780;
	s6 =	smul.u32 $0x2800, s12  }
0x4: {  	s30 =	simm.s32 $0xA;
	s31 =	simm.s32 $0x6;
	s11 =	smul.u32 $0x50000, s12  }
0x5: {  	s1 =	sand.u32 $0x1, s1;
	s4 =	sshll.u32 s12, $0x1;
	s16 =	smul.u32 $0x4E20, s12  }
0x6: {  	[smem:$0x7FF] =	sst s3;
	s12 =	simm.s32 $0x5;
	s8 =	smul.u32 $0x28000, s1  }
0x7: {  	s4 =	sor.u32 s1, s4;
	s10 =	ssub.s32 $0x2, s1;
	s1 =	smul.u32 $0x2710, s1  }
0x8: {  	_ =	strace $0x8000004D;
	s5 =	smul.u32 $0x2710, s4;
	s4 =	sadd.s32 $0x17800, s0  }
0x9: {  	s26 =	sshrl.u32 s10, $0x1;
	s15 =	sshrl.u32 s11, $0x2;
	s11 =	simm.s32 $0x2  }
0xa: {  	s6 =	sadd.s32 s6, s8;
	s10 =	ssub.s32 s10, s26;
	s1 =	sadd.s32 s1, s16  }
0xb: {  	s8 =	simm.s32 $0x4;
	s7 =	sshrl.u32 s5, $0x3;
	s5 =	sadd.s32 $0x3C00, s0  }
0xc: {  	s23 =	sadd.s32 $0x140, s1;
	s25 =	sadd.s32 $0xA0, s1;
	s1 =	sadd.s32 $0xF0, s1  }
0xd: {  	s9 =	sadd.s32 s7, s0;
	s14 =	sadd.s32 s5, s7;
	[dreg:$0x10] =	wrdreg s1  }
0xe: {  	s0 =	sadd.s32 s6, s0;
	s6 =	smax.u32 s10, $0x1;
	[dreg:$0x4] =	wrdreg s14  }
0xf: {  	s24 =	sshrl.u32 s23, $0x3;
	s13 =	sadd.s32 $0xDA00, s9;
	[dreg:$0xe] =	wrdreg s6  }
0x10: {  	s26 =	sshrl.u32 s25, $0x3;
	s9 =	sadd.s32 $0xA, s14;
	[dreg:$0x3] =	wrdreg s13  }
0x11: {  	s23 =	simm.s32 $0x9F80;
	s0 =	sadd.s32 $0x3EA00, s0;
	[dreg:$0x5] =	wrdreg s9  }
0x12: {  	s9 =	sadd.s32 s15, s2;
	[dreg:$0xd] =	wrdreg s0;
	s0 =	sadd.s32 s24, s5  }
0x13: {  	s25 =	simm.s32 $0x2780;
	s7 =	sadd.s32 $0x2800, s9;
	[dreg:$0xf] =	wrdreg s0  }
0x14: {  	s1 =	simm.s32 $0xA080;
	s17 =	sadd.s32 $0x5000, s9;
	[dreg:$0x6] =	wrdreg s7  }
0x15: {  	s10 =	simm.s32 $0x8;
	s18 =	sadd.s32 $0x7800, s9;
	[dreg:$0x7] =	wrdreg s17  }
0x16: {  	s6 =	simm.s32 $0x1;
	s19 =	sadd.s32 $0xA000, s9;
	[dreg:$0x8] =	wrdreg s18  }
0x17: {  	s14 =	simm.s32 $0x0;
	s20 =	sadd.s32 $0xC800, s9;
	[dreg:$0x9] =	wrdreg s19  }
0x18: {  	s24 =	simm.s32 $0x50;
	s21 =	sadd.s32 $0xF000, s9;
	[dreg:$0xa] =	wrdreg s20  }
0x19: {  	s13 =	simm.s32 $0x9;
	s22 =	sadd.s32 $0x11800, s9;
	[dreg:$0xb] =	wrdreg s21  }
0x1a: {  	s0 =	simm.s32 $0x7;
	[dreg:$0xc] =	wrdreg s22;
	s21 =	sadd.s32 s26, s5  }
0x1b: {  	v0 =	vimm.f32 $0.0e+00;
	s22 =	simm.s32 $0xB;
	s26 =	simm.s32 $0xA000;
	s7 =	simm.s32 $0x3  }
.LBB2_1:
0x1c: {  	s15 =	rddreg [dreg:$0x3]  }
0x1d: {  	[tilespmem:s3], [sflag:$0xB] =	stream.linear.gather [hbm4b:s15+s3], $0x2710, $0x38;
	[tilespmem:$0x1E100] =	vst v63  }
0x1e: {  	_ =	swait.ge [sflag:s22], $0x2710  }
0x1f: {  	[sflag:s22] =	ssyncset.done $0x0  }
0x20: {  	s19 =	rddreg [dreg:$0x4];
	[sflag:s22] =	ssyncadd.s32 $0xFFFFD8F0  }
0x21: {  	[tilespmem:s23], [sflag:$0x7] =	stream.linear.gather [hbm4b:s19+s3], $0x50, $0x38;
	[tilespmem:$0x1E100] =	vst v63  }
0x22: {  	_ = 	snop  }
0x23: {  	[tilespmem:s25], [sflag:$0x1] =	stream.indirect.gather [hbm4b:s4+s24], $0x80, s3, s24, $0xb8;
	[tilespmem:$0x1E100] =	vst v63  }
0x24: {  	s20 =	rddreg [dreg:$0x5]  }
0x25: {  	[tilespmem:s26], [sflag:$0x8] =	stream.linear.gather [hbm4b:s20+s3], $0x50, $0x38;
	[tilespmem:$0x1E100] =	vst v63  }
0x26: {  	s16 =	simm.s32 $0x200;
	s15 =	simm.s32 $0x0  }
0x27: {  	[tilespmem:s28], [sflag:$0x2] =	stream.indirect.gather [hbm4b:s4+s24], $0x80, s24, s24, $0xb8;
	[tilespmem:$0x1E100] =	vst v63  }
.LBB2_2:
0x28: {  	p0 =	sne.s32 s16, $0x9E00;
	[tilespmem:s15+$0x77F0] =	vst v0  }
0x29: {  	[tilespmem:s15+$0x7780] =	vst v0  }
0x2a: {  	[tilespmem:s15+$0x7790] =	vst v0  }
.Ltmp0:
0x2b: {  	[tilespmem:s15+$0x77A0] =	vst v0;
	(pc) =	sbr.rel @p0 .LBB2_2-.Ltmp0, $4  }
0x2c: {  	[tilespmem:s15+$0x77B0] =	vst v0  }
0x2d: {  	[tilespmem:s15+$0x77C0] =	vst v0  }
0x2e: {  	[tilespmem:s15+$0x77D0] =	vst v0  }
0x2f: {  	[tilespmem:s15+$0x77E0] =	vst v0;
	s15 =	sshra.s32 s16, $0x2;
	s16 =	sadd.s32 $0x200, s16  }
0x30: {  	[tilespmem:s15+$0x77F0] =	vst v0  }
0x31: {  	[tilespmem:s15+$0x7780] =	vst v0  }
0x32: {  	[tilespmem:s15+$0x7790] =	vst v0  }
0x33: {  	[tilespmem:s15+$0x77A0] =	vst v0  }
0x34: {  	[tilespmem:s15+$0x77B0] =	vst v0  }
0x35: {  	[tilespmem:s15+$0x77C0] =	vst v0  }
0x36: {  	[tilespmem:s15+$0x77D0] =	vst v0  }
0x37: {  	[tilespmem:s15+$0x77E0] =	vst v0  }
0x38: {  	[spmem:s9] =	stream.linear.scatter [tilespmem:s29], [sflag:$0xA], $0x2800, $0x38;
	[tilespmem:$0x1E100] =	vst v63  }
0x39: {  	s19 =	rddreg [dreg:$0x6]  }
0x3a: {  	[spmem:s19] =	stream.linear.scatter [tilespmem:s29], [sflag:$0xA], $0x2800, $0x38;
	[tilespmem:$0x1E100] =	vst v63  }
0x3b: {  	s20 =	rddreg [dreg:$0x7]  }
0x3c: {  	[spmem:s20] =	stream.linear.scatter [tilespmem:s29], [sflag:$0xA], $0x2800, $0x38;
	[tilespmem:$0x1E100] =	vst v63  }
0x3d: {  	s16 =	rddreg [dreg:$0x8]  }
0x3e: {  	[spmem:s16] =	stream.linear.scatter [tilespmem:s29], [sflag:$0xA], $0x2800, $0x38;
	[tilespmem:$0x1E100] =	vst v63  }
0x3f: {  	s17 =	rddreg [dreg:$0x9]  }
0x40: {  	[spmem:s17] =	stream.linear.scatter [tilespmem:s29], [sflag:$0xA], $0x2800, $0x38;
	[tilespmem:$0x1E100] =	vst v63  }
0x41: {  	s18 =	rddreg [dreg:$0xa]  }
0x42: {  	[spmem:s18] =	stream.linear.scatter [tilespmem:s29], [sflag:$0xA], $0x2800, $0x38;
	[tilespmem:$0x1E100] =	vst v63  }
0x43: {  	s19 =	rddreg [dreg:$0xb]  }
0x44: {  	[spmem:s19] =	stream.linear.scatter [tilespmem:s29], [sflag:$0xA], $0x2800, $0x38;
	[tilespmem:$0x1E100] =	vst v63  }
0x45: {  	s20 =	rddreg [dreg:$0xc]  }
0x46: {  	[spmem:s20] =	stream.linear.scatter [tilespmem:s29], [sflag:$0x6], $0x2800, $0x38;
	[tilespmem:$0x1E100] =	vst v63  }
0x47: {  	_ =	swait.ge [sflag:s30], $0x2800  }
0x48: {  	[sflag:s30] =	ssyncset.done $0x0  }
0x49: {  	[sflag:s30] =	ssyncadd.s32 $0xFFFFD800  }
0x4a: {  	_ =	swait.ge [sflag:s30], $0x2800  }
0x4b: {  	[sflag:s30] =	ssyncset.done $0x0  }
0x4c: {  	[sflag:s30] =	ssyncadd.s32 $0xFFFFD800  }
0x4d: {  	_ =	swait.ge [sflag:s30], $0x2800  }
0x4e: {  	[sflag:s30] =	ssyncset.done $0x0  }
0x4f: {  	[sflag:s30] =	ssyncadd.s32 $0xFFFFD800  }
0x50: {  	_ =	swait.ge [sflag:s30], $0x2800  }
0x51: {  	[sflag:s30] =	ssyncset.done $0x0  }
0x52: {  	[sflag:s30] =	ssyncadd.s32 $0xFFFFD800  }
0x53: {  	_ =	swait.ge [sflag:s30], $0x2800  }
0x54: {  	[sflag:s30] =	ssyncset.done $0x0  }
0x55: {  	[sflag:s30] =	ssyncadd.s32 $0xFFFFD800  }
0x56: {  	_ =	swait.ge [sflag:s30], $0x2800  }
0x57: {  	[sflag:s30] =	ssyncset.done $0x0  }
0x58: {  	[sflag:s30] =	ssyncadd.s32 $0xFFFFD800  }
0x59: {  	_ =	swait.ge [sflag:s30], $0x2800  }
0x5a: {  	[sflag:s30] =	ssyncset.done $0x0  }
0x5b: {  	[sflag:s30] =	ssyncadd.s32 $0xFFFFD800  }
0x5c: {  	[bflag:$0x0] =	sbarrier.arrive $0xFFFF  }
0x5d: {  	_ =	swait.ge [sflag:s31], $0x2800  }
0x5e: {  	[sflag:s31] =	ssyncset.done $0x0  }
0x5f: {  	[sflag:s31] =	ssyncadd.s32 $0xFFFFD800  }
0x60: {  	[tilespmem:s1], [sflag:$0x9] =	stream.linear.gather [hbm4b:s21+s3], $0x50, $0x38;
	[tilespmem:$0x1E100] =	vst v63  }
0x61: {  	s16 =	simm.s32 $0xA0  }
0x62: {  	[tilespmem:s29], [sflag:$0x3] =	stream.indirect.gather [hbm4b:s4+s24], $0x80, s16, s24, $0xb8;
	[tilespmem:$0x1E100] =	vst v63  }
0x63: {  	_ =	swait.ge [sflag:s0], $0x50  }
0x64: {  	[sflag:s0] =	ssyncset.done $0x0  }
0x65: {  	[sflag:s0] =	ssyncadd.s32 $0xFFFFFFB0  }
0x66: {  	_ =	swait.ge [sflag:s6], $0x2800  }
0x67: {  	[sflag:s6] =	ssyncset.done $0x0  }
0x68: {  	[sflag:s6] =	ssyncadd.s32 $0xFFFFD800  }
0x69: {  	[spmem:s2] =	stream.indirect.scatter.add.f32 [tilespmem:s25], [sflag:$0x4], $0x80, s23, s24, $0xb8;
	[tilespmem:$0x1E100] =	vst v63  }
0x6a: {  	_ =	swait.ge [sflag:s8], $0x2800  }
0x6b: {  	s18 =	rddreg [dreg:$0x10]  }
0x6c: {  	[sflag:s8] =	ssyncset.done $0x0;
	s17 =	sshrl.u32 s18, $0x3  }
0x6d: {  	[sflag:s8] =	ssyncadd.s32 $0xFFFFD800;
	s15 =	sadd.s32 s5, s17  }
0x6e: {  	[tilespmem:s23], [sflag:$0x7] =	stream.linear.gather [hbm4b:s15+s3], $0x50, $0x38;
	[tilespmem:$0x1E100] =	vst v63  }
0x6f: {  	s19 =	simm.s32 $0xF0  }
0x70: {  	[tilespmem:s25], [sflag:$0x1] =	stream.indirect.gather [hbm4b:s4+s24], $0x80, s19, s24, $0xb8;
	[tilespmem:$0x1E100] =	vst v63  }
0x71: {  	_ =	swait.ge [sflag:s10], $0x50  }
0x72: {  	[sflag:s10] =	ssyncset.done $0x0  }
0x73: {  	[sflag:s10] =	ssyncadd.s32 $0xFFFFFFB0  }
0x74: {  	_ =	swait.ge [sflag:s11], $0x2800  }
0x75: {  	[sflag:s11] =	ssyncset.done $0x0  }
0x76: {  	[sflag:s11] =	ssyncadd.s32 $0xFFFFD800  }
0x77: {  	[spmem:s2] =	stream.indirect.scatter.add.f32 [tilespmem:s28], [sflag:$0x5], $0x80, s26, s24, $0xb8;
	[tilespmem:$0x1E100] =	vst v63  }
0x78: {  	_ =	swait.ge [sflag:s12], $0x2800  }
0x79: {  	[sflag:s12] =	ssyncset.done $0x0  }
0x7a: {  	s17 =	rddreg [dreg:$0xf];
	[sflag:s12] =	ssyncadd.s32 $0xFFFFD800  }
0x7b: {  	[tilespmem:s26], [sflag:$0x8] =	stream.linear.gather [hbm4b:s17+s3], $0x50, $0x38;
	[tilespmem:$0x1E100] =	vst v63  }
0x7c: {  	s20 =	simm.s32 $0x140  }
0x7d: {  	[tilespmem:s28], [sflag:$0x2] =	stream.indirect.gather [hbm4b:s4+s24], $0x80, s20, s24, $0xb8;
	[tilespmem:$0x1E100] =	vst v63  }
0x7e: {  	_ =	swait.ge [sflag:s13], $0x50  }
0x7f: {  	[sflag:s13] =	ssyncset.done $0x0  }
0x80: {  	[sflag:s13] =	ssyncadd.s32 $0xFFFFFFB0  }
0x81: {  	_ =	swait.ge [sflag:s7], $0x2800  }
0x82: {  	s16 =	sadd.s32 $0x1E, s21;
	s18 =	sadd.s32 $0xF0, s18;
	[sflag:s7] =	ssyncset.done $0x0  }
0x83: {  	s15 =	simm.s32 $0x3C0;
	s17 =	sadd.s32 $0x1E, s17;
	[sflag:s7] =	ssyncadd.s32 $0xFFFFD800  }
.LBB2_4:
0x84: {  	[spmem:s2] =	stream.indirect.scatter.add.f32 [tilespmem:s29], [sflag:$0x6], $0x80, s1, s24, $0xb8;
	[tilespmem:$0x1E100] =	vst v63  }
0x85: {  	s19 =	smov.u32 s15  }
0x86: {  	p0 =	sne.s32 s15, $0x9600;
	s15 =	sadd.s32 $0x3C0, s15;
	_ =	swait.ge [sflag:s31], $0x2800  }
0x87: {  	[sflag:s31] =	ssyncset.done $0x0  }
0x88: {  	s19 =	sshra.s32 s19, $0x2;
	[sflag:s31] =	ssyncadd.s32 $0xFFFFD800  }
0x89: {  	[tilespmem:s1], [sflag:$0x9] =	stream.linear.gather [hbm4b:s16+s3], $0x50, $0x38;
	[tilespmem:$0x1E100] =	vst v63  }
0x8a: {  	s20 =	sadd.s32 $0xA0, s19  }
0x8b: {  	[tilespmem:s29], [sflag:$0x3] =	stream.indirect.gather [hbm4b:s4+s24], $0x80, s20, s24, $0xb8;
	[tilespmem:$0x1E100] =	vst v63  }
0x8c: {  	_ =	swait.ge [sflag:s0], $0x50  }
0x8d: {  	[sflag:s0] =	ssyncset.done $0x0  }
0x8e: {  	[sflag:s0] =	ssyncadd.s32 $0xFFFFFFB0  }
0x8f: {  	_ =	swait.ge [sflag:s6], $0x2800  }
0x90: {  	[sflag:s6] =	ssyncset.done $0x0  }
0x91: {  	[sflag:s6] =	ssyncadd.s32 $0xFFFFD800  }
0x92: {  	[spmem:s2] =	stream.indirect.scatter.add.f32 [tilespmem:s25], [sflag:$0x4], $0x80, s23, s24, $0xb8;
	[tilespmem:$0x1E100] =	vst v63  }
0x93: {  	_ =	swait.ge [sflag:s8], $0x2800  }
0x94: {  	s20 =	sshrl.u32 s18, $0x3;
	[sflag:s8] =	ssyncset.done $0x0  }
0x95: {  	s20 =	sadd.s32 s5, s20;
	[sflag:s8] =	ssyncadd.s32 $0xFFFFD800  }
0x96: {  	[tilespmem:s23], [sflag:$0x7] =	stream.linear.gather [hbm4b:s20+s3], $0x50, $0x38;
	[tilespmem:$0x1E100] =	vst v63  }
0x97: {  	s20 =	sadd.s32 $0xF0, s19  }
0x98: {  	[tilespmem:s25], [sflag:$0x1] =	stream.indirect.gather [hbm4b:s4+s24], $0x80, s20, s24, $0xb8;
	[tilespmem:$0x1E100] =	vst v63  }
0x99: {  	_ =	swait.ge [sflag:s10], $0x50  }
0x9a: {  	[sflag:s10] =	ssyncset.done $0x0  }
0x9b: {  	[sflag:s10] =	ssyncadd.s32 $0xFFFFFFB0  }
0x9c: {  	_ =	swait.ge [sflag:s11], $0x2800  }
0x9d: {  	[sflag:s11] =	ssyncset.done $0x0  }
0x9e: {  	[sflag:s11] =	ssyncadd.s32 $0xFFFFD800  }
0x9f: {  	[spmem:s2] =	stream.indirect.scatter.add.f32 [tilespmem:s28], [sflag:$0x5], $0x80, s26, s24, $0xb8;
	[tilespmem:$0x1E100] =	vst v63  }
0xa0: {  	_ =	swait.ge [sflag:s12], $0x2800  }
0xa1: {  	[sflag:s12] =	ssyncset.done $0x0  }
0xa2: {  	[sflag:s12] =	ssyncadd.s32 $0xFFFFD800  }
0xa3: {  	[tilespmem:s26], [sflag:$0x8] =	stream.linear.gather [hbm4b:s17+s3], $0x50, $0x38;
	[tilespmem:$0x1E100] =	vst v63  }
0xa4: {  	s19 =	sadd.s32 $0x140, s19  }
0xa5: {  	[tilespmem:s28], [sflag:$0x2] =	stream.indirect.gather [hbm4b:s4+s24], $0x80, s19, s24, $0xb8;
	[tilespmem:$0x1E100] =	vst v63  }
0xa6: {  	_ =	swait.ge [sflag:s13], $0x50  }
.Ltmp1:
0xa7: {  	[sflag:s13] =	ssyncset.done $0x0;
	(pc) =	sbr.rel @p0 .LBB2_4-.Ltmp1, $4  }
0xa8: {  	[sflag:s13] =	ssyncadd.s32 $0xFFFFFFB0  }
0xa9: {  	_ =	swait.ge [sflag:s7], $0x2800  }
0xaa: {  	s16 =	sadd.s32 $0x1E, s16;
	[sflag:s7] =	ssyncset.done $0x0  }
0xab: {  	s18 =	sadd.s32 $0xF0, s18;
	s17 =	sadd.s32 $0x1E, s17;
	[sflag:s7] =	ssyncadd.s32 $0xFFFFD800  }
0xac: {  	[spmem:s2] =	stream.indirect.scatter.add.f32 [tilespmem:s29], [sflag:$0x6], $0x80, s1, s24, $0xb8;
	[tilespmem:$0x1E100] =	vst v63  }
0xad: {  	_ =	swait.ge [sflag:s0], $0x50  }
0xae: {  	[sflag:s0] =	ssyncset.done $0x0  }
0xaf: {  	[sflag:s0] =	ssyncadd.s32 $0xFFFFFFB0  }
0xb0: {  	_ =	swait.ge [sflag:s6], $0x2800  }
0xb1: {  	[sflag:s6] =	ssyncset.done $0x0  }
0xb2: {  	[sflag:s6] =	ssyncadd.s32 $0xFFFFD800  }
0xb3: {  	[spmem:s2] =	stream.indirect.scatter.add.f32 [tilespmem:s25], [sflag:$0x4], $0x80, s23, s24, $0xb8;
	[tilespmem:$0x1E100] =	vst v63  }
0xb4: {  	_ =	swait.ge [sflag:s10], $0x50  }
0xb5: {  	[sflag:s10] =	ssyncset.done $0x0  }
0xb6: {  	[sflag:s10] =	ssyncadd.s32 $0xFFFFFFB0  }
0xb7: {  	_ =	swait.ge [sflag:s11], $0x2800  }
0xb8: {  	[sflag:s11] =	ssyncset.done $0x0  }
0xb9: {  	[sflag:s11] =	ssyncadd.s32 $0xFFFFD800  }
0xba: {  	[spmem:s2] =	stream.indirect.scatter.add.f32 [tilespmem:s28], [sflag:$0x5], $0x80, s26, s24, $0xb8;
	[tilespmem:$0x1E100] =	vst v63  }
0xbb: {  	_ =	swait.ge [sflag:s8], $0x2800  }
0xbc: {  	[sflag:s8] =	ssyncset.done $0x0  }
0xbd: {  	[sflag:s8] =	ssyncadd.s32 $0xFFFFD800  }
0xbe: {  	_ =	swait.ge [sflag:s12], $0x2800  }
0xbf: {  	[sflag:s12] =	ssyncset.done $0x0  }
0xc0: {  	[sflag:s12] =	ssyncadd.s32 $0xFFFFD800  }
0xc1: {  	_ =	swait.ge [sflag:s31], $0x2800  }
0xc2: {  	[sflag:s31] =	ssyncset.done $0x0  }
0xc3: {  	s15 =	stileid.u32;
	[sflag:s31] =	ssyncadd.s32 $0xFFFFD800  }
0xc4: {  	s15 =	sshll.u32 s15, $0x6;
	[bflag:$0x0] =	sbarrier.arrive $0xFFFF  }
0xc5: {  	s16 =	sshrl.u32 s9, $0x3;
	s15 =	sor.u32 $0x1C0B, s15;
	s17 =	rddreg [dreg:$0xd]  }
0xc6: {  	[hbm:s17], [sflag:s15] =	dma.local [spmem:s16], $0x2800  }
0xc7: {  	_ =	swait.ge [sflag:s22], $0x2800  }
0xc8: {  	s14 =	sadd.s32 $0x1, s14;
	s20 =	rddreg [dreg:$0xe]  }
0xc9: {  	p0 =	sne.s32 s14, s20  }
.Ltmp2:
0xca: {  	_ = 	snop;
	(pc) =	sbr.rel @p0 .LBB2_1-.Ltmp2, $3  }
0xcb: {  	_ =	sdelay $0x1  }
0xcc: {  	[sflag:s22] =	ssyncset.done $0x0  }
0xcd: {  	[sflag:s22] =	ssyncadd.s32 $0xFFFFD800  }
0xce: {  	_ =	sfence.sel $0x180000  }
0xcf: {  	[bflag:$0x0] =	sbarrier.arrive $0xFFFF  }
0xd0: {  	_ =	strace $0x9000004D  }
0xd1: {  	s0 =	stileid.u32;
	[bflag:$0x2] =	sbarrier.arrive $0xFFFF  }
0xd2: {  	p0 =	sne.s32 s0, $0x0;
	s0 =	rddreg [dreg:$0x2]  }
0xd3: {  	s0 =	sadd.s32 @!p0 $0x100000, s0  }
0xd4: {  	[sflag:s0] =	ssyncadd.tile.s32 @!p0 $0x1;
	_ =	shalt  }
.Lfunc_end2:
_tile_overlayer_lowered:
.L_overlay_start_2:
0xd5: {  	(tag) =	ssettag $0x2  }
0xd6: {  	s0 =	rddreg [dreg:$0x0];
	s2 =	stileid.u32  }
0xd7: {  	s1 =	rddreg [dreg:$0x1];
	p0 =	sne.s32 s2, $0x0  }
0xd8: {  	s3 =	rddreg [dreg:$0x2];
	[bflag:$0x3] =	sbarrier.arrive $0xFFFF;
	s2 =	simm.s32 @!p0 $0x1C0B  }
0xd9: {  	[timem:s3], [sflag:s2] =	dma.local @!p0 [hbm:s0], s1  }
0xda: {  	s0 =	simm.s32 @!p0 $0xB  }
0xdb: {  	_ =	swait.ge @!p0 [sflag:s0], s1  }
0xdc: {  	s1 =	ssub.s32 @!p0 $0x0, s1;
	[sflag:s0] =	ssyncset.done @!p0 $0x0  }
0xdd: {  	[sflag:s0] =	ssyncadd.s32 @!p0 s1  }
0xde: {  	[bflag:$0x3] =	sbarrier.arrive $0xFFFF  }
0xdf: {  	_ =	shalt  }

// kernel: kernel.8.cloned.1.call-start
scs
__scs_entry_jumppad:
0x0: {  	(pc) =	sbr.rel $0x88, $3  }
0x1: {  	(tag) =	ssettag $0x0;
	lr =	simm.s32 $0x1  }
0x2: {  	[smem:$0x3F8E] =	sst lr;
	_ =	strace $0xD0000000  }
0x3: {  	_ = 	snop  }
0x4: {  	_ = 	snop  }
0x5: {  	_ = 	snop  }
0x6: {  	_ = 	snop  }
0x7: {  	_ = 	snop  }
__scs_overlays_trampoline_lowered:
0x8: {  	[smem:$0x3F9D] =	sst s0  }
0x9: {  	[smem:$0x3F9E] =	sst s1  }
0xa: {  	[smem:$0x3F9F] =	sst s2  }
0xb: {  	[smem:$0x3FA0] =	sst s3  }
0xc: {  	[smem:$0x3FA1] =	sst s4  }
0xd: {  	[smem:$0x3FA2] =	sst s5  }
0xe: {  	[smem:$0x3FA3] =	sst s6  }
0xf: {  	[smem:$0x3FA4] =	sst s7  }
0x10: {  	[smem:$0x3FA5] =	sst s8  }
0x11: {  	[smem:$0x3FA6] =	sst s9;
	s0 =	simm.s32 @!p0 $0x0  }
0x12: {  	s1 =	sld [smem:$0x3F8C];
	s0 =	simm.s32 @p0 $0x1  }
0x13: {  	[smem:$0x3FA7] =	sst s0;
	s0 =	simm.s32 @!p1 $0x0  }
0x14: {  	s2 =	sld [smem:$0x3F8B];
	s0 =	simm.s32 @p1 $0x1  }
0x15: {  	[smem:$0x3FA8] =	sst s0;
	s0 =	simm.s32 @!p2 $0x0  }
0x16: {  	s3 =	sld [smem:$0x3FDB];
	s0 =	simm.s32 @p2 $0x1  }
0x17: {  	s4 =	simm.s32 $0x1BF5;
	[smem:$0x3FAA] =	sst s0  }
0x18: {  	s0 =	sld [smem:$0x3F8D];
	_ =	swait.ge [sflag:s4], $0x0  }
0x19: {  	s7 =	sld [smem:$0x3F8E]  }
0x1a: {  	s8 =	sadd.s32 $0xFFFFE003, lr  }
0x1b: {  	s9 =	sadd.s32 $0xFFFFFEF7, lr;
	s5 =	simm.s32 $0xFFFFFFFF;
	p2 =	slt.u32 s8, $0xFFFFF086  }
0x1c: {  	p1 =	slt.u32 s9, $0xF7A;
	s5 =	simm.s32 @!p2 $0x0  }
0x1d: {  	s5 =	simm.s32 @p1 $0x1;
	p0 =	seq.s32 s7, s2  }
0x1e: {  	s7 =	smul.u32 @!p0 $0xF7A, s2;
	p2 =	seq.s32 @!p0 s5, $0x0  }
0x1f: {  	s9 =	smul.u32 $0xF7A, s1;
	s8 =	simm.s32 @!p0 $0x1BF5;
	p2 =	por !p2, p0  }
0x20: {  	[sflag:s8] =	ssyncset.s32 @!p0 $0xFFFFF086;
	s6 =	sadd.s32 @!p0 s3, s7;
	s7 =	simm.s32 @!p0 $0x108  }
0x21: {  	s3 =	sadd.s32 s3, s9;
	s6 =	sadd.s32 @!p0 $0x88, s6;
	s7 =	simm.s32 @p2 $0x1082  }
0x22: {  	[simem:s7], [sflag:s8] =	dma.local @!p0 [hbm:s6], $0xF7A  }
0x23: {  	s9 =	sor.u32 $0xD0000000, s2;
	s6 =	simm.s32 $0x108;
	_ =	swait.ge @!p0 [sflag:s8], $0x0  }
0x24: {  	s3 =	sadd.s32 $0x88, s3;
	s6 =	simm.s32 @!p1 $0x1082;
	[sflag:s4] =	ssyncset.s32 $0xFFFFF086  }
0x25: {  	[simem:s6], [sflag:s4] =	dma.local [hbm:s3], $0xF7A  }
0x26: {  	[smem:$0x3F8E] =	sst s1;
	(tag) =	ssettag s2;
	_ =	strace s9  }
0x27: {  	s1 =	sld [smem:$0x3F9E]  }
0x28: {  	s2 =	sld [smem:$0x3F9F]  }
0x29: {  	s4 =	sld [smem:$0x3FA1]  }
0x2a: {  	p0 =	seq.s32 s5, $0x0;
	s5 =	sld [smem:$0x3FA2]  }
0x2b: {  	s6 =	sld [smem:$0x3FA3]  }
0x2c: {  	s7 =	sld [smem:$0x3FA4]  }
0x2d: {  	s3 =	simm.s32 $0x108;
	s8 =	sld [smem:$0x3FA5]  }
0x2e: {  	s3 =	simm.s32 @!p0 $0x1082;
	s9 =	sld [smem:$0x3FA6]  }
0x2f: {  	lr =	sadd.s32 s0, s3;
	s0 =	sld [smem:$0x3F9D]  }
0x30: {  	s3 =	sld [smem:$0x3FA0]  }
0x31: {  	[smem:$0x3FA9] =	sst s10  }
0x32: {  	s10 =	sld [smem:$0x3FA7];
	_ =	sdelay $0x3  }
0x33: {  	p0 =	seq.s32 s10, $0x1;
	s10 =	sld [smem:$0x3FA9];
	_ =	sdelay $0x3  }
0x34: {  	[smem:$0x3FA9] =	sst s10  }
0x35: {  	s10 =	sld [smem:$0x3FA8];
	_ =	sdelay $0x3  }
0x36: {  	p1 =	seq.s32 s10, $0x1;
	s10 =	sld [smem:$0x3FA9];
	_ =	sdelay $0x3  }
0x37: {  	[smem:$0x3FA9] =	sst s10  }
0x38: {  	s10 =	sld [smem:$0x3FAA]  }
0x39: {  	_ = 	snop;
	(pc) =	sbr.ind lr, $3  }
0x3a: {  	_ = 	snop  }
0x3b: {  	_ = 	snop  }
0x3c: {  	p2 =	seq.s32 s10, $0x1;
	s10 =	sld [smem:$0x3FA9]  }
0x3d: {  	_ =	shalt  }
0x3e: {  	_ =	shalt  }
0x3f: {  	_ =	shalt  }
0x40: {  	_ =	shalt  }
0x41: {  	_ =	shalt  }
0x42: {  	_ =	shalt  }
0x43: {  	_ =	shalt  }
0x44: {  	_ =	shalt  }
0x45: {  	_ =	shalt  }
0x46: {  	_ =	shalt  }
0x47: {  	_ =	shalt  }
0x48: {  	_ =	shalt  }
0x49: {  	_ =	shalt  }
0x4a: {  	_ =	shalt  }
0x4b: {  	_ =	shalt  }
0x4c: {  	_ =	shalt  }
0x4d: {  	_ =	shalt  }
0x4e: {  	_ =	shalt  }
0x4f: {  	_ =	shalt  }
0x50: {  	_ =	shalt  }
0x51: {  	_ =	shalt  }
0x52: {  	_ =	shalt  }
0x53: {  	_ =	shalt  }
0x54: {  	_ =	shalt  }
0x55: {  	_ =	shalt  }
0x56: {  	_ =	shalt  }
0x57: {  	_ =	shalt  }
0x58: {  	_ =	shalt  }
0x59: {  	_ =	shalt  }
0x5a: {  	_ =	shalt  }
0x5b: {  	_ =	shalt  }
0x5c: {  	_ =	shalt  }
0x5d: {  	_ =	shalt  }
0x5e: {  	_ =	shalt  }
0x5f: {  	_ =	shalt  }
0x60: {  	_ =	shalt  }
0x61: {  	_ =	shalt  }
0x62: {  	_ =	shalt  }
0x63: {  	_ =	shalt  }
0x64: {  	_ =	shalt  }
0x65: {  	_ =	shalt  }
0x66: {  	_ =	shalt  }
0x67: {  	_ =	shalt  }
0x68: {  	_ =	shalt  }
0x69: {  	_ =	shalt  }
0x6a: {  	_ =	shalt  }
0x6b: {  	_ =	shalt  }
0x6c: {  	_ =	shalt  }
0x6d: {  	_ =	shalt  }
0x6e: {  	_ =	shalt  }
0x6f: {  	_ =	shalt  }
0x70: {  	_ =	shalt  }
0x71: {  	_ =	shalt  }
0x72: {  	_ =	shalt  }
0x73: {  	_ =	shalt  }
0x74: {  	_ =	shalt  }
0x75: {  	_ =	shalt  }
0x76: {  	_ =	shalt  }
0x77: {  	_ =	shalt  }
0x78: {  	_ =	shalt  }
0x79: {  	_ =	shalt  }
0x7a: {  	_ =	shalt  }
0x7b: {  	_ =	shalt  }
0x7c: {  	_ =	shalt  }
0x7d: {  	_ =	shalt  }
0x7e: {  	_ =	shalt  }
0x7f: {  	_ =	shalt  }
0x80: {  	_ =	shalt  }
0x81: {  	_ =	shalt  }
0x82: {  	_ =	shalt  }
0x83: {  	_ =	shalt  }
0x84: {  	_ =	shalt  }
0x85: {  	_ =	shalt  }
0x86: {  	_ =	shalt  }
0x87: {  	_ =	shalt  }
.Lfunc_end0:
.L_simem_size_0:
called_computation_lowered:
.L_overlay_start_0:
0x88: {  	s2 =	sld [smem:$0x3FD9]  }
0x89: {  	s3 =	sld [smem:$0x3FFE];
	_ =	sdelay $0x1  }
0x8a: {  	s1 =	srdreg.scid  }
0x8b: {  	s0 =	sand.u32 $0x1, s1  }
0x8c: {  	s17 =	sshll.u32 s0, $0xA;
	s2 =	sadd.s32 s3, s2  }
0x8d: {  	s2 =	sadd.s32 s2, s17  }
0x8e: {  	[smem:$0x3FB5] =	sst s2  }
0x8f: {  	_ = 	snop  }
0x90: {  	s2 =	sld [smem:$0x3FC9];
	(tm) =	ssettm $0x1  }
0x91: {  	s18 =	sld [smem:$0x3FFB];
	_ =	sdelay $0x3  }
0x92: {  	_ =	strace s18  }
0x93: {  	s3 =	sld [smem:$0x3FFC];
	_ =	sdelay $0x3  }
0x94: {  	_ =	strace s3  }
0x95: {  	s3 =	sld [smem:$0x3FFD];
	_ =	sdelay $0x3  }
0x96: {  	_ =	strace s3  }
0x97: {  	_ =	strace $0x8FFFFFFF  }
0x98: {  	s19 =	sld [smem:$0x3FDB];
	_ =	sdelay $0x1  }
0x99: {  	s4 =	simm.s32 $_scs_section_size  }
0x9a: {  	s5 =	simm.s32 $_size__tile_overlayer_lowered;
	s6 =	simm.s32 $_tile_overlayer_lowered  }
0x9b: {  	s22 =	simm.s32 $0x1BFF;
	s21 =	sshll.u32 s6, $0x1;
	s3 =	sadd.s32 s4, s19  }
0x9c: {  	s7 =	simm.s32 $0x0;
	s20 =	sshll.u32 s5, $0x1;
	s5 =	sadd.s32 s21, s3  }
0x9d: {  	[timem:s7], [sflag:s22] =	dma.local [hbm:s5], s20  }
0x9e: {  	_ =	swait.ge [sflag:s22], s20  }
0x9f: {  	s4 =	ssub.s32 $0x0, s20;
	[sflag:s22] =	ssyncset.done $0x0  }
0xa0: {  	[sflag:s22] =	ssyncadd.s32 s4;
	_ =	sdelay $0x1  }
0xa1: {  	s23 =	simm.s32 $0x1B8B  }
0xa2: {  	_ =	swait.ge [sflag:s23], $0x1  }
0xa3: {  	[sflag:s23] =	ssyncset.done $0x0  }
0xa4: {  	s25 =	simm.s32 $0x1B8E;
	s24 =	sld [smem:$0x3FFE];
	[sflag:s23] =	ssyncadd.s32 $0xFFFFFFFF  }
0xa5: {  	s26 =	simm.s32 $execute0_lowered;
	[smem:$0x3FD2] =	sst s25  }
0xa6: {  	s5 =	sshll.u32 s26, $0x1;
	_ =	strace $0x80000046;
	[dreg:$0x1] =	wrdreg $0xFFFFFFFF  }
0xa7: {  	s28 =	simm.s32 $_size_execute0_lowered;
	s3 =	sadd.s32 s3, s5;
	[dreg:$0x0] =	wrdreg $0x0  }
0xa8: {  	s5 =	sshll.u32 s28, $0x1;
	[dreg:$0x2] =	wrdreg s3  }
0xa9: {  	[dreg:$0x3] =	wrdreg s5  }
0xaa: {  	[dreg:$0x4] =	wrdreg $0xC0  }
0xab: {  	_ =	task [dreg:s7], $0x5FFFF  }
0xac: {  	[dreg:$0x1] =	wrdreg $0xFFFFFFFF  }
0xad: {  	[dreg:$0x0] =	wrdreg $0x60  }
0xae: {  	[dreg:$0x2] =	wrdreg s2  }
0xaf: {  	[dreg:$0x3] =	wrdreg s24  }
0xb0: {  	[dreg:$0x4] =	wrdreg $0xA1000  }
0xb1: {  	[dreg:$0x5] =	wrdreg $0x9  }
0xb2: {  	_ =	task.clear_ibuf [dreg:s7], $0x6FFFF;
	_ =	strace $0x90000046  }
0xb3: {  	s29 =	simm.s32 $0x9;
	_ =	strace $0x80000048  }
0xb4: {  	_ =	swait.ge [sflag:s29], $0x1  }
0xb5: {  	[sflag:s29] =	ssyncadd.s32 $0xFFFFFFFF  }
0xb6: {  	_ =	strace $0x90000048  }
0xb7: {  	_ =	sfence  }
0xb8: {  	s30 =	sld [smem:$0x0];
	_ =	sdelay $0x2  }
0xb9: {  	s31 =	sshll.u32 s1, $0xD;
	s1 =	sshrl.u32 s1, $0x2  }
0xba: {  	s3 =	sand.u32 $0x4000, s31;
	s1 =	sadd.s32 s1, s30  }
0xbb: {  	s0 =	sor.u32 s3, s0;
	s1 =	sshll.u32 s1, $0x11  }
0xbc: {  	s0 =	sor.u32 s1, s0  }
0xbd: {  	s0 =	sadd.s32 $0x8F2B, s0  }
0xbe: {  	[sflag:s0] =	ssyncadd.remote.s32 $0x1  }
0xbf: {  	_ =	sfence.sel $0xFFFF  }
0xc0: {  	[dreg:$0x0] =	wrdreg $0xFFFFFFFF;
	(pc) =	sbr.abs _section_cstart, $3  }
0xc1: {  	[dreg:$0x1] =	wrdreg $0xFFFFFFFF  }
0xc2: {  	_ =	task.clear_ibuf [dreg:s7], $0x2FFFF;
	_ =	strace $0x9FFFFFFF  }
0xc3: {  	(tm) =	ssettm $0x7FFFFFFF  }
tec
execute0_lowered:
.L_overlay_start_1:
0x0: {  	(tag) =	ssettag $0x1  }
0x1: {  	s1 =	rddreg [dreg:$0x0]  }
0x2: {  	s0 =	srdreg.scid;
	s2 =	rddreg [dreg:$0x1]  }
0x3: {  	s12 =	stileid.u32;
	s3 =	rddreg [dreg:$0x2]  }
0x4: {  	s28 =	simm.s32 $0x4F80;
	s29 =	simm.s32 $0x7780;
	s6 =	smul.u32 $0x2800, s12  }
0x5: {  	s30 =	simm.s32 $0xA;
	s31 =	simm.s32 $0x6;
	s11 =	smul.u32 $0x50000, s12  }
0x6: {  	s0 =	sand.u32 $0x1, s0;
	s4 =	sshll.u32 s12, $0x1;
	s16 =	smul.u32 $0x4E20, s12  }
0x7: {  	s12 =	simm.s32 $0x5;
	s5 =	sor.u32 s0, s4;
	s8 =	smul.u32 $0x28000, s0  }
0x8: {  	s4 =	simm.s32 $0x0;
	s10 =	ssub.s32 $0x2, s0;
	s0 =	smul.u32 $0x2710, s0  }
0x9: {  	s5 =	smul.u32 $0x2710, s5;
	[smem:$0x7FF] =	sst s4;
	s26 =	sshrl.u32 s10, $0x1  }
0xa: {  	s15 =	sshrl.u32 s11, $0x2;
	s11 =	simm.s32 $0x2;
	_ =	strace $0x80000047  }
0xb: {  	s6 =	sadd.s32 s6, s8;
	s10 =	ssub.s32 s10, s26;
	s0 =	sadd.s32 s0, s16  }
0xc: {  	s8 =	simm.s32 $0x4;
	s7 =	sshrl.u32 s5, $0x3;
	s5 =	sadd.s32 $0x3C00, s2  }
0xd: {  	s23 =	sadd.s32 $0x140, s0;
	s25 =	sadd.s32 $0xA0, s0;
	s0 =	sadd.s32 $0xF0, s0  }
0xe: {  	s9 =	sadd.s32 s7, s2;
	s14 =	sadd.s32 s5, s7;
	[dreg:$0x11] =	wrdreg s0  }
0xf: {  	s2 =	sadd.s32 s6, s2;
	s6 =	smax.u32 s10, $0x1;
	[dreg:$0x5] =	wrdreg s14  }
0x10: {  	s24 =	sshrl.u32 s23, $0x3;
	s13 =	sadd.s32 $0xDA00, s9;
	[dreg:$0xf] =	wrdreg s6  }
0x11: {  	s26 =	sshrl.u32 s25, $0x3;
	s9 =	sadd.s32 $0xA, s14;
	[dreg:$0x4] =	wrdreg s13  }
0x12: {  	s23 =	simm.s32 $0x9F80;
	s2 =	sadd.s32 $0x17800, s2;
	[dreg:$0x6] =	wrdreg s9  }
0x13: {  	s9 =	sadd.s32 s15, s3;
	[dreg:$0xe] =	wrdreg s2;
	s2 =	sadd.s32 s24, s5  }
0x14: {  	s25 =	simm.s32 $0x2780;
	s7 =	sadd.s32 $0x2800, s9;
	[dreg:$0x10] =	wrdreg s2  }
0x15: {  	s0 =	simm.s32 $0x7;
	s17 =	sadd.s32 $0x5000, s9;
	[dreg:$0x7] =	wrdreg s7  }
0x16: {  	s10 =	simm.s32 $0x8;
	s18 =	sadd.s32 $0x7800, s9;
	[dreg:$0x8] =	wrdreg s17  }
0x17: {  	s6 =	simm.s32 $0x1;
	s19 =	sadd.s32 $0xA000, s9;
	[dreg:$0x9] =	wrdreg s18  }
0x18: {  	s14 =	simm.s32 $0x0;
	s20 =	sadd.s32 $0xC800, s9;
	[dreg:$0xa] =	wrdreg s19  }
0x19: {  	s24 =	simm.s32 $0x50;
	s21 =	sadd.s32 $0xF000, s9;
	[dreg:$0xb] =	wrdreg s20  }
0x1a: {  	s13 =	simm.s32 $0x9;
	s22 =	sadd.s32 $0x11800, s9;
	[dreg:$0xc] =	wrdreg s21  }
0x1b: {  	s2 =	simm.s32 $0xA080;
	[dreg:$0xd] =	wrdreg s22;
	s21 =	sadd.s32 s26, s5  }
0x1c: {  	v0 =	vimm.f32 $0.0e+00;
	s22 =	simm.s32 $0xB;
	s26 =	simm.s32 $0xA000;
	s7 =	simm.s32 $0x3  }
.LBB2_1:
0x1d: {  	s15 =	rddreg [dreg:$0x4]  }
0x1e: {  	[tilespmem:s4], [sflag:$0xB] =	stream.linear.gather [hbm4b:s15+s4], $0x2710, $0x38;
	[tilespmem:$0x1E100] =	vst v63  }
0x1f: {  	_ =	swait.ge [sflag:s22], $0x2710  }
0x20: {  	[sflag:s22] =	ssyncset.done $0x0  }
0x21: {  	s19 =	rddreg [dreg:$0x5];
	[sflag:s22] =	ssyncadd.s32 $0xFFFFD8F0  }
0x22: {  	[tilespmem:s23], [sflag:$0x7] =	stream.linear.gather [hbm4b:s19+s4], $0x50, $0x38;
	[tilespmem:$0x1E100] =	vst v63  }
0x23: {  	_ = 	snop  }
0x24: {  	[tilespmem:s25], [sflag:$0x1] =	stream.indirect.gather [hbm4b:s1+s24], $0x80, s4, s24, $0xb8;
	[tilespmem:$0x1E100] =	vst v63  }
0x25: {  	s20 =	rddreg [dreg:$0x6]  }
0x26: {  	[tilespmem:s26], [sflag:$0x8] =	stream.linear.gather [hbm4b:s20+s4], $0x50, $0x38;
	[tilespmem:$0x1E100] =	vst v63  }
0x27: {  	s16 =	simm.s32 $0x200;
	s15 =	simm.s32 $0x0  }
0x28: {  	[tilespmem:s28], [sflag:$0x2] =	stream.indirect.gather [hbm4b:s1+s24], $0x80, s24, s24, $0xb8;
	[tilespmem:$0x1E100] =	vst v63  }
.LBB2_2:
0x29: {  	p0 =	sne.s32 s16, $0x9E00;
	[tilespmem:s15+$0x77F0] =	vst v0  }
0x2a: {  	[tilespmem:s15+$0x7780] =	vst v0  }
0x2b: {  	[tilespmem:s15+$0x7790] =	vst v0  }
.Ltmp0:
0x2c: {  	[tilespmem:s15+$0x77A0] =	vst v0;
	(pc) =	sbr.rel @p0 .LBB2_2-.Ltmp0, $4  }
0x2d: {  	[tilespmem:s15+$0x77B0] =	vst v0  }
0x2e: {  	[tilespmem:s15+$0x77C0] =	vst v0  }
0x2f: {  	[tilespmem:s15+$0x77D0] =	vst v0  }
0x30: {  	[tilespmem:s15+$0x77E0] =	vst v0;
	s15 =	sshra.s32 s16, $0x2;
	s16 =	sadd.s32 $0x200, s16  }
0x31: {  	[tilespmem:s15+$0x77F0] =	vst v0  }
0x32: {  	[tilespmem:s15+$0x7780] =	vst v0  }
0x33: {  	[tilespmem:s15+$0x7790] =	vst v0  }
0x34: {  	[tilespmem:s15+$0x77A0] =	vst v0  }
0x35: {  	[tilespmem:s15+$0x77B0] =	vst v0  }
0x36: {  	[tilespmem:s15+$0x77C0] =	vst v0  }
0x37: {  	[tilespmem:s15+$0x77D0] =	vst v0  }
0x38: {  	[tilespmem:s15+$0x77E0] =	vst v0  }
0x39: {  	[spmem:s9] =	stream.linear.scatter [tilespmem:s29], [sflag:$0xA], $0x2800, $0x38;
	[tilespmem:$0x1E100] =	vst v63  }
0x3a: {  	s19 =	rddreg [dreg:$0x7]  }
0x3b: {  	[spmem:s19] =	stream.linear.scatter [tilespmem:s29], [sflag:$0xA], $0x2800, $0x38;
	[tilespmem:$0x1E100] =	vst v63  }
0x3c: {  	s20 =	rddreg [dreg:$0x8]  }
0x3d: {  	[spmem:s20] =	stream.linear.scatter [tilespmem:s29], [sflag:$0xA], $0x2800, $0x38;
	[tilespmem:$0x1E100] =	vst v63  }
0x3e: {  	s16 =	rddreg [dreg:$0x9]  }
0x3f: {  	[spmem:s16] =	stream.linear.scatter [tilespmem:s29], [sflag:$0xA], $0x2800, $0x38;
	[tilespmem:$0x1E100] =	vst v63  }
0x40: {  	s17 =	rddreg [dreg:$0xa]  }
0x41: {  	[spmem:s17] =	stream.linear.scatter [tilespmem:s29], [sflag:$0xA], $0x2800, $0x38;
	[tilespmem:$0x1E100] =	vst v63  }
0x42: {  	s18 =	rddreg [dreg:$0xb]  }
0x43: {  	[spmem:s18] =	stream.linear.scatter [tilespmem:s29], [sflag:$0xA], $0x2800, $0x38;
	[tilespmem:$0x1E100] =	vst v63  }
0x44: {  	s19 =	rddreg [dreg:$0xc]  }
0x45: {  	[spmem:s19] =	stream.linear.scatter [tilespmem:s29], [sflag:$0xA], $0x2800, $0x38;
	[tilespmem:$0x1E100] =	vst v63  }
0x46: {  	s20 =	rddreg [dreg:$0xd]  }
0x47: {  	[spmem:s20] =	stream.linear.scatter [tilespmem:s29], [sflag:$0x6], $0x2800, $0x38;
	[tilespmem:$0x1E100] =	vst v63  }
0x48: {  	_ =	swait.ge [sflag:s30], $0x2800  }
0x49: {  	[sflag:s30] =	ssyncset.done $0x0  }
0x4a: {  	[sflag:s30] =	ssyncadd.s32 $0xFFFFD800  }
0x4b: {  	_ =	swait.ge [sflag:s30], $0x2800  }
0x4c: {  	[sflag:s30] =	ssyncset.done $0x0  }
0x4d: {  	[sflag:s30] =	ssyncadd.s32 $0xFFFFD800  }
0x4e: {  	_ =	swait.ge [sflag:s30], $0x2800  }
0x4f: {  	[sflag:s30] =	ssyncset.done $0x0  }
0x50: {  	[sflag:s30] =	ssyncadd.s32 $0xFFFFD800  }
0x51: {  	_ =	swait.ge [sflag:s30], $0x2800  }
0x52: {  	[sflag:s30] =	ssyncset.done $0x0  }
0x53: {  	[sflag:s30] =	ssyncadd.s32 $0xFFFFD800  }
0x54: {  	_ =	swait.ge [sflag:s30], $0x2800  }
0x55: {  	[sflag:s30] =	ssyncset.done $0x0  }
0x56: {  	[sflag:s30] =	ssyncadd.s32 $0xFFFFD800  }
0x57: {  	_ =	swait.ge [sflag:s30], $0x2800  }
0x58: {  	[sflag:s30] =	ssyncset.done $0x0  }
0x59: {  	[sflag:s30] =	ssyncadd.s32 $0xFFFFD800  }
0x5a: {  	_ =	swait.ge [sflag:s30], $0x2800  }
0x5b: {  	[sflag:s30] =	ssyncset.done $0x0  }
0x5c: {  	[sflag:s30] =	ssyncadd.s32 $0xFFFFD800  }
0x5d: {  	[bflag:$0x0] =	sbarrier.arrive $0xFFFF  }
0x5e: {  	_ =	swait.ge [sflag:s31], $0x2800  }
0x5f: {  	[sflag:s31] =	ssyncset.done $0x0  }
0x60: {  	[sflag:s31] =	ssyncadd.s32 $0xFFFFD800  }
0x61: {  	[tilespmem:s2], [sflag:$0x9] =	stream.linear.gather [hbm4b:s21+s4], $0x50, $0x38;
	[tilespmem:$0x1E100] =	vst v63  }
0x62: {  	s16 =	simm.s32 $0xA0  }
0x63: {  	[tilespmem:s29], [sflag:$0x3] =	stream.indirect.gather [hbm4b:s1+s24], $0x80, s16, s24, $0xb8;
	[tilespmem:$0x1E100] =	vst v63  }
0x64: {  	_ =	swait.ge [sflag:s0], $0x50  }
0x65: {  	[sflag:s0] =	ssyncset.done $0x0  }
0x66: {  	[sflag:s0] =	ssyncadd.s32 $0xFFFFFFB0  }
0x67: {  	_ =	swait.ge [sflag:s6], $0x2800  }
0x68: {  	[sflag:s6] =	ssyncset.done $0x0  }
0x69: {  	[sflag:s6] =	ssyncadd.s32 $0xFFFFD800  }
0x6a: {  	[spmem:s3] =	stream.indirect.scatter.add.f32 [tilespmem:s25], [sflag:$0x4], $0x80, s23, s24, $0xb8;
	[tilespmem:$0x1E100] =	vst v63  }
0x6b: {  	_ =	swait.ge [sflag:s8], $0x2800  }
0x6c: {  	s18 =	rddreg [dreg:$0x11]  }
0x6d: {  	[sflag:s8] =	ssyncset.done $0x0;
	s17 =	sshrl.u32 s18, $0x3  }
0x6e: {  	[sflag:s8] =	ssyncadd.s32 $0xFFFFD800;
	s15 =	sadd.s32 s5, s17  }
0x6f: {  	[tilespmem:s23], [sflag:$0x7] =	stream.linear.gather [hbm4b:s15+s4], $0x50, $0x38;
	[tilespmem:$0x1E100] =	vst v63  }
0x70: {  	s19 =	simm.s32 $0xF0  }
0x71: {  	[tilespmem:s25], [sflag:$0x1] =	stream.indirect.gather [hbm4b:s1+s24], $0x80, s19, s24, $0xb8;
	[tilespmem:$0x1E100] =	vst v63  }
0x72: {  	_ =	swait.ge [sflag:s10], $0x50  }
0x73: {  	[sflag:s10] =	ssyncset.done $0x0  }
0x74: {  	[sflag:s10] =	ssyncadd.s32 $0xFFFFFFB0  }
0x75: {  	_ =	swait.ge [sflag:s11], $0x2800  }
0x76: {  	[sflag:s11] =	ssyncset.done $0x0  }
0x77: {  	[sflag:s11] =	ssyncadd.s32 $0xFFFFD800  }
0x78: {  	[spmem:s3] =	stream.indirect.scatter.add.f32 [tilespmem:s28], [sflag:$0x5], $0x80, s26, s24, $0xb8;
	[tilespmem:$0x1E100] =	vst v63  }
0x79: {  	_ =	swait.ge [sflag:s12], $0x2800  }
0x7a: {  	[sflag:s12] =	ssyncset.done $0x0  }
0x7b: {  	s17 =	rddreg [dreg:$0x10];
	[sflag:s12] =	ssyncadd.s32 $0xFFFFD800  }
0x7c: {  	[tilespmem:s26], [sflag:$0x8] =	stream.linear.gather [hbm4b:s17+s4], $0x50, $0x38;
	[tilespmem:$0x1E100] =	vst v63  }
0x7d: {  	s20 =	simm.s32 $0x140  }
0x7e: {  	[tilespmem:s28], [sflag:$0x2] =	stream.indirect.gather [hbm4b:s1+s24], $0x80, s20, s24, $0xb8;
	[tilespmem:$0x1E100] =	vst v63  }
0x7f: {  	_ =	swait.ge [sflag:s13], $0x50  }
0x80: {  	[sflag:s13] =	ssyncset.done $0x0  }
0x81: {  	[sflag:s13] =	ssyncadd.s32 $0xFFFFFFB0  }
0x82: {  	_ =	swait.ge [sflag:s7], $0x2800  }
0x83: {  	s16 =	sadd.s32 $0x1E, s21;
	s18 =	sadd.s32 $0xF0, s18;
	[sflag:s7] =	ssyncset.done $0x0  }
0x84: {  	s15 =	simm.s32 $0x3C0;
	s17 =	sadd.s32 $0x1E, s17;
	[sflag:s7] =	ssyncadd.s32 $0xFFFFD800  }
.LBB2_4:
0x85: {  	[spmem:s3] =	stream.indirect.scatter.add.f32 [tilespmem:s29], [sflag:$0x6], $0x80, s2, s24, $0xb8;
	[tilespmem:$0x1E100] =	vst v63  }
0x86: {  	s19 =	smov.u32 s15  }
0x87: {  	p0 =	sne.s32 s15, $0x9600;
	s15 =	sadd.s32 $0x3C0, s15;
	_ =	swait.ge [sflag:s31], $0x2800  }
0x88: {  	[sflag:s31] =	ssyncset.done $0x0  }
0x89: {  	s19 =	sshra.s32 s19, $0x2;
	[sflag:s31] =	ssyncadd.s32 $0xFFFFD800  }
0x8a: {  	[tilespmem:s2], [sflag:$0x9] =	stream.linear.gather [hbm4b:s16+s4], $0x50, $0x38;
	[tilespmem:$0x1E100] =	vst v63  }
0x8b: {  	s20 =	sadd.s32 $0xA0, s19  }
0x8c: {  	[tilespmem:s29], [sflag:$0x3] =	stream.indirect.gather [hbm4b:s1+s24], $0x80, s20, s24, $0xb8;
	[tilespmem:$0x1E100] =	vst v63  }
0x8d: {  	_ =	swait.ge [sflag:s0], $0x50  }
0x8e: {  	[sflag:s0] =	ssyncset.done $0x0  }
0x8f: {  	[sflag:s0] =	ssyncadd.s32 $0xFFFFFFB0  }
0x90: {  	_ =	swait.ge [sflag:s6], $0x2800  }
0x91: {  	[sflag:s6] =	ssyncset.done $0x0  }
0x92: {  	[sflag:s6] =	ssyncadd.s32 $0xFFFFD800  }
0x93: {  	[spmem:s3] =	stream.indirect.scatter.add.f32 [tilespmem:s25], [sflag:$0x4], $0x80, s23, s24, $0xb8;
	[tilespmem:$0x1E100] =	vst v63  }
0x94: {  	_ =	swait.ge [sflag:s8], $0x2800  }
0x95: {  	s20 =	sshrl.u32 s18, $0x3;
	[sflag:s8] =	ssyncset.done $0x0  }
0x96: {  	s20 =	sadd.s32 s5, s20;
	[sflag:s8] =	ssyncadd.s32 $0xFFFFD800  }
0x97: {  	[tilespmem:s23], [sflag:$0x7] =	stream.linear.gather [hbm4b:s20+s4], $0x50, $0x38;
	[tilespmem:$0x1E100] =	vst v63  }
0x98: {  	s20 =	sadd.s32 $0xF0, s19  }
0x99: {  	[tilespmem:s25], [sflag:$0x1] =	stream.indirect.gather [hbm4b:s1+s24], $0x80, s20, s24, $0xb8;
	[tilespmem:$0x1E100] =	vst v63  }
0x9a: {  	_ =	swait.ge [sflag:s10], $0x50  }
0x9b: {  	[sflag:s10] =	ssyncset.done $0x0  }
0x9c: {  	[sflag:s10] =	ssyncadd.s32 $0xFFFFFFB0  }
0x9d: {  	_ =	swait.ge [sflag:s11], $0x2800  }
0x9e: {  	[sflag:s11] =	ssyncset.done $0x0  }
0x9f: {  	[sflag:s11] =	ssyncadd.s32 $0xFFFFD800  }
0xa0: {  	[spmem:s3] =	stream.indirect.scatter.add.f32 [tilespmem:s28], [sflag:$0x5], $0x80, s26, s24, $0xb8;
	[tilespmem:$0x1E100] =	vst v63  }
0xa1: {  	_ =	swait.ge [sflag:s12], $0x2800  }
0xa2: {  	[sflag:s12] =	ssyncset.done $0x0  }
0xa3: {  	[sflag:s12] =	ssyncadd.s32 $0xFFFFD800  }
0xa4: {  	[tilespmem:s26], [sflag:$0x8] =	stream.linear.gather [hbm4b:s17+s4], $0x50, $0x38;
	[tilespmem:$0x1E100] =	vst v63  }
0xa5: {  	s19 =	sadd.s32 $0x140, s19  }
0xa6: {  	[tilespmem:s28], [sflag:$0x2] =	stream.indirect.gather [hbm4b:s1+s24], $0x80, s19, s24, $0xb8;
	[tilespmem:$0x1E100] =	vst v63  }
0xa7: {  	_ =	swait.ge [sflag:s13], $0x50  }
.Ltmp1:
0xa8: {  	[sflag:s13] =	ssyncset.done $0x0;
	(pc) =	sbr.rel @p0 .LBB2_4-.Ltmp1, $4  }
0xa9: {  	[sflag:s13] =	ssyncadd.s32 $0xFFFFFFB0  }
0xaa: {  	_ =	swait.ge [sflag:s7], $0x2800  }
0xab: {  	s16 =	sadd.s32 $0x1E, s16;
	[sflag:s7] =	ssyncset.done $0x0  }
0xac: {  	s18 =	sadd.s32 $0xF0, s18;
	s17 =	sadd.s32 $0x1E, s17;
	[sflag:s7] =	ssyncadd.s32 $0xFFFFD800  }
0xad: {  	[spmem:s3] =	stream.indirect.scatter.add.f32 [tilespmem:s29], [sflag:$0x6], $0x80, s2, s24, $0xb8;
	[tilespmem:$0x1E100] =	vst v63  }
0xae: {  	_ =	swait.ge [sflag:s0], $0x50  }
0xaf: {  	[sflag:s0] =	ssyncset.done $0x0  }
0xb0: {  	[sflag:s0] =	ssyncadd.s32 $0xFFFFFFB0  }
0xb1: {  	_ =	swait.ge [sflag:s6], $0x2800  }
0xb2: {  	[sflag:s6] =	ssyncset.done $0x0  }
0xb3: {  	[sflag:s6] =	ssyncadd.s32 $0xFFFFD800  }
0xb4: {  	[spmem:s3] =	stream.indirect.scatter.add.f32 [tilespmem:s25], [sflag:$0x4], $0x80, s23, s24, $0xb8;
	[tilespmem:$0x1E100] =	vst v63  }
0xb5: {  	_ =	swait.ge [sflag:s10], $0x50  }
0xb6: {  	[sflag:s10] =	ssyncset.done $0x0  }
0xb7: {  	[sflag:s10] =	ssyncadd.s32 $0xFFFFFFB0  }
0xb8: {  	_ =	swait.ge [sflag:s11], $0x2800  }
0xb9: {  	[sflag:s11] =	ssyncset.done $0x0  }
0xba: {  	[sflag:s11] =	ssyncadd.s32 $0xFFFFD800  }
0xbb: {  	[spmem:s3] =	stream.indirect.scatter.add.f32 [tilespmem:s28], [sflag:$0x5], $0x80, s26, s24, $0xb8;
	[tilespmem:$0x1E100] =	vst v63  }
0xbc: {  	_ =	swait.ge [sflag:s8], $0x2800  }
0xbd: {  	[sflag:s8] =	ssyncset.done $0x0  }
0xbe: {  	[sflag:s8] =	ssyncadd.s32 $0xFFFFD800  }
0xbf: {  	_ =	swait.ge [sflag:s12], $0x2800  }
0xc0: {  	[sflag:s12] =	ssyncset.done $0x0  }
0xc1: {  	[sflag:s12] =	ssyncadd.s32 $0xFFFFD800  }
0xc2: {  	_ =	swait.ge [sflag:s31], $0x2800  }
0xc3: {  	[sflag:s31] =	ssyncset.done $0x0  }
0xc4: {  	s15 =	stileid.u32;
	[sflag:s31] =	ssyncadd.s32 $0xFFFFD800  }
0xc5: {  	s15 =	sshll.u32 s15, $0x6;
	[bflag:$0x0] =	sbarrier.arrive $0xFFFF  }
0xc6: {  	s16 =	sshrl.u32 s9, $0x3;
	s15 =	sor.u32 $0x1C0B, s15;
	s17 =	rddreg [dreg:$0xe]  }
0xc7: {  	[hbm:s17], [sflag:s15] =	dma.local [spmem:s16], $0x2800  }
0xc8: {  	_ =	swait.ge [sflag:s22], $0x2800  }
0xc9: {  	s14 =	sadd.s32 $0x1, s14;
	s20 =	rddreg [dreg:$0xf]  }
0xca: {  	p0 =	sne.s32 s14, s20  }
.Ltmp2:
0xcb: {  	_ = 	snop;
	(pc) =	sbr.rel @p0 .LBB2_1-.Ltmp2, $3  }
0xcc: {  	_ =	sdelay $0x1  }
0xcd: {  	[sflag:s22] =	ssyncset.done $0x0  }
0xce: {  	[sflag:s22] =	ssyncadd.s32 $0xFFFFD800  }
0xcf: {  	_ =	sfence.sel $0x180000  }
0xd0: {  	[bflag:$0x0] =	sbarrier.arrive $0xFFFF  }
0xd1: {  	_ =	strace $0x90000047  }
0xd2: {  	s0 =	stileid.u32;
	[bflag:$0x2] =	sbarrier.arrive $0xFFFF  }
0xd3: {  	p0 =	sne.s32 s0, $0x0;
	s0 =	rddreg [dreg:$0x3]  }
0xd4: {  	s0 =	sadd.s32 @!p0 $0x100000, s0  }
0xd5: {  	[sflag:s0] =	ssyncadd.tile.s32 @!p0 $0x1;
	_ =	shalt  }
.Lfunc_end2:
_tile_overlayer_lowered:
.L_overlay_start_2:
0xd6: {  	(tag) =	ssettag $0x2  }
0xd7: {  	s0 =	rddreg [dreg:$0x0];
	s2 =	stileid.u32  }
0xd8: {  	s1 =	rddreg [dreg:$0x1];
	p0 =	sne.s32 s2, $0x0  }
0xd9: {  	s3 =	rddreg [dreg:$0x2];
	[bflag:$0x3] =	sbarrier.arrive $0xFFFF;
	s2 =	simm.s32 @!p0 $0x1C0B  }
0xda: {  	[timem:s3], [sflag:s2] =	dma.local @!p0 [hbm:s0], s1  }
0xdb: {  	s0 =	simm.s32 @!p0 $0xB  }
0xdc: {  	_ =	swait.ge @!p0 [sflag:s0], s1  }
0xdd: {  	s1 =	ssub.s32 @!p0 $0x0, s1;
	[sflag:s0] =	ssyncset.done @!p0 $0x0  }
0xde: {  	[sflag:s0] =	ssyncadd.s32 @!p0 s1  }
0xdf: {  	[bflag:$0x3] =	sbarrier.arrive $0xFFFF  }
0xe0: {  	_ =	shalt  }

</sc_bundles>
